<compile_context>
chip_gen: v7x
topology: tpu7x:2x2x1
jax: 0.10.2.dev20260603
libtpu: 0.0.44.dev20260713+nightly
codegen_flags: <defaults>
</compile_context>

<pallas_src>
import functools

import jax
import jax.numpy as jnp
from jax import lax
from jax.experimental import pallas as pl
from jax.experimental.pallas import tpu as pltpu
from jax.experimental.pallas import tpu_sc as plsc

NUM_NUMERIC = 13
NUM_CAT = 26
VOCAB = 100001
VPAD = 100008
WIDE = 128
EMB_DIM = 32
BATCH = 4096
TOTAL = BATCH * NUM_CAT
NC = 2
NS = 16
NW = NC * NS
CHUNK = TOTAL // NW
GCHUNK = 128
NG = CHUNK // GCHUNK

_F32 = jnp.float32
_HI = lax.Precision.HIGHEST


def _sc_gather(idx3d, table_w):
    mesh = plsc.VectorSubcoreMesh(core_axis_name="c", subcore_axis_name="s")

    @functools.partial(
        pl.kernel,
        out_type=jax.ShapeDtypeStruct((TOTAL, WIDE), _F32),
        mesh=mesh,
        scratch_types=[
            pltpu.VMEM((NG, GCHUNK), jnp.int32),
            pltpu.VMEM((2, GCHUNK, WIDE), _F32),
            pltpu.SemaphoreType.DMA,
        ],
    )
    def gather_kernel(idx_hbm, table_hbm, out_hbm, idx_v, buf_v, sem):
        wid = lax.axis_index("s") * NC + lax.axis_index("c")
        base = wid * CHUNK
        pltpu.sync_copy(idx_hbm.at[wid], idx_v)
        copies = []
        for j in range(NG):
            copies.append(pltpu.async_copy(
                table_hbm.at[idx_v.at[j]], buf_v.at[j % 2], sem))
            if j > 0:
                copies[j - 1].wait()
                pltpu.sync_copy(
                    buf_v.at[(j - 1) % 2],
                    out_hbm.at[pl.ds(base + (j - 1) * GCHUNK, GCHUNK)])
        copies[NG - 1].wait()
        pltpu.sync_copy(
            buf_v.at[(NG - 1) % 2],
            out_hbm.at[pl.ds(base + (NG - 1) * GCHUNK, GCHUNK)])

    return gather_kernel(idx3d, table_w)


BB = 512


def _layer1_body(num_ref, emb_ref, w1n, w1e, b1, h_ref):
    h_ref[...] = (
        jnp.dot(num_ref[...], w1n[...], preferred_element_type=_F32, precision=_HI)
        + jnp.dot(emb_ref[...], w1e[...], preferred_element_type=_F32, precision=_HI)
        + b1[...])


def _bn_relu(x, g, b):
    m = jnp.mean(x, axis=0, keepdims=True)
    v = jnp.mean((x - m) ** 2, axis=0, keepdims=True)
    return jnp.maximum((x - m) * (g * lax.rsqrt(v + 1e-5)) + b, 0.0)


def _mlp_body(h_ref, g1, be1, w2, b2, g2, be2,
              w3, b3, g3, be3, w4, b4, out_ref):
    h = _bn_relu(h_ref[...], g1[...], be1[...])
    h = _bn_relu(jnp.dot(h, w2[...], preferred_element_type=_F32, precision=_HI)
                 + b2[...], g2[...], be2[...])
    h = _bn_relu(jnp.dot(h, w3[...], preferred_element_type=_F32, precision=_HI)
                 + b3[...], g3[...], be3[...])
    out_ref[...] = jnp.sum(h * w4[...], axis=1, keepdims=True) + b4[...]


def kernel(numeric_x, categorical_x, emb_tables,
           W1, b1, g1, be1, W2, b2, g2, be2, W3, b3, g3, be3, W4, b4):
    cat = categorical_x.astype(jnp.int32)
    offs = (jnp.arange(NUM_CAT, dtype=jnp.int32) * VPAD)[None, :]
    idx3d = (cat + offs).reshape(NW, NG, GCHUNK)
    table_w = jnp.pad(
        emb_tables, ((0, 0), (0, VPAD - VOCAB), (0, WIDE - EMB_DIM))
    ).reshape(NUM_CAT * VPAD, WIDE)

    emb = _sc_gather(idx3d, table_w).reshape(BATCH, NUM_CAT * WIDE)

    w1e_w = jnp.pad(
        W1[NUM_NUMERIC:].reshape(NUM_CAT, EMB_DIM, 256),
        ((0, 0), (0, WIDE - EMB_DIM), (0, 0)),
    ).reshape(NUM_CAT * WIDE, 256)

    h1 = pl.pallas_call(
        _layer1_body,
        grid=(BATCH // BB,),
        in_specs=[
            pl.BlockSpec((BB, NUM_NUMERIC), lambda i: (i, 0)),
            pl.BlockSpec((BB, NUM_CAT * WIDE), lambda i: (i, 0)),
            pl.BlockSpec((NUM_NUMERIC, 256), lambda i: (0, 0)),
            pl.BlockSpec((NUM_CAT * WIDE, 256), lambda i: (0, 0)),
            pl.BlockSpec((1, 256), lambda i: (0, 0)),
        ],
        out_specs=pl.BlockSpec((BB, 256), lambda i: (i, 0)),
        out_shape=jax.ShapeDtypeStruct((BATCH, 256), _F32),
    )(numeric_x, emb, W1[:NUM_NUMERIC], w1e_w, b1.reshape(1, -1))

    out = pl.pallas_call(
        _mlp_body,
        out_shape=jax.ShapeDtypeStruct((BATCH, 1), _F32),
    )(h1,
      g1.reshape(1, -1), be1.reshape(1, -1),
      W2, b2.reshape(1, -1), g2.reshape(1, -1), be2.reshape(1, -1),
      W3, b3.reshape(1, -1), g3.reshape(1, -1), be3.reshape(1, -1),
      W4.reshape(1, -1), b4.reshape(1, -1))
    return jnp.squeeze(out, axis=-1)

# --- scband reference (transcript-rebuilt; emitter-appended) ---
"""Pipeline reference for scband-spotify-embedding-mlp-29291676958971 (READ-ONLY COPY).

The authoritative reference and input builder live on the scoring server;
editing this copy changes nothing except your own understanding.
"""

import jax, jax.numpy as jnp
import numpy as np

NUM_NUMERIC = 13
NUM_CAT = 26
VOCAB = 100001  # len(categorical_map) + 1 per torch module
EMB_DIM = 32
BATCH = 4096
IN_DIM = NUM_NUMERIC + NUM_CAT * EMB_DIM  # 845


def setup_inputs(seed: int = 0) -> dict:
    key = jax.random.key(seed)
    ks = [jax.random.fold_in(key, i) for i in range(64)]
    inp = {}
    inp['numeric_x'] = jax.random.normal(ks[0], (BATCH, NUM_NUMERIC), dtype=jnp.float32)
    inp['categorical_x'] = jax.random.randint(ks[1], (BATCH, NUM_CAT), 0, 100000)
    inp['emb_tables'] = jax.random.normal(ks[2], (NUM_CAT, VOCAB, EMB_DIM), dtype=jnp.float32) * 0.05
    dims = [IN_DIM, 256, 128, 64]
    ki = 3
    for i in range(3):
        din, dout = dims[i], dims[i + 1]
        inp[f'W{i+1}'] = jax.random.normal(ks[ki], (din, dout), dtype=jnp.float32) / np.sqrt(din); ki += 1
        inp[f'b{i+1}'] = jnp.zeros((dout,), dtype=jnp.float32)
        inp[f'g{i+1}'] = jnp.ones((dout,), dtype=jnp.float32)
        inp[f'be{i+1}'] = jnp.zeros((dout,), dtype=jnp.float32)
    inp['W4'] = jax.random.normal(ks[ki], (64, 1), dtype=jnp.float32) / np.sqrt(64.0)
    inp['b4'] = jnp.zeros((1,), dtype=jnp.float32)
    return inp


def _bn(x, g, b):
    # BatchNorm1d in training mode: batch statistics, biased variance, eps=1e-5
    m = jnp.mean(x, axis=0, keepdims=True)
    v = jnp.var(x, axis=0, keepdims=True)
    return (x - m) / jnp.sqrt(v + 1e-5) * g + b


def reference(numeric_x, categorical_x, emb_tables,
              W1, b1, g1, be1, W2, b2, g2, be2, W3, b3, g3, be3, W4, b4):
    cols = jnp.arange(NUM_CAT)
    # per-field embedding lookup: [B, 26] indices into [26, V, D] stacked tables
    emb = emb_tables[cols[None, :], categorical_x]  # [B, 26, 32]
    feats = jnp.concatenate([numeric_x, emb.reshape(emb.shape[0], -1)], axis=1)  # [B, 845]
    h = jax.nn.relu(_bn(feats @ W1 + b1, g1, be1))
    h = jax.nn.relu(_bn(h @ W2 + b2, g2, be2))
    h = jax.nn.relu(_bn(h @ W3 + b3, g3, be3))
    out = (h @ W4 + b4)
    return jnp.squeeze(out, axis=-1)

if __name__ == "__main__":
    import jax
    _d = setup_inputs()
    print(jax.jit(kernel)(*tuple(_d.values())))

</pallas_src>

<mosaic_0001>
#map = affine_map<(d0, d1) -> (0, 0, 0)>
#map1 = affine_map<(d0, d1) -> (0, 0)>
module attributes {stable_mosaic.version = 14 : i64} {
  func.func @gather_kernel(%arg0: i32, %arg1: i32, %arg2: memref<32x26x128xi32, #tpu.memory_space<hbm>>, %arg3: memref<2600208x128xf32, #tpu.memory_space<hbm>>, %arg4: memref<106496x128xf32, #tpu.memory_space<hbm>>, %arg5: memref<26x128xi32, #tpu.memory_space<vmem>>, %arg6: memref<2x128x128xf32, #tpu.memory_space<vmem>>, %arg7: memref<!tpu.dma_semaphore, #tpu.memory_space<semaphore_mem>>) attributes {dimension_semantics = [#tpu.dimension_semantics<core_parallel>, #tpu.dimension_semantics<subcore_parallel>], iteration_bounds = array<i64: 2, 16>, scalar_prefetch = 0 : i64, scratch_operands = 3 : i64, tpu.core_type = #tpu.core_type<sc_vector_subcore>, window_params = [{transform_indices = #map}, {transform_indices = #map1}, {transform_indices = #map1}]} {
    %mul3A = arith.constant 2 : i32
    %mul3A_0 = arith.muli %arg1, %mul3A : i32
    %add3A = arith.addi %mul3A_0, %arg0 : i32
    %mul3A_1 = arith.constant 3328 : i32
    %mul3A_2 = arith.muli %add3A, %mul3A_1 : i32
    "tpu.region"() ({
      %run_scoped3A_702 = tpu.sem_alloc : memref<!tpu.dma_semaphore, #tpu.memory_space<semaphore_mem>>
      %dma_start3A_703 = arith.constant 0 : i32
      %dma_start3A_704 = arith.constant 0 : i32
      %dma_start3A_705 = tpu.memref_slice %arg2[%add3A, %dma_start3A_703, %dma_start3A_704] : memref<32x26x128xi32, #tpu.memory_space<hbm>> -> memref<1x26x128xi32, #tpu.memory_space<hbm>>
      %dma_start3A_706 = tpu.memref_squeeze %dma_start3A_705 : memref<1x26x128xi32, #tpu.memory_space<hbm>> -> memref<26x128xi32, #tpu.memory_space<hbm>>
      %dma_start3A_707 = arith.constant 0 : i32
      %dma_start3A_708 = arith.constant 0 : i32
      %dma_start3A_709 = tpu.memref_slice %arg2[%add3A, %dma_start3A_707, %dma_start3A_708] : memref<32x26x128xi32, #tpu.memory_space<hbm>> -> memref<1x26x128xi32, #tpu.memory_space<hbm>>
      %dma_start3A_710 = tpu.memref_squeeze %dma_start3A_709 : memref<1x26x128xi32, #tpu.memory_space<hbm>> -> memref<26x128xi32, #tpu.memory_space<hbm>>
      tpu.enqueue_dma source(%dma_start3A_710 : memref<26x128xi32, #tpu.memory_space<hbm>>) target(%arg5 : memref<26x128xi32, #tpu.memory_space<vmem>>) target_semaphore(%run_scoped3A_702 : memref<!tpu.dma_semaphore, #tpu.memory_space<semaphore_mem>>)
      %dma_wait3A_711 = arith.constant 0 : i32
      %dma_wait3A_712 = arith.constant 0 : i32
      %dma_wait3A_713 = tpu.memref_slice %arg2[%add3A, %dma_wait3A_711, %dma_wait3A_712] : memref<32x26x128xi32, #tpu.memory_space<hbm>> -> memref<1x26x128xi32, #tpu.memory_space<hbm>>
      %dma_wait3A_714 = tpu.memref_squeeze %dma_wait3A_713 : memref<1x26x128xi32, #tpu.memory_space<hbm>> -> memref<26x128xi32, #tpu.memory_space<hbm>>
      %dma_wait3A_715 = arith.constant 0 : i32
      %dma_wait3A_716 = arith.constant 0 : i32
      %dma_wait3A_717 = tpu.memref_slice %arg2[%add3A, %dma_wait3A_715, %dma_wait3A_716] : memref<32x26x128xi32, #tpu.memory_space<hbm>> -> memref<1x26x128xi32, #tpu.memory_space<hbm>>
      %dma_wait3A_718 = tpu.memref_squeeze %dma_wait3A_717 : memref<1x26x128xi32, #tpu.memory_space<hbm>> -> memref<26x128xi32, #tpu.memory_space<hbm>>
      tpu.wait_dma2 semaphore(%run_scoped3A_702 : memref<!tpu.dma_semaphore, #tpu.memory_space<semaphore_mem>>) src(%dma_wait3A_718 : memref<26x128xi32, #tpu.memory_space<hbm>>) dst(%arg5 : memref<26x128xi32, #tpu.memory_space<vmem>>)
      tpu.yield
    }) : () -> ()
    %dma_start3A = arith.constant 0 : i32
    %dma_start3A_3 = arith.constant 0 : i32
    %dma_start3A_4 = arith.constant 0 : i32
    %dma_start3A_5 = arith.constant 0 : i32
    %dma_start3A_6 = tpu.memref_slice %arg6[%dma_start3A_3, %dma_start3A_4, %dma_start3A_5] : memref<2x128x128xf32, #tpu.memory_space<vmem>> -> memref<1x128x128xf32, #tpu.memory_space<vmem>>
    %dma_start3A_7 = tpu.memref_squeeze %dma_start3A_6 : memref<1x128x128xf32, #tpu.memory_space<vmem>> -> memref<128x128xf32, #tpu.memory_space<vmem>>
    %dma_start3A_8 = arith.constant 0 : i32
    %dma_start3A_9 = tpu.memref_slice %arg5[%dma_start3A, %dma_start3A_8] : memref<26x128xi32, #tpu.memory_space<vmem>> -> memref<1x128xi32, #tpu.memory_space<vmem>>
    %dma_start3A_10 = tpu.memref_squeeze %dma_start3A_9 : memref<1x128xi32, #tpu.memory_space<vmem>> -> memref<128xi32, #tpu.memory_space<vmem>>
    %dma_start3A_11 = arith.constant 0 : i32
    %dma_start3A_12 = arith.constant 0 : i32
    %dma_start3A_13 = tpu.memref_slice %arg3[%dma_start3A_11, %dma_start3A_12] : memref<2600208x128xf32, #tpu.memory_space<hbm>> -> memref<2600208x128xf32, #tpu.memory_space<hbm>>
    tpu.enqueue_indirect_dma source(%dma_start3A_13 : memref<2600208x128xf32, #tpu.memory_space<hbm>>) target(%dma_start3A_7 : memref<128x128xf32, #tpu.memory_space<vmem>>) offsets(%dma_start3A_10 : memref<128xi32, #tpu.memory_space<vmem>>) semaphore(%arg7 : memref<!tpu.dma_semaphore, #tpu.memory_space<semaphore_mem>>)
    %dma_start3A_14 = arith.constant 1 : i32
    %dma_start3A_15 = arith.constant 1 : i32
    %dma_start3A_16 = arith.constant 0 : i32
    %dma_start3A_17 = arith.constant 0 : i32
    %dma_start3A_18 = tpu.memref_slice %arg6[%dma_start3A_15, %dma_start3A_16, %dma_start3A_17] : memref<2x128x128xf32, #tpu.memory_space<vmem>> -> memref<1x128x128xf32, #tpu.memory_space<vmem>>
    %dma_start3A_19 = tpu.memref_squeeze %dma_start3A_18 : memref<1x128x128xf32, #tpu.memory_space<vmem>> -> memref<128x128xf32, #tpu.memory_space<vmem>>
    %dma_start3A_20 = arith.constant 0 : i32
    %dma_start3A_21 = tpu.memref_slice %arg5[%dma_start3A_14, %dma_start3A_20] : memref<26x128xi32, #tpu.memory_space<vmem>> -> memref<1x128xi32, #tpu.memory_space<vmem>>
    %dma_start3A_22 = tpu.memref_squeeze %dma_start3A_21 : memref<1x128xi32, #tpu.memory_space<vmem>> -> memref<128xi32, #tpu.memory_space<vmem>>
    %dma_start3A_23 = arith.constant 0 : i32
    %dma_start3A_24 = arith.constant 0 : i32
    %dma_start3A_25 = tpu.memref_slice %arg3[%dma_start3A_23, %dma_start3A_24] : memref<2600208x128xf32, #tpu.memory_space<hbm>> -> memref<2600208x128xf32, #tpu.memory_space<hbm>>
    tpu.enqueue_indirect_dma source(%dma_start3A_25 : memref<2600208x128xf32, #tpu.memory_space<hbm>>) target(%dma_start3A_19 : memref<128x128xf32, #tpu.memory_space<vmem>>) offsets(%dma_start3A_22 : memref<128xi32, #tpu.memory_space<vmem>>) semaphore(%arg7 : memref<!tpu.dma_semaphore, #tpu.memory_space<semaphore_mem>>)
    %dma_wait3A = arith.constant 0 : i32
    %dma_wait3A_26 = arith.constant 0 : i32
    %dma_wait3A_27 = arith.constant 0 : i32
    %dma_wait3A_28 = arith.constant 0 : i32
    %dma_wait3A_29 = tpu.memref_slice %arg6[%dma_wait3A_26, %dma_wait3A_27, %dma_wait3A_28] : memref<2x128x128xf32, #tpu.memory_space<vmem>> -> memref<1x128x128xf32, #tpu.memory_space<vmem>>
    %dma_wait3A_30 = tpu.memref_squeeze %dma_wait3A_29 : memref<1x128x128xf32, #tpu.memory_space<vmem>> -> memref<128x128xf32, #tpu.memory_space<vmem>>
    %dma_wait3A_31 = arith.constant 0 : i32
    %dma_wait3A_32 = tpu.memref_slice %arg5[%dma_wait3A, %dma_wait3A_31] : memref<26x128xi32, #tpu.memory_space<vmem>> -> memref<1x128xi32, #tpu.memory_space<vmem>>
    %dma_wait3A_33 = tpu.memref_squeeze %dma_wait3A_32 : memref<1x128xi32, #tpu.memory_space<vmem>> -> memref<128xi32, #tpu.memory_space<vmem>>
    %dma_wait3A_34 = arith.constant 0 : i32
    %dma_wait3A_35 = arith.constant 0 : i32
    %dma_wait3A_36 = tpu.memref_slice %arg3[%dma_wait3A_34, %dma_wait3A_35] : memref<2600208x128xf32, #tpu.memory_space<hbm>> -> memref<2600208x128xf32, #tpu.memory_space<hbm>>
    tpu.wait_indirect_dma semaphore(%arg7 : memref<!tpu.dma_semaphore, #tpu.memory_space<semaphore_mem>>) src(%dma_wait3A_36 : memref<2600208x128xf32, #tpu.memory_space<hbm>>) dst(%dma_wait3A_30 : memref<128x128xf32, #tpu.memory_space<vmem>>)
    %add3A_37 = arith.constant 0 : i32
    %add3A_38 = arith.addi %mul3A_2, %add3A_37 : i32
    %run_scoped3A = arith.constant 0 : i32
    "tpu.region"() ({
      %run_scoped3A_702 = tpu.sem_alloc : memref<!tpu.dma_semaphore, #tpu.memory_space<semaphore_mem>>
      %dma_start3A_703 = arith.constant 0 : i32
      %dma_start3A_704 = arith.constant 0 : i32
      %dma_start3A_705 = tpu.memref_slice %arg6[%run_scoped3A, %dma_start3A_703, %dma_start3A_704] : memref<2x128x128xf32, #tpu.memory_space<vmem>> -> memref<1x128x128xf32, #tpu.memory_space<vmem>>
      %dma_start3A_706 = tpu.memref_squeeze %dma_start3A_705 : memref<1x128x128xf32, #tpu.memory_space<vmem>> -> memref<128x128xf32, #tpu.memory_space<vmem>>
      %dma_start3A_707 = arith.constant 0 : i32
      %dma_start3A_708 = tpu.memref_slice %arg4[%add3A_38, %dma_start3A_707] : memref<106496x128xf32, #tpu.memory_space<hbm>> -> memref<128x128xf32, #tpu.memory_space<hbm>>
      %dma_start3A_709 = arith.constant 0 : i32
      %dma_start3A_710 = tpu.memref_slice %arg4[%add3A_38, %dma_start3A_709] : memref<106496x128xf32, #tpu.memory_space<hbm>> -> memref<128x128xf32, #tpu.memory_space<hbm>>
      %dma_start3A_711 = arith.constant 0 : i32
      %dma_start3A_712 = arith.constant 0 : i32
      %dma_start3A_713 = tpu.memref_slice %arg6[%run_scoped3A, %dma_start3A_711, %dma_start3A_712] : memref<2x128x128xf32, #tpu.memory_space<vmem>> -> memref<1x128x128xf32, #tpu.memory_space<vmem>>
      %dma_start3A_714 = tpu.memref_squeeze %dma_start3A_713 : memref<1x128x128xf32, #tpu.memory_space<vmem>> -> memref<128x128xf32, #tpu.memory_space<vmem>>
      tpu.enqueue_dma source(%dma_start3A_714 : memref<128x128xf32, #tpu.memory_space<vmem>>) target(%dma_start3A_710 : memref<128x128xf32, #tpu.memory_space<hbm>>) target_semaphore(%run_scoped3A_702 : memref<!tpu.dma_semaphore, #tpu.memory_space<semaphore_mem>>)
      %dma_wait3A_715 = arith.constant 0 : i32
      %dma_wait3A_716 = arith.constant 0 : i32
      %dma_wait3A_717 = tpu.memref_slice %arg6[%run_scoped3A, %dma_wait3A_715, %dma_wait3A_716] : memref<2x128x128xf32, #tpu.memory_space<vmem>> -> memref<1x128x128xf32, #tpu.memory_space<vmem>>
      %dma_wait3A_718 = tpu.memref_squeeze %dma_wait3A_717 : memref<1x128x128xf32, #tpu.memory_space<vmem>> -> memref<128x128xf32, #tpu.memory_space<vmem>>
      %dma_wait3A_719 = arith.constant 0 : i32
      %dma_wait3A_720 = tpu.memref_slice %arg4[%add3A_38, %dma_wait3A_719] : memref<106496x128xf32, #tpu.memory_space<hbm>> -> memref<128x128xf32, #tpu.memory_space<hbm>>
      %dma_wait3A_721 = arith.constant 0 : i32
      %dma_wait3A_722 = tpu.memref_slice %arg4[%add3A_38, %dma_wait3A_721] : memref<106496x128xf32, #tpu.memory_space<hbm>> -> memref<128x128xf32, #tpu.memory_space<hbm>>
      %dma_wait3A_723 = arith.constant 0 : i32
      %dma_wait3A_724 = arith.constant 0 : i32
      %dma_wait3A_725 = tpu.memref_slice %arg6[%run_scoped3A, %dma_wait3A_723, %dma_wait3A_724] : memref<2x128x128xf32, #tpu.memory_space<vmem>> -> memref<1x128x128xf32, #tpu.memory_space<vmem>>
      %dma_wait3A_726 = tpu.memref_squeeze %dma_wait3A_725 : memref<1x128x128xf32, #tpu.memory_space<vmem>> -> memref<128x128xf32, #tpu.memory_space<vmem>>
      tpu.wait_dma2 semaphore(%run_scoped3A_702 : memref<!tpu.dma_semaphore, #tpu.memory_space<semaphore_mem>>) src(%dma_wait3A_726 : memref<128x128xf32, #tpu.memory_space<vmem>>) dst(%dma_wait3A_722 : memref<128x128xf32, #tpu.memory_space<hbm>>)
      tpu.yield
    }) : () -> ()
    %dma_start3A_39 = arith.constant 2 : i32
    %dma_start3A_40 = arith.constant 0 : i32
    %dma_start3A_41 = arith.constant 0 : i32
    %dma_start3A_42 = arith.constant 0 : i32
    %dma_start3A_43 = tpu.memref_slice %arg6[%dma_start3A_40, %dma_start3A_41, %dma_start3A_42] : memref<2x128x128xf32, #tpu.memory_space<vmem>> -> memref<1x128x128xf32, #tpu.memory_space<vmem>>
    %dma_start3A_44 = tpu.memref_squeeze %dma_start3A_43 : memref<1x128x128xf32, #tpu.memory_space<vmem>> -> memref<128x128xf32, #tpu.memory_space<vmem>>
    %dma_start3A_45 = arith.constant 0 : i32
    %dma_start3A_46 = tpu.memref_slice %arg5[%dma_start3A_39, %dma_start3A_45] : memref<26x128xi32, #tpu.memory_space<vmem>> -> memref<1x128xi32, #tpu.memory_space<vmem>>
    %dma_start3A_47 = tpu.memref_squeeze %dma_start3A_46 : memref<1x128xi32, #tpu.memory_space<vmem>> -> memref<128xi32, #tpu.memory_space<vmem>>
    %dma_start3A_48 = arith.constant 0 : i32
    %dma_start3A_49 = arith.constant 0 : i32
    %dma_start3A_50 = tpu.memref_slice %arg3[%dma_start3A_48, %dma_start3A_49] : memref<2600208x128xf32, #tpu.memory_space<hbm>> -> memref<2600208x128xf32, #tpu.memory_space<hbm>>
    tpu.enqueue_indirect_dma source(%dma_start3A_50 : memref<2600208x128xf32, #tpu.memory_space<hbm>>) target(%dma_start3A_44 : memref<128x128xf32, #tpu.memory_space<vmem>>) offsets(%dma_start3A_47 : memref<128xi32, #tpu.memory_space<vmem>>) semaphore(%arg7 : memref<!tpu.dma_semaphore, #tpu.memory_space<semaphore_mem>>)
    %dma_wait3A_51 = arith.constant 1 : i32
    %dma_wait3A_52 = arith.constant 1 : i32
    %dma_wait3A_53 = arith.constant 0 : i32
    %dma_wait3A_54 = arith.constant 0 : i32
    %dma_wait3A_55 = tpu.memref_slice %arg6[%dma_wait3A_52, %dma_wait3A_53, %dma_wait3A_54] : memref<2x128x128xf32, #tpu.memory_space<vmem>> -> memref<1x128x128xf32, #tpu.memory_space<vmem>>
    %dma_wait3A_56 = tpu.memref_squeeze %dma_wait3A_55 : memref<1x128x128xf32, #tpu.memory_space<vmem>> -> memref<128x128xf32, #tpu.memory_space<vmem>>
    %dma_wait3A_57 = arith.constant 0 : i32
    %dma_wait3A_58 = tpu.memref_slice %arg5[%dma_wait3A_51, %dma_wait3A_57] : memref<26x128xi32, #tpu.memory_space<vmem>> -> memref<1x128xi32, #tpu.memory_space<vmem>>
    %dma_wait3A_59 = tpu.memref_squeeze %dma_wait3A_58 : memref<1x128xi32, #tpu.memory_space<vmem>> -> memref<128xi32, #tpu.memory_space<vmem>>
    %dma_wait3A_60 = arith.constant 0 : i32
    %dma_wait3A_61 = arith.constant 0 : i32
    %dma_wait3A_62 = tpu.memref_slice %arg3[%dma_wait3A_60, %dma_wait3A_61] : memref<2600208x128xf32, #tpu.memory_space<hbm>> -> memref<2600208x128xf32, #tpu.memory_space<hbm>>
    tpu.wait_indirect_dma semaphore(%arg7 : memref<!tpu.dma_semaphore, #tpu.memory_space<semaphore_mem>>) src(%dma_wait3A_62 : memref<2600208x128xf32, #tpu.memory_space<hbm>>) dst(%dma_wait3A_56 : memref<128x128xf32, #tpu.memory_space<vmem>>)
    %add3A_63 = arith.constant 128 : i32
    %add3A_64 = arith.addi %mul3A_2, %add3A_63 : i32
    %run_scoped3A_65 = arith.constant 1 : i32
    "tpu.region"() ({
      %run_scoped3A_702 = tpu.sem_alloc : memref<!tpu.dma_semaphore, #tpu.memory_space<semaphore_mem>>
      %dma_start3A_703 = arith.constant 0 : i32
      %dma_start3A_704 = arith.constant 0 : i32
      %dma_start3A_705 = tpu.memref_slice %arg6[%run_scoped3A_65, %dma_start3A_703, %dma_start3A_704] : memref<2x128x128xf32, #tpu.memory_space<vmem>> -> memref<1x128x128xf32, #tpu.memory_space<vmem>>
      %dma_start3A_706 = tpu.memref_squeeze %dma_start3A_705 : memref<1x128x128xf32, #tpu.memory_space<vmem>> -> memref<128x128xf32, #tpu.memory_space<vmem>>
      %dma_start3A_707 = arith.constant 0 : i32
      %dma_start3A_708 = tpu.memref_slice %arg4[%add3A_64, %dma_start3A_707] : memref<106496x128xf32, #tpu.memory_space<hbm>> -> memref<128x128xf32, #tpu.memory_space<hbm>>
      %dma_start3A_709 = arith.constant 0 : i32
      %dma_start3A_710 = tpu.memref_slice %arg4[%add3A_64, %dma_start3A_709] : memref<106496x128xf32, #tpu.memory_space<hbm>> -> memref<128x128xf32, #tpu.memory_space<hbm>>
      %dma_start3A_711 = arith.constant 0 : i32
      %dma_start3A_712 = arith.constant 0 : i32
      %dma_start3A_713 = tpu.memref_slice %arg6[%run_scoped3A_65, %dma_start3A_711, %dma_start3A_712] : memref<2x128x128xf32, #tpu.memory_space<vmem>> -> memref<1x128x128xf32, #tpu.memory_space<vmem>>
      %dma_start3A_714 = tpu.memref_squeeze %dma_start3A_713 : memref<1x128x128xf32, #tpu.memory_space<vmem>> -> memref<128x128xf32, #tpu.memory_space<vmem>>
      tpu.enqueue_dma source(%dma_start3A_714 : memref<128x128xf32, #tpu.memory_space<vmem>>) target(%dma_start3A_710 : memref<128x128xf32, #tpu.memory_space<hbm>>) target_semaphore(%run_scoped3A_702 : memref<!tpu.dma_semaphore, #tpu.memory_space<semaphore_mem>>)
      %dma_wait3A_715 = arith.constant 0 : i32
      %dma_wait3A_716 = arith.constant 0 : i32
      %dma_wait3A_717 = tpu.memref_slice %arg6[%run_scoped3A_65, %dma_wait3A_715, %dma_wait3A_716] : memref<2x128x128xf32, #tpu.memory_space<vmem>> -> memref<1x128x128xf32, #tpu.memory_space<vmem>>
      %dma_wait3A_718 = tpu.memref_squeeze %dma_wait3A_717 : memref<1x128x128xf32, #tpu.memory_space<vmem>> -> memref<128x128xf32, #tpu.memory_space<vmem>>
      %dma_wait3A_719 = arith.constant 0 : i32
      %dma_wait3A_720 = tpu.memref_slice %arg4[%add3A_64, %dma_wait3A_719] : memref<106496x128xf32, #tpu.memory_space<hbm>> -> memref<128x128xf32, #tpu.memory_space<hbm>>
      %dma_wait3A_721 = arith.constant 0 : i32
      %dma_wait3A_722 = tpu.memref_slice %arg4[%add3A_64, %dma_wait3A_721] : memref<106496x128xf32, #tpu.memory_space<hbm>> -> memref<128x128xf32, #tpu.memory_space<hbm>>
      %dma_wait3A_723 = arith.constant 0 : i32
      %dma_wait3A_724 = arith.constant 0 : i32
      %dma_wait3A_725 = tpu.memref_slice %arg6[%run_scoped3A_65, %dma_wait3A_723, %dma_wait3A_724] : memref<2x128x128xf32, #tpu.memory_space<vmem>> -> memref<1x128x128xf32, #tpu.memory_space<vmem>>
      %dma_wait3A_726 = tpu.memref_squeeze %dma_wait3A_725 : memref<1x128x128xf32, #tpu.memory_space<vmem>> -> memref<128x128xf32, #tpu.memory_space<vmem>>
      tpu.wait_dma2 semaphore(%run_scoped3A_702 : memref<!tpu.dma_semaphore, #tpu.memory_space<semaphore_mem>>) src(%dma_wait3A_726 : memref<128x128xf32, #tpu.memory_space<vmem>>) dst(%dma_wait3A_722 : memref<128x128xf32, #tpu.memory_space<hbm>>)
      tpu.yield
    }) : () -> ()
    %dma_start3A_66 = arith.constant 3 : i32
    %dma_start3A_67 = arith.constant 1 : i32
    %dma_start3A_68 = arith.constant 0 : i32
    %dma_start3A_69 = arith.constant 0 : i32
    %dma_start3A_70 = tpu.memref_slice %arg6[%dma_start3A_67, %dma_start3A_68, %dma_start3A_69] : memref<2x128x128xf32, #tpu.memory_space<vmem>> -> memref<1x128x128xf32, #tpu.memory_space<vmem>>
    %dma_start3A_71 = tpu.memref_squeeze %dma_start3A_70 : memref<1x128x128xf32, #tpu.memory_space<vmem>> -> memref<128x128xf32, #tpu.memory_space<vmem>>
    %dma_start3A_72 = arith.constant 0 : i32
    %dma_start3A_73 = tpu.memref_slice %arg5[%dma_start3A_66, %dma_start3A_72] : memref<26x128xi32, #tpu.memory_space<vmem>> -> memref<1x128xi32, #tpu.memory_space<vmem>>
    %dma_start3A_74 = tpu.memref_squeeze %dma_start3A_73 : memref<1x128xi32, #tpu.memory_space<vmem>> -> memref<128xi32, #tpu.memory_space<vmem>>
    %dma_start3A_75 = arith.constant 0 : i32
    %dma_start3A_76 = arith.constant 0 : i32
    %dma_start3A_77 = tpu.memref_slice %arg3[%dma_start3A_75, %dma_start3A_76] : memref<2600208x128xf32, #tpu.memory_space<hbm>> -> memref<2600208x128xf32, #tpu.memory_space<hbm>>
    tpu.enqueue_indirect_dma source(%dma_start3A_77 : memref<2600208x128xf32, #tpu.memory_space<hbm>>) target(%dma_start3A_71 : memref<128x128xf32, #tpu.memory_space<vmem>>) offsets(%dma_start3A_74 : memref<128xi32, #tpu.memory_space<vmem>>) semaphore(%arg7 : memref<!tpu.dma_semaphore, #tpu.memory_space<semaphore_mem>>)
    %dma_wait3A_78 = arith.constant 2 : i32
    %dma_wait3A_79 = arith.constant 0 : i32
    %dma_wait3A_80 = arith.constant 0 : i32
    %dma_wait3A_81 = arith.constant 0 : i32
    %dma_wait3A_82 = tpu.memref_slice %arg6[%dma_wait3A_79, %dma_wait3A_80, %dma_wait3A_81] : memref<2x128x128xf32, #tpu.memory_space<vmem>> -> memref<1x128x128xf32, #tpu.memory_space<vmem>>
    %dma_wait3A_83 = tpu.memref_squeeze %dma_wait3A_82 : memref<1x128x128xf32, #tpu.memory_space<vmem>> -> memref<128x128xf32, #tpu.memory_space<vmem>>
    %dma_wait3A_84 = arith.constant 0 : i32
    %dma_wait3A_85 = tpu.memref_slice %arg5[%dma_wait3A_78, %dma_wait3A_84] : memref<26x128xi32, #tpu.memory_space<vmem>> -> memref<1x128xi32, #tpu.memory_space<vmem>>
    %dma_wait3A_86 = tpu.memref_squeeze %dma_wait3A_85 : memref<1x128xi32, #tpu.memory_space<vmem>> -> memref<128xi32, #tpu.memory_space<vmem>>
    %dma_wait3A_87 = arith.constant 0 : i32
    %dma_wait3A_88 = arith.constant 0 : i32
    %dma_wait3A_89 = tpu.memref_slice %arg3[%dma_wait3A_87, %dma_wait3A_88] : memref<2600208x128xf32, #tpu.memory_space<hbm>> -> memref<2600208x128xf32, #tpu.memory_space<hbm>>
    tpu.wait_indirect_dma semaphore(%arg7 : memref<!tpu.dma_semaphore, #tpu.memory_space<semaphore_mem>>) src(%dma_wait3A_89 : memref<2600208x128xf32, #tpu.memory_space<hbm>>) dst(%dma_wait3A_83 : memref<128x128xf32, #tpu.memory_space<vmem>>)
    %add3A_90 = arith.constant 256 : i32
    %add3A_91 = arith.addi %mul3A_2, %add3A_90 : i32
    %run_scoped3A_92 = arith.constant 0 : i32
    "tpu.region"() ({
      %run_scoped3A_702 = tpu.sem_alloc : memref<!tpu.dma_semaphore, #tpu.memory_space<semaphore_mem>>
      %dma_start3A_703 = arith.constant 0 : i32
      %dma_start3A_704 = arith.constant 0 : i32
      %dma_start3A_705 = tpu.memref_slice %arg6[%run_scoped3A_92, %dma_start3A_703, %dma_start3A_704] : memref<2x128x128xf32, #tpu.memory_space<vmem>> -> memref<1x128x128xf32, #tpu.memory_space<vmem>>
      %dma_start3A_706 = tpu.memref_squeeze %dma_start3A_705 : memref<1x128x128xf32, #tpu.memory_space<vmem>> -> memref<128x128xf32, #tpu.memory_space<vmem>>
      %dma_start3A_707 = arith.constant 0 : i32
      %dma_start3A_708 = tpu.memref_slice %arg4[%add3A_91, %dma_start3A_707] : memref<106496x128xf32, #tpu.memory_space<hbm>> -> memref<128x128xf32, #tpu.memory_space<hbm>>
      %dma_start3A_709 = arith.constant 0 : i32
      %dma_start3A_710 = tpu.memref_slice %arg4[%add3A_91, %dma_start3A_709] : memref<106496x128xf32, #tpu.memory_space<hbm>> -> memref<128x128xf32, #tpu.memory_space<hbm>>
      %dma_start3A_711 = arith.constant 0 : i32
      %dma_start3A_712 = arith.constant 0 : i32
      %dma_start3A_713 = tpu.memref_slice %arg6[%run_scoped3A_92, %dma_start3A_711, %dma_start3A_712] : memref<2x128x128xf32, #tpu.memory_space<vmem>> -> memref<1x128x128xf32, #tpu.memory_space<vmem>>
      %dma_start3A_714 = tpu.memref_squeeze %dma_start3A_713 : memref<1x128x128xf32, #tpu.memory_space<vmem>> -> memref<128x128xf32, #tpu.memory_space<vmem>>
      tpu.enqueue_dma source(%dma_start3A_714 : memref<128x128xf32, #tpu.memory_space<vmem>>) target(%dma_start3A_710 : memref<128x128xf32, #tpu.memory_space<hbm>>) target_semaphore(%run_scoped3A_702 : memref<!tpu.dma_semaphore, #tpu.memory_space<semaphore_mem>>)
      %dma_wait3A_715 = arith.constant 0 : i32
      %dma_wait3A_716 = arith.constant 0 : i32
      %dma_wait3A_717 = tpu.memref_slice %arg6[%run_scoped3A_92, %dma_wait3A_715, %dma_wait3A_716] : memref<2x128x128xf32, #tpu.memory_space<vmem>> -> memref<1x128x128xf32, #tpu.memory_space<vmem>>
      %dma_wait3A_718 = tpu.memref_squeeze %dma_wait3A_717 : memref<1x128x128xf32, #tpu.memory_space<vmem>> -> memref<128x128xf32, #tpu.memory_space<vmem>>
      %dma_wait3A_719 = arith.constant 0 : i32
      %dma_wait3A_720 = tpu.memref_slice %arg4[%add3A_91, %dma_wait3A_719] : memref<106496x128xf32, #tpu.memory_space<hbm>> -> memref<128x128xf32, #tpu.memory_space<hbm>>
      %dma_wait3A_721 = arith.constant 0 : i32
      %dma_wait3A_722 = tpu.memref_slice %arg4[%add3A_91, %dma_wait3A_721] : memref<106496x128xf32, #tpu.memory_space<hbm>> -> memref<128x128xf32, #tpu.memory_space<hbm>>
      %dma_wait3A_723 = arith.constant 0 : i32
      %dma_wait3A_724 = arith.constant 0 : i32
      %dma_wait3A_725 = tpu.memref_slice %arg6[%run_scoped3A_92, %dma_wait3A_723, %dma_wait3A_724] : memref<2x128x128xf32, #tpu.memory_space<vmem>> -> memref<1x128x128xf32, #tpu.memory_space<vmem>>
      %dma_wait3A_726 = tpu.memref_squeeze %dma_wait3A_725 : memref<1x128x128xf32, #tpu.memory_space<vmem>> -> memref<128x128xf32, #tpu.memory_space<vmem>>
      tpu.wait_dma2 semaphore(%run_scoped3A_702 : memref<!tpu.dma_semaphore, #tpu.memory_space<semaphore_mem>>) src(%dma_wait3A_726 : memref<128x128xf32, #tpu.memory_space<vmem>>) dst(%dma_wait3A_722 : memref<128x128xf32, #tpu.memory_space<hbm>>)
      tpu.yield
    }) : () -> ()
    %dma_start3A_93 = arith.constant 4 : i32
    %dma_start3A_94 = arith.constant 0 : i32
    %dma_start3A_95 = arith.constant 0 : i32
    %dma_start3A_96 = arith.constant 0 : i32
    %dma_start3A_97 = tpu.memref_slice %arg6[%dma_start3A_94, %dma_start3A_95, %dma_start3A_96] : memref<2x128x128xf32, #tpu.memory_space<vmem>> -> memref<1x128x128xf32, #tpu.memory_space<vmem>>
    %dma_start3A_98 = tpu.memref_squeeze %dma_start3A_97 : memref<1x128x128xf32, #tpu.memory_space<vmem>> -> memref<128x128xf32, #tpu.memory_space<vmem>>
    %dma_start3A_99 = arith.constant 0 : i32
    %dma_start3A_100 = tpu.memref_slice %arg5[%dma_start3A_93, %dma_start3A_99] : memref<26x128xi32, #tpu.memory_space<vmem>> -> memref<1x128xi32, #tpu.memory_space<vmem>>
    %dma_start3A_101 = tpu.memref_squeeze %dma_start3A_100 : memref<1x128xi32, #tpu.memory_space<vmem>> -> memref<128xi32, #tpu.memory_space<vmem>>
    %dma_start3A_102 = arith.constant 0 : i32
    %dma_start3A_103 = arith.constant 0 : i32
    %dma_start3A_104 = tpu.memref_slice %arg3[%dma_start3A_102, %dma_start3A_103] : memref<2600208x128xf32, #tpu.memory_space<hbm>> -> memref<2600208x128xf32, #tpu.memory_space<hbm>>
    tpu.enqueue_indirect_dma source(%dma_start3A_104 : memref<2600208x128xf32, #tpu.memory_space<hbm>>) target(%dma_start3A_98 : memref<128x128xf32, #tpu.memory_space<vmem>>) offsets(%dma_start3A_101 : memref<128xi32, #tpu.memory_space<vmem>>) semaphore(%arg7 : memref<!tpu.dma_semaphore, #tpu.memory_space<semaphore_mem>>)
    %dma_wait3A_105 = arith.constant 3 : i32
    %dma_wait3A_106 = arith.constant 1 : i32
    %dma_wait3A_107 = arith.constant 0 : i32
    %dma_wait3A_108 = arith.constant 0 : i32
    %dma_wait3A_109 = tpu.memref_slice %arg6[%dma_wait3A_106, %dma_wait3A_107, %dma_wait3A_108] : memref<2x128x128xf32, #tpu.memory_space<vmem>> -> memref<1x128x128xf32, #tpu.memory_space<vmem>>
    %dma_wait3A_110 = tpu.memref_squeeze %dma_wait3A_109 : memref<1x128x128xf32, #tpu.memory_space<vmem>> -> memref<128x128xf32, #tpu.memory_space<vmem>>
    %dma_wait3A_111 = arith.constant 0 : i32
    %dma_wait3A_112 = tpu.memref_slice %arg5[%dma_wait3A_105, %dma_wait3A_111] : memref<26x128xi32, #tpu.memory_space<vmem>> -> memref<1x128xi32, #tpu.memory_space<vmem>>
    %dma_wait3A_113 = tpu.memref_squeeze %dma_wait3A_112 : memref<1x128xi32, #tpu.memory_space<vmem>> -> memref<128xi32, #tpu.memory_space<vmem>>
    %dma_wait3A_114 = arith.constant 0 : i32
    %dma_wait3A_115 = arith.constant 0 : i32
    %dma_wait3A_116 = tpu.memref_slice %arg3[%dma_wait3A_114, %dma_wait3A_115] : memref<2600208x128xf32, #tpu.memory_space<hbm>> -> memref<2600208x128xf32, #tpu.memory_space<hbm>>
    tpu.wait_indirect_dma semaphore(%arg7 : memref<!tpu.dma_semaphore, #tpu.memory_space<semaphore_mem>>) src(%dma_wait3A_116 : memref<2600208x128xf32, #tpu.memory_space<hbm>>) dst(%dma_wait3A_110 : memref<128x128xf32, #tpu.memory_space<vmem>>)
    %add3A_117 = arith.constant 384 : i32
    %add3A_118 = arith.addi %mul3A_2, %add3A_117 : i32
    %run_scoped3A_119 = arith.constant 1 : i32
    "tpu.region"() ({
      %run_scoped3A_702 = tpu.sem_alloc : memref<!tpu.dma_semaphore, #tpu.memory_space<semaphore_mem>>
      %dma_start3A_703 = arith.constant 0 : i32
      %dma_start3A_704 = arith.constant 0 : i32
      %dma_start3A_705 = tpu.memref_slice %arg6[%run_scoped3A_119, %dma_start3A_703, %dma_start3A_704] : memref<2x128x128xf32, #tpu.memory_space<vmem>> -> memref<1x128x128xf32, #tpu.memory_space<vmem>>
      %dma_start3A_706 = tpu.memref_squeeze %dma_start3A_705 : memref<1x128x128xf32, #tpu.memory_space<vmem>> -> memref<128x128xf32, #tpu.memory_space<vmem>>
      %dma_start3A_707 = arith.constant 0 : i32
      %dma_start3A_708 = tpu.memref_slice %arg4[%add3A_118, %dma_start3A_707] : memref<106496x128xf32, #tpu.memory_space<hbm>> -> memref<128x128xf32, #tpu.memory_space<hbm>>
      %dma_start3A_709 = arith.constant 0 : i32
      %dma_start3A_710 = tpu.memref_slice %arg4[%add3A_118, %dma_start3A_709] : memref<106496x128xf32, #tpu.memory_space<hbm>> -> memref<128x128xf32, #tpu.memory_space<hbm>>
      %dma_start3A_711 = arith.constant 0 : i32
      %dma_start3A_712 = arith.constant 0 : i32
      %dma_start3A_713 = tpu.memref_slice %arg6[%run_scoped3A_119, %dma_start3A_711, %dma_start3A_712] : memref<2x128x128xf32, #tpu.memory_space<vmem>> -> memref<1x128x128xf32, #tpu.memory_space<vmem>>
      %dma_start3A_714 = tpu.memref_squeeze %dma_start3A_713 : memref<1x128x128xf32, #tpu.memory_space<vmem>> -> memref<128x128xf32, #tpu.memory_space<vmem>>
      tpu.enqueue_dma source(%dma_start3A_714 : memref<128x128xf32, #tpu.memory_space<vmem>>) target(%dma_start3A_710 : memref<128x128xf32, #tpu.memory_space<hbm>>) target_semaphore(%run_scoped3A_702 : memref<!tpu.dma_semaphore, #tpu.memory_space<semaphore_mem>>)
      %dma_wait3A_715 = arith.constant 0 : i32
      %dma_wait3A_716 = arith.constant 0 : i32
      %dma_wait3A_717 = tpu.memref_slice %arg6[%run_scoped3A_119, %dma_wait3A_715, %dma_wait3A_716] : memref<2x128x128xf32, #tpu.memory_space<vmem>> -> memref<1x128x128xf32, #tpu.memory_space<vmem>>
      %dma_wait3A_718 = tpu.memref_squeeze %dma_wait3A_717 : memref<1x128x128xf32, #tpu.memory_space<vmem>> -> memref<128x128xf32, #tpu.memory_space<vmem>>
      %dma_wait3A_719 = arith.constant 0 : i32
      %dma_wait3A_720 = tpu.memref_slice %arg4[%add3A_118, %dma_wait3A_719] : memref<106496x128xf32, #tpu.memory_space<hbm>> -> memref<128x128xf32, #tpu.memory_space<hbm>>
      %dma_wait3A_721 = arith.constant 0 : i32
      %dma_wait3A_722 = tpu.memref_slice %arg4[%add3A_118, %dma_wait3A_721] : memref<106496x128xf32, #tpu.memory_space<hbm>> -> memref<128x128xf32, #tpu.memory_space<hbm>>
      %dma_wait3A_723 = arith.constant 0 : i32
      %dma_wait3A_724 = arith.constant 0 : i32
      %dma_wait3A_725 = tpu.memref_slice %arg6[%run_scoped3A_119, %dma_wait3A_723, %dma_wait3A_724] : memref<2x128x128xf32, #tpu.memory_space<vmem>> -> memref<1x128x128xf32, #tpu.memory_space<vmem>>
      %dma_wait3A_726 = tpu.memref_squeeze %dma_wait3A_725 : memref<1x128x128xf32, #tpu.memory_space<vmem>> -> memref<128x128xf32, #tpu.memory_space<vmem>>
      tpu.wait_dma2 semaphore(%run_scoped3A_702 : memref<!tpu.dma_semaphore, #tpu.memory_space<semaphore_mem>>) src(%dma_wait3A_726 : memref<128x128xf32, #tpu.memory_space<vmem>>) dst(%dma_wait3A_722 : memref<128x128xf32, #tpu.memory_space<hbm>>)
      tpu.yield
    }) : () -> ()
    %dma_start3A_120 = arith.constant 5 : i32
    %dma_start3A_121 = arith.constant 1 : i32
    %dma_start3A_122 = arith.constant 0 : i32
    %dma_start3A_123 = arith.constant 0 : i32
    %dma_start3A_124 = tpu.memref_slice %arg6[%dma_start3A_121, %dma_start3A_122, %dma_start3A_123] : memref<2x128x128xf32, #tpu.memory_space<vmem>> -> memref<1x128x128xf32, #tpu.memory_space<vmem>>
    %dma_start3A_125 = tpu.memref_squeeze %dma_start3A_124 : memref<1x128x128xf32, #tpu.memory_space<vmem>> -> memref<128x128xf32, #tpu.memory_space<vmem>>
    %dma_start3A_126 = arith.constant 0 : i32
    %dma_start3A_127 = tpu.memref_slice %arg5[%dma_start3A_120, %dma_start3A_126] : memref<26x128xi32, #tpu.memory_space<vmem>> -> memref<1x128xi32, #tpu.memory_space<vmem>>
    %dma_start3A_128 = tpu.memref_squeeze %dma_start3A_127 : memref<1x128xi32, #tpu.memory_space<vmem>> -> memref<128xi32, #tpu.memory_space<vmem>>
    %dma_start3A_129 = arith.constant 0 : i32
    %dma_start3A_130 = arith.constant 0 : i32
    %dma_start3A_131 = tpu.memref_slice %arg3[%dma_start3A_129, %dma_start3A_130] : memref<2600208x128xf32, #tpu.memory_space<hbm>> -> memref<2600208x128xf32, #tpu.memory_space<hbm>>
    tpu.enqueue_indirect_dma source(%dma_start3A_131 : memref<2600208x128xf32, #tpu.memory_space<hbm>>) target(%dma_start3A_125 : memref<128x128xf32, #tpu.memory_space<vmem>>) offsets(%dma_start3A_128 : memref<128xi32, #tpu.memory_space<vmem>>) semaphore(%arg7 : memref<!tpu.dma_semaphore, #tpu.memory_space<semaphore_mem>>)
    %dma_wait3A_132 = arith.constant 4 : i32
    %dma_wait3A_133 = arith.constant 0 : i32
    %dma_wait3A_134 = arith.constant 0 : i32
    %dma_wait3A_135 = arith.constant 0 : i32
    %dma_wait3A_136 = tpu.memref_slice %arg6[%dma_wait3A_133, %dma_wait3A_134, %dma_wait3A_135] : memref<2x128x128xf32, #tpu.memory_space<vmem>> -> memref<1x128x128xf32, #tpu.memory_space<vmem>>
    %dma_wait3A_137 = tpu.memref_squeeze %dma_wait3A_136 : memref<1x128x128xf32, #tpu.memory_space<vmem>> -> memref<128x128xf32, #tpu.memory_space<vmem>>
    %dma_wait3A_138 = arith.constant 0 : i32
    %dma_wait3A_139 = tpu.memref_slice %arg5[%dma_wait3A_132, %dma_wait3A_138] : memref<26x128xi32, #tpu.memory_space<vmem>> -> memref<1x128xi32, #tpu.memory_space<vmem>>
    %dma_wait3A_140 = tpu.memref_squeeze %dma_wait3A_139 : memref<1x128xi32, #tpu.memory_space<vmem>> -> memref<128xi32, #tpu.memory_space<vmem>>
    %dma_wait3A_141 = arith.constant 0 : i32
    %dma_wait3A_142 = arith.constant 0 : i32
    %dma_wait3A_143 = tpu.memref_slice %arg3[%dma_wait3A_141, %dma_wait3A_142] : memref<2600208x128xf32, #tpu.memory_space<hbm>> -> memref<2600208x128xf32, #tpu.memory_space<hbm>>
    tpu.wait_indirect_dma semaphore(%arg7 : memref<!tpu.dma_semaphore, #tpu.memory_space<semaphore_mem>>) src(%dma_wait3A_143 : memref<2600208x128xf32, #tpu.memory_space<hbm>>) dst(%dma_wait3A_137 : memref<128x128xf32, #tpu.memory_space<vmem>>)
    %add3A_144 = arith.constant 512 : i32
    %add3A_145 = arith.addi %mul3A_2, %add3A_144 : i32
    %run_scoped3A_146 = arith.constant 0 : i32
    "tpu.region"() ({
      %run_scoped3A_702 = tpu.sem_alloc : memref<!tpu.dma_semaphore, #tpu.memory_space<semaphore_mem>>
      %dma_start3A_703 = arith.constant 0 : i32
      %dma_start3A_704 = arith.constant 0 : i32
      %dma_start3A_705 = tpu.memref_slice %arg6[%run_scoped3A_146, %dma_start3A_703, %dma_start3A_704] : memref<2x128x128xf32, #tpu.memory_space<vmem>> -> memref<1x128x128xf32, #tpu.memory_space<vmem>>
      %dma_start3A_706 = tpu.memref_squeeze %dma_start3A_705 : memref<1x128x128xf32, #tpu.memory_space<vmem>> -> memref<128x128xf32, #tpu.memory_space<vmem>>
      %dma_start3A_707 = arith.constant 0 : i32
      %dma_start3A_708 = tpu.memref_slice %arg4[%add3A_145, %dma_start3A_707] : memref<106496x128xf32, #tpu.memory_space<hbm>> -> memref<128x128xf32, #tpu.memory_space<hbm>>
      %dma_start3A_709 = arith.constant 0 : i32
      %dma_start3A_710 = tpu.memref_slice %arg4[%add3A_145, %dma_start3A_709] : memref<106496x128xf32, #tpu.memory_space<hbm>> -> memref<128x128xf32, #tpu.memory_space<hbm>>
      %dma_start3A_711 = arith.constant 0 : i32
      %dma_start3A_712 = arith.constant 0 : i32
      %dma_start3A_713 = tpu.memref_slice %arg6[%run_scoped3A_146, %dma_start3A_711, %dma_start3A_712] : memref<2x128x128xf32, #tpu.memory_space<vmem>> -> memref<1x128x128xf32, #tpu.memory_space<vmem>>
      %dma_start3A_714 = tpu.memref_squeeze %dma_start3A_713 : memref<1x128x128xf32, #tpu.memory_space<vmem>> -> memref<128x128xf32, #tpu.memory_space<vmem>>
      tpu.enqueue_dma source(%dma_start3A_714 : memref<128x128xf32, #tpu.memory_space<vmem>>) target(%dma_start3A_710 : memref<128x128xf32, #tpu.memory_space<hbm>>) target_semaphore(%run_scoped3A_702 : memref<!tpu.dma_semaphore, #tpu.memory_space<semaphore_mem>>)
      %dma_wait3A_715 = arith.constant 0 : i32
      %dma_wait3A_716 = arith.constant 0 : i32
      %dma_wait3A_717 = tpu.memref_slice %arg6[%run_scoped3A_146, %dma_wait3A_715, %dma_wait3A_716] : memref<2x128x128xf32, #tpu.memory_space<vmem>> -> memref<1x128x128xf32, #tpu.memory_space<vmem>>
      %dma_wait3A_718 = tpu.memref_squeeze %dma_wait3A_717 : memref<1x128x128xf32, #tpu.memory_space<vmem>> -> memref<128x128xf32, #tpu.memory_space<vmem>>
      %dma_wait3A_719 = arith.constant 0 : i32
      %dma_wait3A_720 = tpu.memref_slice %arg4[%add3A_145, %dma_wait3A_719] : memref<106496x128xf32, #tpu.memory_space<hbm>> -> memref<128x128xf32, #tpu.memory_space<hbm>>
      %dma_wait3A_721 = arith.constant 0 : i32
      %dma_wait3A_722 = tpu.memref_slice %arg4[%add3A_145, %dma_wait3A_721] : memref<106496x128xf32, #tpu.memory_space<hbm>> -> memref<128x128xf32, #tpu.memory_space<hbm>>
      %dma_wait3A_723 = arith.constant 0 : i32
      %dma_wait3A_724 = arith.constant 0 : i32
      %dma_wait3A_725 = tpu.memref_slice %arg6[%run_scoped3A_146, %dma_wait3A_723, %dma_wait3A_724] : memref<2x128x128xf32, #tpu.memory_space<vmem>> -> memref<1x128x128xf32, #tpu.memory_space<vmem>>
      %dma_wait3A_726 = tpu.memref_squeeze %dma_wait3A_725 : memref<1x128x128xf32, #tpu.memory_space<vmem>> -> memref<128x128xf32, #tpu.memory_space<vmem>>
      tpu.wait_dma2 semaphore(%run_scoped3A_702 : memref<!tpu.dma_semaphore, #tpu.memory_space<semaphore_mem>>) src(%dma_wait3A_726 : memref<128x128xf32, #tpu.memory_space<vmem>>) dst(%dma_wait3A_722 : memref<128x128xf32, #tpu.memory_space<hbm>>)
      tpu.yield
    }) : () -> ()
    %dma_start3A_147 = arith.constant 6 : i32
    %dma_start3A_148 = arith.constant 0 : i32
    %dma_start3A_149 = arith.constant 0 : i32
    %dma_start3A_150 = arith.constant 0 : i32
    %dma_start3A_151 = tpu.memref_slice %arg6[%dma_start3A_148, %dma_start3A_149, %dma_start3A_150] : memref<2x128x128xf32, #tpu.memory_space<vmem>> -> memref<1x128x128xf32, #tpu.memory_space<vmem>>
    %dma_start3A_152 = tpu.memref_squeeze %dma_start3A_151 : memref<1x128x128xf32, #tpu.memory_space<vmem>> -> memref<128x128xf32, #tpu.memory_space<vmem>>
    %dma_start3A_153 = arith.constant 0 : i32
    %dma_start3A_154 = tpu.memref_slice %arg5[%dma_start3A_147, %dma_start3A_153] : memref<26x128xi32, #tpu.memory_space<vmem>> -> memref<1x128xi32, #tpu.memory_space<vmem>>
    %dma_start3A_155 = tpu.memref_squeeze %dma_start3A_154 : memref<1x128xi32, #tpu.memory_space<vmem>> -> memref<128xi32, #tpu.memory_space<vmem>>
    %dma_start3A_156 = arith.constant 0 : i32
    %dma_start3A_157 = arith.constant 0 : i32
    %dma_start3A_158 = tpu.memref_slice %arg3[%dma_start3A_156, %dma_start3A_157] : memref<2600208x128xf32, #tpu.memory_space<hbm>> -> memref<2600208x128xf32, #tpu.memory_space<hbm>>
    tpu.enqueue_indirect_dma source(%dma_start3A_158 : memref<2600208x128xf32, #tpu.memory_space<hbm>>) target(%dma_start3A_152 : memref<128x128xf32, #tpu.memory_space<vmem>>) offsets(%dma_start3A_155 : memref<128xi32, #tpu.memory_space<vmem>>) semaphore(%arg7 : memref<!tpu.dma_semaphore, #tpu.memory_space<semaphore_mem>>)
    %dma_wait3A_159 = arith.constant 5 : i32
    %dma_wait3A_160 = arith.constant 1 : i32
    %dma_wait3A_161 = arith.constant 0 : i32
    %dma_wait3A_162 = arith.constant 0 : i32
    %dma_wait3A_163 = tpu.memref_slice %arg6[%dma_wait3A_160, %dma_wait3A_161, %dma_wait3A_162] : memref<2x128x128xf32, #tpu.memory_space<vmem>> -> memref<1x128x128xf32, #tpu.memory_space<vmem>>
    %dma_wait3A_164 = tpu.memref_squeeze %dma_wait3A_163 : memref<1x128x128xf32, #tpu.memory_space<vmem>> -> memref<128x128xf32, #tpu.memory_space<vmem>>
    %dma_wait3A_165 = arith.constant 0 : i32
    %dma_wait3A_166 = tpu.memref_slice %arg5[%dma_wait3A_159, %dma_wait3A_165] : memref<26x128xi32, #tpu.memory_space<vmem>> -> memref<1x128xi32, #tpu.memory_space<vmem>>
    %dma_wait3A_167 = tpu.memref_squeeze %dma_wait3A_166 : memref<1x128xi32, #tpu.memory_space<vmem>> -> memref<128xi32, #tpu.memory_space<vmem>>
    %dma_wait3A_168 = arith.constant 0 : i32
    %dma_wait3A_169 = arith.constant 0 : i32
    %dma_wait3A_170 = tpu.memref_slice %arg3[%dma_wait3A_168, %dma_wait3A_169] : memref<2600208x128xf32, #tpu.memory_space<hbm>> -> memref<2600208x128xf32, #tpu.memory_space<hbm>>
    tpu.wait_indirect_dma semaphore(%arg7 : memref<!tpu.dma_semaphore, #tpu.memory_space<semaphore_mem>>) src(%dma_wait3A_170 : memref<2600208x128xf32, #tpu.memory_space<hbm>>) dst(%dma_wait3A_164 : memref<128x128xf32, #tpu.memory_space<vmem>>)
    %add3A_171 = arith.constant 640 : i32
    %add3A_172 = arith.addi %mul3A_2, %add3A_171 : i32
    %run_scoped3A_173 = arith.constant 1 : i32
    "tpu.region"() ({
      %run_scoped3A_702 = tpu.sem_alloc : memref<!tpu.dma_semaphore, #tpu.memory_space<semaphore_mem>>
      %dma_start3A_703 = arith.constant 0 : i32
      %dma_start3A_704 = arith.constant 0 : i32
      %dma_start3A_705 = tpu.memref_slice %arg6[%run_scoped3A_173, %dma_start3A_703, %dma_start3A_704] : memref<2x128x128xf32, #tpu.memory_space<vmem>> -> memref<1x128x128xf32, #tpu.memory_space<vmem>>
      %dma_start3A_706 = tpu.memref_squeeze %dma_start3A_705 : memref<1x128x128xf32, #tpu.memory_space<vmem>> -> memref<128x128xf32, #tpu.memory_space<vmem>>
      %dma_start3A_707 = arith.constant 0 : i32
      %dma_start3A_708 = tpu.memref_slice %arg4[%add3A_172, %dma_start3A_707] : memref<106496x128xf32, #tpu.memory_space<hbm>> -> memref<128x128xf32, #tpu.memory_space<hbm>>
      %dma_start3A_709 = arith.constant 0 : i32
      %dma_start3A_710 = tpu.memref_slice %arg4[%add3A_172, %dma_start3A_709] : memref<106496x128xf32, #tpu.memory_space<hbm>> -> memref<128x128xf32, #tpu.memory_space<hbm>>
      %dma_start3A_711 = arith.constant 0 : i32
      %dma_start3A_712 = arith.constant 0 : i32
      %dma_start3A_713 = tpu.memref_slice %arg6[%run_scoped3A_173, %dma_start3A_711, %dma_start3A_712] : memref<2x128x128xf32, #tpu.memory_space<vmem>> -> memref<1x128x128xf32, #tpu.memory_space<vmem>>
      %dma_start3A_714 = tpu.memref_squeeze %dma_start3A_713 : memref<1x128x128xf32, #tpu.memory_space<vmem>> -> memref<128x128xf32, #tpu.memory_space<vmem>>
      tpu.enqueue_dma source(%dma_start3A_714 : memref<128x128xf32, #tpu.memory_space<vmem>>) target(%dma_start3A_710 : memref<128x128xf32, #tpu.memory_space<hbm>>) target_semaphore(%run_scoped3A_702 : memref<!tpu.dma_semaphore, #tpu.memory_space<semaphore_mem>>)
      %dma_wait3A_715 = arith.constant 0 : i32
      %dma_wait3A_716 = arith.constant 0 : i32
      %dma_wait3A_717 = tpu.memref_slice %arg6[%run_scoped3A_173, %dma_wait3A_715, %dma_wait3A_716] : memref<2x128x128xf32, #tpu.memory_space<vmem>> -> memref<1x128x128xf32, #tpu.memory_space<vmem>>
      %dma_wait3A_718 = tpu.memref_squeeze %dma_wait3A_717 : memref<1x128x128xf32, #tpu.memory_space<vmem>> -> memref<128x128xf32, #tpu.memory_space<vmem>>
      %dma_wait3A_719 = arith.constant 0 : i32
      %dma_wait3A_720 = tpu.memref_slice %arg4[%add3A_172, %dma_wait3A_719] : memref<106496x128xf32, #tpu.memory_space<hbm>> -> memref<128x128xf32, #tpu.memory_space<hbm>>
      %dma_wait3A_721 = arith.constant 0 : i32
      %dma_wait3A_722 = tpu.memref_slice %arg4[%add3A_172, %dma_wait3A_721] : memref<106496x128xf32, #tpu.memory_space<hbm>> -> memref<128x128xf32, #tpu.memory_space<hbm>>
      %dma_wait3A_723 = arith.constant 0 : i32
      %dma_wait3A_724 = arith.constant 0 : i32
      %dma_wait3A_725 = tpu.memref_slice %arg6[%run_scoped3A_173, %dma_wait3A_723, %dma_wait3A_724] : memref<2x128x128xf32, #tpu.memory_space<vmem>> -> memref<1x128x128xf32, #tpu.memory_space<vmem>>
      %dma_wait3A_726 = tpu.memref_squeeze %dma_wait3A_725 : memref<1x128x128xf32, #tpu.memory_space<vmem>> -> memref<128x128xf32, #tpu.memory_space<vmem>>
      tpu.wait_dma2 semaphore(%run_scoped3A_702 : memref<!tpu.dma_semaphore, #tpu.memory_space<semaphore_mem>>) src(%dma_wait3A_726 : memref<128x128xf32, #tpu.memory_space<vmem>>) dst(%dma_wait3A_722 : memref<128x128xf32, #tpu.memory_space<hbm>>)
      tpu.yield
    }) : () -> ()
    %dma_start3A_174 = arith.constant 7 : i32
    %dma_start3A_175 = arith.constant 1 : i32
    %dma_start3A_176 = arith.constant 0 : i32
    %dma_start3A_177 = arith.constant 0 : i32
    %dma_start3A_178 = tpu.memref_slice %arg6[%dma_start3A_175, %dma_start3A_176, %dma_start3A_177] : memref<2x128x128xf32, #tpu.memory_space<vmem>> -> memref<1x128x128xf32, #tpu.memory_space<vmem>>
    %dma_start3A_179 = tpu.memref_squeeze %dma_start3A_178 : memref<1x128x128xf32, #tpu.memory_space<vmem>> -> memref<128x128xf32, #tpu.memory_space<vmem>>
    %dma_start3A_180 = arith.constant 0 : i32
    %dma_start3A_181 = tpu.memref_slice %arg5[%dma_start3A_174, %dma_start3A_180] : memref<26x128xi32, #tpu.memory_space<vmem>> -> memref<1x128xi32, #tpu.memory_space<vmem>>
    %dma_start3A_182 = tpu.memref_squeeze %dma_start3A_181 : memref<1x128xi32, #tpu.memory_space<vmem>> -> memref<128xi32, #tpu.memory_space<vmem>>
    %dma_start3A_183 = arith.constant 0 : i32
    %dma_start3A_184 = arith.constant 0 : i32
    %dma_start3A_185 = tpu.memref_slice %arg3[%dma_start3A_183, %dma_start3A_184] : memref<2600208x128xf32, #tpu.memory_space<hbm>> -> memref<2600208x128xf32, #tpu.memory_space<hbm>>
    tpu.enqueue_indirect_dma source(%dma_start3A_185 : memref<2600208x128xf32, #tpu.memory_space<hbm>>) target(%dma_start3A_179 : memref<128x128xf32, #tpu.memory_space<vmem>>) offsets(%dma_start3A_182 : memref<128xi32, #tpu.memory_space<vmem>>) semaphore(%arg7 : memref<!tpu.dma_semaphore, #tpu.memory_space<semaphore_mem>>)
    %dma_wait3A_186 = arith.constant 6 : i32
    %dma_wait3A_187 = arith.constant 0 : i32
    %dma_wait3A_188 = arith.constant 0 : i32
    %dma_wait3A_189 = arith.constant 0 : i32
    %dma_wait3A_190 = tpu.memref_slice %arg6[%dma_wait3A_187, %dma_wait3A_188, %dma_wait3A_189] : memref<2x128x128xf32, #tpu.memory_space<vmem>> -> memref<1x128x128xf32, #tpu.memory_space<vmem>>
    %dma_wait3A_191 = tpu.memref_squeeze %dma_wait3A_190 : memref<1x128x128xf32, #tpu.memory_space<vmem>> -> memref<128x128xf32, #tpu.memory_space<vmem>>
    %dma_wait3A_192 = arith.constant 0 : i32
    %dma_wait3A_193 = tpu.memref_slice %arg5[%dma_wait3A_186, %dma_wait3A_192] : memref<26x128xi32, #tpu.memory_space<vmem>> -> memref<1x128xi32, #tpu.memory_space<vmem>>
    %dma_wait3A_194 = tpu.memref_squeeze %dma_wait3A_193 : memref<1x128xi32, #tpu.memory_space<vmem>> -> memref<128xi32, #tpu.memory_space<vmem>>
    %dma_wait3A_195 = arith.constant 0 : i32
    %dma_wait3A_196 = arith.constant 0 : i32
    %dma_wait3A_197 = tpu.memref_slice %arg3[%dma_wait3A_195, %dma_wait3A_196] : memref<2600208x128xf32, #tpu.memory_space<hbm>> -> memref<2600208x128xf32, #tpu.memory_space<hbm>>
    tpu.wait_indirect_dma semaphore(%arg7 : memref<!tpu.dma_semaphore, #tpu.memory_space<semaphore_mem>>) src(%dma_wait3A_197 : memref<2600208x128xf32, #tpu.memory_space<hbm>>) dst(%dma_wait3A_191 : memref<128x128xf32, #tpu.memory_space<vmem>>)
    %add3A_198 = arith.constant 768 : i32
    %add3A_199 = arith.addi %mul3A_2, %add3A_198 : i32
    %run_scoped3A_200 = arith.constant 0 : i32
    "tpu.region"() ({
      %run_scoped3A_702 = tpu.sem_alloc : memref<!tpu.dma_semaphore, #tpu.memory_space<semaphore_mem>>
      %dma_start3A_703 = arith.constant 0 : i32
      %dma_start3A_704 = arith.constant 0 : i32
      %dma_start3A_705 = tpu.memref_slice %arg6[%run_scoped3A_200, %dma_start3A_703, %dma_start3A_704] : memref<2x128x128xf32, #tpu.memory_space<vmem>> -> memref<1x128x128xf32, #tpu.memory_space<vmem>>
      %dma_start3A_706 = tpu.memref_squeeze %dma_start3A_705 : memref<1x128x128xf32, #tpu.memory_space<vmem>> -> memref<128x128xf32, #tpu.memory_space<vmem>>
      %dma_start3A_707 = arith.constant 0 : i32
      %dma_start3A_708 = tpu.memref_slice %arg4[%add3A_199, %dma_start3A_707] : memref<106496x128xf32, #tpu.memory_space<hbm>> -> memref<128x128xf32, #tpu.memory_space<hbm>>
      %dma_start3A_709 = arith.constant 0 : i32
      %dma_start3A_710 = tpu.memref_slice %arg4[%add3A_199, %dma_start3A_709] : memref<106496x128xf32, #tpu.memory_space<hbm>> -> memref<128x128xf32, #tpu.memory_space<hbm>>
      %dma_start3A_711 = arith.constant 0 : i32
      %dma_start3A_712 = arith.constant 0 : i32
      %dma_start3A_713 = tpu.memref_slice %arg6[%run_scoped3A_200, %dma_start3A_711, %dma_start3A_712] : memref<2x128x128xf32, #tpu.memory_space<vmem>> -> memref<1x128x128xf32, #tpu.memory_space<vmem>>
      %dma_start3A_714 = tpu.memref_squeeze %dma_start3A_713 : memref<1x128x128xf32, #tpu.memory_space<vmem>> -> memref<128x128xf32, #tpu.memory_space<vmem>>
      tpu.enqueue_dma source(%dma_start3A_714 : memref<128x128xf32, #tpu.memory_space<vmem>>) target(%dma_start3A_710 : memref<128x128xf32, #tpu.memory_space<hbm>>) target_semaphore(%run_scoped3A_702 : memref<!tpu.dma_semaphore, #tpu.memory_space<semaphore_mem>>)
      %dma_wait3A_715 = arith.constant 0 : i32
      %dma_wait3A_716 = arith.constant 0 : i32
      %dma_wait3A_717 = tpu.memref_slice %arg6[%run_scoped3A_200, %dma_wait3A_715, %dma_wait3A_716] : memref<2x128x128xf32, #tpu.memory_space<vmem>> -> memref<1x128x128xf32, #tpu.memory_space<vmem>>
      %dma_wait3A_718 = tpu.memref_squeeze %dma_wait3A_717 : memref<1x128x128xf32, #tpu.memory_space<vmem>> -> memref<128x128xf32, #tpu.memory_space<vmem>>
      %dma_wait3A_719 = arith.constant 0 : i32
      %dma_wait3A_720 = tpu.memref_slice %arg4[%add3A_199, %dma_wait3A_719] : memref<106496x128xf32, #tpu.memory_space<hbm>> -> memref<128x128xf32, #tpu.memory_space<hbm>>
      %dma_wait3A_721 = arith.constant 0 : i32
      %dma_wait3A_722 = tpu.memref_slice %arg4[%add3A_199, %dma_wait3A_721] : memref<106496x128xf32, #tpu.memory_space<hbm>> -> memref<128x128xf32, #tpu.memory_space<hbm>>
      %dma_wait3A_723 = arith.constant 0 : i32
      %dma_wait3A_724 = arith.constant 0 : i32
      %dma_wait3A_725 = tpu.memref_slice %arg6[%run_scoped3A_200, %dma_wait3A_723, %dma_wait3A_724] : memref<2x128x128xf32, #tpu.memory_space<vmem>> -> memref<1x128x128xf32, #tpu.memory_space<vmem>>
      %dma_wait3A_726 = tpu.memref_squeeze %dma_wait3A_725 : memref<1x128x128xf32, #tpu.memory_space<vmem>> -> memref<128x128xf32, #tpu.memory_space<vmem>>
      tpu.wait_dma2 semaphore(%run_scoped3A_702 : memref<!tpu.dma_semaphore, #tpu.memory_space<semaphore_mem>>) src(%dma_wait3A_726 : memref<128x128xf32, #tpu.memory_space<vmem>>) dst(%dma_wait3A_722 : memref<128x128xf32, #tpu.memory_space<hbm>>)
      tpu.yield
    }) : () -> ()
    %dma_start3A_201 = arith.constant 8 : i32
    %dma_start3A_202 = arith.constant 0 : i32
    %dma_start3A_203 = arith.constant 0 : i32
    %dma_start3A_204 = arith.constant 0 : i32
    %dma_start3A_205 = tpu.memref_slice %arg6[%dma_start3A_202, %dma_start3A_203, %dma_start3A_204] : memref<2x128x128xf32, #tpu.memory_space<vmem>> -> memref<1x128x128xf32, #tpu.memory_space<vmem>>
    %dma_start3A_206 = tpu.memref_squeeze %dma_start3A_205 : memref<1x128x128xf32, #tpu.memory_space<vmem>> -> memref<128x128xf32, #tpu.memory_space<vmem>>
    %dma_start3A_207 = arith.constant 0 : i32
    %dma_start3A_208 = tpu.memref_slice %arg5[%dma_start3A_201, %dma_start3A_207] : memref<26x128xi32, #tpu.memory_space<vmem>> -> memref<1x128xi32, #tpu.memory_space<vmem>>
    %dma_start3A_209 = tpu.memref_squeeze %dma_start3A_208 : memref<1x128xi32, #tpu.memory_space<vmem>> -> memref<128xi32, #tpu.memory_space<vmem>>
    %dma_start3A_210 = arith.constant 0 : i32
    %dma_start3A_211 = arith.constant 0 : i32
    %dma_start3A_212 = tpu.memref_slice %arg3[%dma_start3A_210, %dma_start3A_211] : memref<2600208x128xf32, #tpu.memory_space<hbm>> -> memref<2600208x128xf32, #tpu.memory_space<hbm>>
    tpu.enqueue_indirect_dma source(%dma_start3A_212 : memref<2600208x128xf32, #tpu.memory_space<hbm>>) target(%dma_start3A_206 : memref<128x128xf32, #tpu.memory_space<vmem>>) offsets(%dma_start3A_209 : memref<128xi32, #tpu.memory_space<vmem>>) semaphore(%arg7 : memref<!tpu.dma_semaphore, #tpu.memory_space<semaphore_mem>>)
    %dma_wait3A_213 = arith.constant 7 : i32
    %dma_wait3A_214 = arith.constant 1 : i32
    %dma_wait3A_215 = arith.constant 0 : i32
    %dma_wait3A_216 = arith.constant 0 : i32
    %dma_wait3A_217 = tpu.memref_slice %arg6[%dma_wait3A_214, %dma_wait3A_215, %dma_wait3A_216] : memref<2x128x128xf32, #tpu.memory_space<vmem>> -> memref<1x128x128xf32, #tpu.memory_space<vmem>>
    %dma_wait3A_218 = tpu.memref_squeeze %dma_wait3A_217 : memref<1x128x128xf32, #tpu.memory_space<vmem>> -> memref<128x128xf32, #tpu.memory_space<vmem>>
    %dma_wait3A_219 = arith.constant 0 : i32
    %dma_wait3A_220 = tpu.memref_slice %arg5[%dma_wait3A_213, %dma_wait3A_219] : memref<26x128xi32, #tpu.memory_space<vmem>> -> memref<1x128xi32, #tpu.memory_space<vmem>>
    %dma_wait3A_221 = tpu.memref_squeeze %dma_wait3A_220 : memref<1x128xi32, #tpu.memory_space<vmem>> -> memref<128xi32, #tpu.memory_space<vmem>>
    %dma_wait3A_222 = arith.constant 0 : i32
    %dma_wait3A_223 = arith.constant 0 : i32
    %dma_wait3A_224 = tpu.memref_slice %arg3[%dma_wait3A_222, %dma_wait3A_223] : memref<2600208x128xf32, #tpu.memory_space<hbm>> -> memref<2600208x128xf32, #tpu.memory_space<hbm>>
    tpu.wait_indirect_dma semaphore(%arg7 : memref<!tpu.dma_semaphore, #tpu.memory_space<semaphore_mem>>) src(%dma_wait3A_224 : memref<2600208x128xf32, #tpu.memory_space<hbm>>) dst(%dma_wait3A_218 : memref<128x128xf32, #tpu.memory_space<vmem>>)
    %add3A_225 = arith.constant 896 : i32
    %add3A_226 = arith.addi %mul3A_2, %add3A_225 : i32
    %run_scoped3A_227 = arith.constant 1 : i32
    "tpu.region"() ({
      %run_scoped3A_702 = tpu.sem_alloc : memref<!tpu.dma_semaphore, #tpu.memory_space<semaphore_mem>>
      %dma_start3A_703 = arith.constant 0 : i32
      %dma_start3A_704 = arith.constant 0 : i32
      %dma_start3A_705 = tpu.memref_slice %arg6[%run_scoped3A_227, %dma_start3A_703, %dma_start3A_704] : memref<2x128x128xf32, #tpu.memory_space<vmem>> -> memref<1x128x128xf32, #tpu.memory_space<vmem>>
      %dma_start3A_706 = tpu.memref_squeeze %dma_start3A_705 : memref<1x128x128xf32, #tpu.memory_space<vmem>> -> memref<128x128xf32, #tpu.memory_space<vmem>>
      %dma_start3A_707 = arith.constant 0 : i32
      %dma_start3A_708 = tpu.memref_slice %arg4[%add3A_226, %dma_start3A_707] : memref<106496x128xf32, #tpu.memory_space<hbm>> -> memref<128x128xf32, #tpu.memory_space<hbm>>
      %dma_start3A_709 = arith.constant 0 : i32
      %dma_start3A_710 = tpu.memref_slice %arg4[%add3A_226, %dma_start3A_709] : memref<106496x128xf32, #tpu.memory_space<hbm>> -> memref<128x128xf32, #tpu.memory_space<hbm>>
      %dma_start3A_711 = arith.constant 0 : i32
      %dma_start3A_712 = arith.constant 0 : i32
      %dma_start3A_713 = tpu.memref_slice %arg6[%run_scoped3A_227, %dma_start3A_711, %dma_start3A_712] : memref<2x128x128xf32, #tpu.memory_space<vmem>> -> memref<1x128x128xf32, #tpu.memory_space<vmem>>
      %dma_start3A_714 = tpu.memref_squeeze %dma_start3A_713 : memref<1x128x128xf32, #tpu.memory_space<vmem>> -> memref<128x128xf32, #tpu.memory_space<vmem>>
      tpu.enqueue_dma source(%dma_start3A_714 : memref<128x128xf32, #tpu.memory_space<vmem>>) target(%dma_start3A_710 : memref<128x128xf32, #tpu.memory_space<hbm>>) target_semaphore(%run_scoped3A_702 : memref<!tpu.dma_semaphore, #tpu.memory_space<semaphore_mem>>)
      %dma_wait3A_715 = arith.constant 0 : i32
      %dma_wait3A_716 = arith.constant 0 : i32
      %dma_wait3A_717 = tpu.memref_slice %arg6[%run_scoped3A_227, %dma_wait3A_715, %dma_wait3A_716] : memref<2x128x128xf32, #tpu.memory_space<vmem>> -> memref<1x128x128xf32, #tpu.memory_space<vmem>>
      %dma_wait3A_718 = tpu.memref_squeeze %dma_wait3A_717 : memref<1x128x128xf32, #tpu.memory_space<vmem>> -> memref<128x128xf32, #tpu.memory_space<vmem>>
      %dma_wait3A_719 = arith.constant 0 : i32
      %dma_wait3A_720 = tpu.memref_slice %arg4[%add3A_226, %dma_wait3A_719] : memref<106496x128xf32, #tpu.memory_space<hbm>> -> memref<128x128xf32, #tpu.memory_space<hbm>>
      %dma_wait3A_721 = arith.constant 0 : i32
      %dma_wait3A_722 = tpu.memref_slice %arg4[%add3A_226, %dma_wait3A_721] : memref<106496x128xf32, #tpu.memory_space<hbm>> -> memref<128x128xf32, #tpu.memory_space<hbm>>
      %dma_wait3A_723 = arith.constant 0 : i32
      %dma_wait3A_724 = arith.constant 0 : i32
      %dma_wait3A_725 = tpu.memref_slice %arg6[%run_scoped3A_227, %dma_wait3A_723, %dma_wait3A_724] : memref<2x128x128xf32, #tpu.memory_space<vmem>> -> memref<1x128x128xf32, #tpu.memory_space<vmem>>
      %dma_wait3A_726 = tpu.memref_squeeze %dma_wait3A_725 : memref<1x128x128xf32, #tpu.memory_space<vmem>> -> memref<128x128xf32, #tpu.memory_space<vmem>>
      tpu.wait_dma2 semaphore(%run_scoped3A_702 : memref<!tpu.dma_semaphore, #tpu.memory_space<semaphore_mem>>) src(%dma_wait3A_726 : memref<128x128xf32, #tpu.memory_space<vmem>>) dst(%dma_wait3A_722 : memref<128x128xf32, #tpu.memory_space<hbm>>)
      tpu.yield
    }) : () -> ()
    %dma_start3A_228 = arith.constant 9 : i32
    %dma_start3A_229 = arith.constant 1 : i32
    %dma_start3A_230 = arith.constant 0 : i32
    %dma_start3A_231 = arith.constant 0 : i32
    %dma_start3A_232 = tpu.memref_slice %arg6[%dma_start3A_229, %dma_start3A_230, %dma_start3A_231] : memref<2x128x128xf32, #tpu.memory_space<vmem>> -> memref<1x128x128xf32, #tpu.memory_space<vmem>>
    %dma_start3A_233 = tpu.memref_squeeze %dma_start3A_232 : memref<1x128x128xf32, #tpu.memory_space<vmem>> -> memref<128x128xf32, #tpu.memory_space<vmem>>
    %dma_start3A_234 = arith.constant 0 : i32
    %dma_start3A_235 = tpu.memref_slice %arg5[%dma_start3A_228, %dma_start3A_234] : memref<26x128xi32, #tpu.memory_space<vmem>> -> memref<1x128xi32, #tpu.memory_space<vmem>>
    %dma_start3A_236 = tpu.memref_squeeze %dma_start3A_235 : memref<1x128xi32, #tpu.memory_space<vmem>> -> memref<128xi32, #tpu.memory_space<vmem>>
    %dma_start3A_237 = arith.constant 0 : i32
    %dma_start3A_238 = arith.constant 0 : i32
    %dma_start3A_239 = tpu.memref_slice %arg3[%dma_start3A_237, %dma_start3A_238] : memref<2600208x128xf32, #tpu.memory_space<hbm>> -> memref<2600208x128xf32, #tpu.memory_space<hbm>>
    tpu.enqueue_indirect_dma source(%dma_start3A_239 : memref<2600208x128xf32, #tpu.memory_space<hbm>>) target(%dma_start3A_233 : memref<128x128xf32, #tpu.memory_space<vmem>>) offsets(%dma_start3A_236 : memref<128xi32, #tpu.memory_space<vmem>>) semaphore(%arg7 : memref<!tpu.dma_semaphore, #tpu.memory_space<semaphore_mem>>)
    %dma_wait3A_240 = arith.constant 8 : i32
    %dma_wait3A_241 = arith.constant 0 : i32
    %dma_wait3A_242 = arith.constant 0 : i32
    %dma_wait3A_243 = arith.constant 0 : i32
    %dma_wait3A_244 = tpu.memref_slice %arg6[%dma_wait3A_241, %dma_wait3A_242, %dma_wait3A_243] : memref<2x128x128xf32, #tpu.memory_space<vmem>> -> memref<1x128x128xf32, #tpu.memory_space<vmem>>
    %dma_wait3A_245 = tpu.memref_squeeze %dma_wait3A_244 : memref<1x128x128xf32, #tpu.memory_space<vmem>> -> memref<128x128xf32, #tpu.memory_space<vmem>>
    %dma_wait3A_246 = arith.constant 0 : i32
    %dma_wait3A_247 = tpu.memref_slice %arg5[%dma_wait3A_240, %dma_wait3A_246] : memref<26x128xi32, #tpu.memory_space<vmem>> -> memref<1x128xi32, #tpu.memory_space<vmem>>
    %dma_wait3A_248 = tpu.memref_squeeze %dma_wait3A_247 : memref<1x128xi32, #tpu.memory_space<vmem>> -> memref<128xi32, #tpu.memory_space<vmem>>
    %dma_wait3A_249 = arith.constant 0 : i32
    %dma_wait3A_250 = arith.constant 0 : i32
    %dma_wait3A_251 = tpu.memref_slice %arg3[%dma_wait3A_249, %dma_wait3A_250] : memref<2600208x128xf32, #tpu.memory_space<hbm>> -> memref<2600208x128xf32, #tpu.memory_space<hbm>>
    tpu.wait_indirect_dma semaphore(%arg7 : memref<!tpu.dma_semaphore, #tpu.memory_space<semaphore_mem>>) src(%dma_wait3A_251 : memref<2600208x128xf32, #tpu.memory_space<hbm>>) dst(%dma_wait3A_245 : memref<128x128xf32, #tpu.memory_space<vmem>>)
    %add3A_252 = arith.constant 1024 : i32
    %add3A_253 = arith.addi %mul3A_2, %add3A_252 : i32
    %run_scoped3A_254 = arith.constant 0 : i32
    "tpu.region"() ({
      %run_scoped3A_702 = tpu.sem_alloc : memref<!tpu.dma_semaphore, #tpu.memory_space<semaphore_mem>>
      %dma_start3A_703 = arith.constant 0 : i32
      %dma_start3A_704 = arith.constant 0 : i32
      %dma_start3A_705 = tpu.memref_slice %arg6[%run_scoped3A_254, %dma_start3A_703, %dma_start3A_704] : memref<2x128x128xf32, #tpu.memory_space<vmem>> -> memref<1x128x128xf32, #tpu.memory_space<vmem>>
      %dma_start3A_706 = tpu.memref_squeeze %dma_start3A_705 : memref<1x128x128xf32, #tpu.memory_space<vmem>> -> memref<128x128xf32, #tpu.memory_space<vmem>>
      %dma_start3A_707 = arith.constant 0 : i32
      %dma_start3A_708 = tpu.memref_slice %arg4[%add3A_253, %dma_start3A_707] : memref<106496x128xf32, #tpu.memory_space<hbm>> -> memref<128x128xf32, #tpu.memory_space<hbm>>
      %dma_start3A_709 = arith.constant 0 : i32
      %dma_start3A_710 = tpu.memref_slice %arg4[%add3A_253, %dma_start3A_709] : memref<106496x128xf32, #tpu.memory_space<hbm>> -> memref<128x128xf32, #tpu.memory_space<hbm>>
      %dma_start3A_711 = arith.constant 0 : i32
      %dma_start3A_712 = arith.constant 0 : i32
      %dma_start3A_713 = tpu.memref_slice %arg6[%run_scoped3A_254, %dma_start3A_711, %dma_start3A_712] : memref<2x128x128xf32, #tpu.memory_space<vmem>> -> memref<1x128x128xf32, #tpu.memory_space<vmem>>
      %dma_start3A_714 = tpu.memref_squeeze %dma_start3A_713 : memref<1x128x128xf32, #tpu.memory_space<vmem>> -> memref<128x128xf32, #tpu.memory_space<vmem>>
      tpu.enqueue_dma source(%dma_start3A_714 : memref<128x128xf32, #tpu.memory_space<vmem>>) target(%dma_start3A_710 : memref<128x128xf32, #tpu.memory_space<hbm>>) target_semaphore(%run_scoped3A_702 : memref<!tpu.dma_semaphore, #tpu.memory_space<semaphore_mem>>)
      %dma_wait3A_715 = arith.constant 0 : i32
      %dma_wait3A_716 = arith.constant 0 : i32
      %dma_wait3A_717 = tpu.memref_slice %arg6[%run_scoped3A_254, %dma_wait3A_715, %dma_wait3A_716] : memref<2x128x128xf32, #tpu.memory_space<vmem>> -> memref<1x128x128xf32, #tpu.memory_space<vmem>>
      %dma_wait3A_718 = tpu.memref_squeeze %dma_wait3A_717 : memref<1x128x128xf32, #tpu.memory_space<vmem>> -> memref<128x128xf32, #tpu.memory_space<vmem>>
      %dma_wait3A_719 = arith.constant 0 : i32
      %dma_wait3A_720 = tpu.memref_slice %arg4[%add3A_253, %dma_wait3A_719] : memref<106496x128xf32, #tpu.memory_space<hbm>> -> memref<128x128xf32, #tpu.memory_space<hbm>>
      %dma_wait3A_721 = arith.constant 0 : i32
      %dma_wait3A_722 = tpu.memref_slice %arg4[%add3A_253, %dma_wait3A_721] : memref<106496x128xf32, #tpu.memory_space<hbm>> -> memref<128x128xf32, #tpu.memory_space<hbm>>
      %dma_wait3A_723 = arith.constant 0 : i32
      %dma_wait3A_724 = arith.constant 0 : i32
      %dma_wait3A_725 = tpu.memref_slice %arg6[%run_scoped3A_254, %dma_wait3A_723, %dma_wait3A_724] : memref<2x128x128xf32, #tpu.memory_space<vmem>> -> memref<1x128x128xf32, #tpu.memory_space<vmem>>
      %dma_wait3A_726 = tpu.memref_squeeze %dma_wait3A_725 : memref<1x128x128xf32, #tpu.memory_space<vmem>> -> memref<128x128xf32, #tpu.memory_space<vmem>>
      tpu.wait_dma2 semaphore(%run_scoped3A_702 : memref<!tpu.dma_semaphore, #tpu.memory_space<semaphore_mem>>) src(%dma_wait3A_726 : memref<128x128xf32, #tpu.memory_space<vmem>>) dst(%dma_wait3A_722 : memref<128x128xf32, #tpu.memory_space<hbm>>)
      tpu.yield
    }) : () -> ()
    %dma_start3A_255 = arith.constant 10 : i32
    %dma_start3A_256 = arith.constant 0 : i32
    %dma_start3A_257 = arith.constant 0 : i32
    %dma_start3A_258 = arith.constant 0 : i32
    %dma_start3A_259 = tpu.memref_slice %arg6[%dma_start3A_256, %dma_start3A_257, %dma_start3A_258] : memref<2x128x128xf32, #tpu.memory_space<vmem>> -> memref<1x128x128xf32, #tpu.memory_space<vmem>>
    %dma_start3A_260 = tpu.memref_squeeze %dma_start3A_259 : memref<1x128x128xf32, #tpu.memory_space<vmem>> -> memref<128x128xf32, #tpu.memory_space<vmem>>
    %dma_start3A_261 = arith.constant 0 : i32
    %dma_start3A_262 = tpu.memref_slice %arg5[%dma_start3A_255, %dma_start3A_261] : memref<26x128xi32, #tpu.memory_space<vmem>> -> memref<1x128xi32, #tpu.memory_space<vmem>>
    %dma_start3A_263 = tpu.memref_squeeze %dma_start3A_262 : memref<1x128xi32, #tpu.memory_space<vmem>> -> memref<128xi32, #tpu.memory_space<vmem>>
    %dma_start3A_264 = arith.constant 0 : i32
    %dma_start3A_265 = arith.constant 0 : i32
    %dma_start3A_266 = tpu.memref_slice %arg3[%dma_start3A_264, %dma_start3A_265] : memref<2600208x128xf32, #tpu.memory_space<hbm>> -> memref<2600208x128xf32, #tpu.memory_space<hbm>>
    tpu.enqueue_indirect_dma source(%dma_start3A_266 : memref<2600208x128xf32, #tpu.memory_space<hbm>>) target(%dma_start3A_260 : memref<128x128xf32, #tpu.memory_space<vmem>>) offsets(%dma_start3A_263 : memref<128xi32, #tpu.memory_space<vmem>>) semaphore(%arg7 : memref<!tpu.dma_semaphore, #tpu.memory_space<semaphore_mem>>)
    %dma_wait3A_267 = arith.constant 9 : i32
    %dma_wait3A_268 = arith.constant 1 : i32
    %dma_wait3A_269 = arith.constant 0 : i32
    %dma_wait3A_270 = arith.constant 0 : i32
    %dma_wait3A_271 = tpu.memref_slice %arg6[%dma_wait3A_268, %dma_wait3A_269, %dma_wait3A_270] : memref<2x128x128xf32, #tpu.memory_space<vmem>> -> memref<1x128x128xf32, #tpu.memory_space<vmem>>
    %dma_wait3A_272 = tpu.memref_squeeze %dma_wait3A_271 : memref<1x128x128xf32, #tpu.memory_space<vmem>> -> memref<128x128xf32, #tpu.memory_space<vmem>>
    %dma_wait3A_273 = arith.constant 0 : i32
    %dma_wait3A_274 = tpu.memref_slice %arg5[%dma_wait3A_267, %dma_wait3A_273] : memref<26x128xi32, #tpu.memory_space<vmem>> -> memref<1x128xi32, #tpu.memory_space<vmem>>
    %dma_wait3A_275 = tpu.memref_squeeze %dma_wait3A_274 : memref<1x128xi32, #tpu.memory_space<vmem>> -> memref<128xi32, #tpu.memory_space<vmem>>
    %dma_wait3A_276 = arith.constant 0 : i32
    %dma_wait3A_277 = arith.constant 0 : i32
    %dma_wait3A_278 = tpu.memref_slice %arg3[%dma_wait3A_276, %dma_wait3A_277] : memref<2600208x128xf32, #tpu.memory_space<hbm>> -> memref<2600208x128xf32, #tpu.memory_space<hbm>>
    tpu.wait_indirect_dma semaphore(%arg7 : memref<!tpu.dma_semaphore, #tpu.memory_space<semaphore_mem>>) src(%dma_wait3A_278 : memref<2600208x128xf32, #tpu.memory_space<hbm>>) dst(%dma_wait3A_272 : memref<128x128xf32, #tpu.memory_space<vmem>>)
    %add3A_279 = arith.constant 1152 : i32
    %add3A_280 = arith.addi %mul3A_2, %add3A_279 : i32
    %run_scoped3A_281 = arith.constant 1 : i32
    "tpu.region"() ({
      %run_scoped3A_702 = tpu.sem_alloc : memref<!tpu.dma_semaphore, #tpu.memory_space<semaphore_mem>>
      %dma_start3A_703 = arith.constant 0 : i32
      %dma_start3A_704 = arith.constant 0 : i32
      %dma_start3A_705 = tpu.memref_slice %arg6[%run_scoped3A_281, %dma_start3A_703, %dma_start3A_704] : memref<2x128x128xf32, #tpu.memory_space<vmem>> -> memref<1x128x128xf32, #tpu.memory_space<vmem>>
      %dma_start3A_706 = tpu.memref_squeeze %dma_start3A_705 : memref<1x128x128xf32, #tpu.memory_space<vmem>> -> memref<128x128xf32, #tpu.memory_space<vmem>>
      %dma_start3A_707 = arith.constant 0 : i32
      %dma_start3A_708 = tpu.memref_slice %arg4[%add3A_280, %dma_start3A_707] : memref<106496x128xf32, #tpu.memory_space<hbm>> -> memref<128x128xf32, #tpu.memory_space<hbm>>
      %dma_start3A_709 = arith.constant 0 : i32
      %dma_start3A_710 = tpu.memref_slice %arg4[%add3A_280, %dma_start3A_709] : memref<106496x128xf32, #tpu.memory_space<hbm>> -> memref<128x128xf32, #tpu.memory_space<hbm>>
      %dma_start3A_711 = arith.constant 0 : i32
      %dma_start3A_712 = arith.constant 0 : i32
      %dma_start3A_713 = tpu.memref_slice %arg6[%run_scoped3A_281, %dma_start3A_711, %dma_start3A_712] : memref<2x128x128xf32, #tpu.memory_space<vmem>> -> memref<1x128x128xf32, #tpu.memory_space<vmem>>
      %dma_start3A_714 = tpu.memref_squeeze %dma_start3A_713 : memref<1x128x128xf32, #tpu.memory_space<vmem>> -> memref<128x128xf32, #tpu.memory_space<vmem>>
      tpu.enqueue_dma source(%dma_start3A_714 : memref<128x128xf32, #tpu.memory_space<vmem>>) target(%dma_start3A_710 : memref<128x128xf32, #tpu.memory_space<hbm>>) target_semaphore(%run_scoped3A_702 : memref<!tpu.dma_semaphore, #tpu.memory_space<semaphore_mem>>)
      %dma_wait3A_715 = arith.constant 0 : i32
      %dma_wait3A_716 = arith.constant 0 : i32
      %dma_wait3A_717 = tpu.memref_slice %arg6[%run_scoped3A_281, %dma_wait3A_715, %dma_wait3A_716] : memref<2x128x128xf32, #tpu.memory_space<vmem>> -> memref<1x128x128xf32, #tpu.memory_space<vmem>>
      %dma_wait3A_718 = tpu.memref_squeeze %dma_wait3A_717 : memref<1x128x128xf32, #tpu.memory_space<vmem>> -> memref<128x128xf32, #tpu.memory_space<vmem>>
      %dma_wait3A_719 = arith.constant 0 : i32
      %dma_wait3A_720 = tpu.memref_slice %arg4[%add3A_280, %dma_wait3A_719] : memref<106496x128xf32, #tpu.memory_space<hbm>> -> memref<128x128xf32, #tpu.memory_space<hbm>>
      %dma_wait3A_721 = arith.constant 0 : i32
      %dma_wait3A_722 = tpu.memref_slice %arg4[%add3A_280, %dma_wait3A_721] : memref<106496x128xf32, #tpu.memory_space<hbm>> -> memref<128x128xf32, #tpu.memory_space<hbm>>
      %dma_wait3A_723 = arith.constant 0 : i32
      %dma_wait3A_724 = arith.constant 0 : i32
      %dma_wait3A_725 = tpu.memref_slice %arg6[%run_scoped3A_281, %dma_wait3A_723, %dma_wait3A_724] : memref<2x128x128xf32, #tpu.memory_space<vmem>> -> memref<1x128x128xf32, #tpu.memory_space<vmem>>
      %dma_wait3A_726 = tpu.memref_squeeze %dma_wait3A_725 : memref<1x128x128xf32, #tpu.memory_space<vmem>> -> memref<128x128xf32, #tpu.memory_space<vmem>>
      tpu.wait_dma2 semaphore(%run_scoped3A_702 : memref<!tpu.dma_semaphore, #tpu.memory_space<semaphore_mem>>) src(%dma_wait3A_726 : memref<128x128xf32, #tpu.memory_space<vmem>>) dst(%dma_wait3A_722 : memref<128x128xf32, #tpu.memory_space<hbm>>)
      tpu.yield
    }) : () -> ()
    %dma_start3A_282 = arith.constant 11 : i32
    %dma_start3A_283 = arith.constant 1 : i32
    %dma_start3A_284 = arith.constant 0 : i32
    %dma_start3A_285 = arith.constant 0 : i32
    %dma_start3A_286 = tpu.memref_slice %arg6[%dma_start3A_283, %dma_start3A_284, %dma_start3A_285] : memref<2x128x128xf32, #tpu.memory_space<vmem>> -> memref<1x128x128xf32, #tpu.memory_space<vmem>>
    %dma_start3A_287 = tpu.memref_squeeze %dma_start3A_286 : memref<1x128x128xf32, #tpu.memory_space<vmem>> -> memref<128x128xf32, #tpu.memory_space<vmem>>
    %dma_start3A_288 = arith.constant 0 : i32
    %dma_start3A_289 = tpu.memref_slice %arg5[%dma_start3A_282, %dma_start3A_288] : memref<26x128xi32, #tpu.memory_space<vmem>> -> memref<1x128xi32, #tpu.memory_space<vmem>>
    %dma_start3A_290 = tpu.memref_squeeze %dma_start3A_289 : memref<1x128xi32, #tpu.memory_space<vmem>> -> memref<128xi32, #tpu.memory_space<vmem>>
    %dma_start3A_291 = arith.constant 0 : i32
    %dma_start3A_292 = arith.constant 0 : i32
    %dma_start3A_293 = tpu.memref_slice %arg3[%dma_start3A_291, %dma_start3A_292] : memref<2600208x128xf32, #tpu.memory_space<hbm>> -> memref<2600208x128xf32, #tpu.memory_space<hbm>>
    tpu.enqueue_indirect_dma source(%dma_start3A_293 : memref<2600208x128xf32, #tpu.memory_space<hbm>>) target(%dma_start3A_287 : memref<128x128xf32, #tpu.memory_space<vmem>>) offsets(%dma_start3A_290 : memref<128xi32, #tpu.memory_space<vmem>>) semaphore(%arg7 : memref<!tpu.dma_semaphore, #tpu.memory_space<semaphore_mem>>)
    %dma_wait3A_294 = arith.constant 10 : i32
    %dma_wait3A_295 = arith.constant 0 : i32
    %dma_wait3A_296 = arith.constant 0 : i32
    %dma_wait3A_297 = arith.constant 0 : i32
    %dma_wait3A_298 = tpu.memref_slice %arg6[%dma_wait3A_295, %dma_wait3A_296, %dma_wait3A_297] : memref<2x128x128xf32, #tpu.memory_space<vmem>> -> memref<1x128x128xf32, #tpu.memory_space<vmem>>
    %dma_wait3A_299 = tpu.memref_squeeze %dma_wait3A_298 : memref<1x128x128xf32, #tpu.memory_space<vmem>> -> memref<128x128xf32, #tpu.memory_space<vmem>>
    %dma_wait3A_300 = arith.constant 0 : i32
    %dma_wait3A_301 = tpu.memref_slice %arg5[%dma_wait3A_294, %dma_wait3A_300] : memref<26x128xi32, #tpu.memory_space<vmem>> -> memref<1x128xi32, #tpu.memory_space<vmem>>
    %dma_wait3A_302 = tpu.memref_squeeze %dma_wait3A_301 : memref<1x128xi32, #tpu.memory_space<vmem>> -> memref<128xi32, #tpu.memory_space<vmem>>
    %dma_wait3A_303 = arith.constant 0 : i32
    %dma_wait3A_304 = arith.constant 0 : i32
    %dma_wait3A_305 = tpu.memref_slice %arg3[%dma_wait3A_303, %dma_wait3A_304] : memref<2600208x128xf32, #tpu.memory_space<hbm>> -> memref<2600208x128xf32, #tpu.memory_space<hbm>>
    tpu.wait_indirect_dma semaphore(%arg7 : memref<!tpu.dma_semaphore, #tpu.memory_space<semaphore_mem>>) src(%dma_wait3A_305 : memref<2600208x128xf32, #tpu.memory_space<hbm>>) dst(%dma_wait3A_299 : memref<128x128xf32, #tpu.memory_space<vmem>>)
    %add3A_306 = arith.constant 1280 : i32
    %add3A_307 = arith.addi %mul3A_2, %add3A_306 : i32
    %run_scoped3A_308 = arith.constant 0 : i32
    "tpu.region"() ({
      %run_scoped3A_702 = tpu.sem_alloc : memref<!tpu.dma_semaphore, #tpu.memory_space<semaphore_mem>>
      %dma_start3A_703 = arith.constant 0 : i32
      %dma_start3A_704 = arith.constant 0 : i32
      %dma_start3A_705 = tpu.memref_slice %arg6[%run_scoped3A_308, %dma_start3A_703, %dma_start3A_704] : memref<2x128x128xf32, #tpu.memory_space<vmem>> -> memref<1x128x128xf32, #tpu.memory_space<vmem>>
      %dma_start3A_706 = tpu.memref_squeeze %dma_start3A_705 : memref<1x128x128xf32, #tpu.memory_space<vmem>> -> memref<128x128xf32, #tpu.memory_space<vmem>>
      %dma_start3A_707 = arith.constant 0 : i32
      %dma_start3A_708 = tpu.memref_slice %arg4[%add3A_307, %dma_start3A_707] : memref<106496x128xf32, #tpu.memory_space<hbm>> -> memref<128x128xf32, #tpu.memory_space<hbm>>
      %dma_start3A_709 = arith.constant 0 : i32
      %dma_start3A_710 = tpu.memref_slice %arg4[%add3A_307, %dma_start3A_709] : memref<106496x128xf32, #tpu.memory_space<hbm>> -> memref<128x128xf32, #tpu.memory_space<hbm>>
      %dma_start3A_711 = arith.constant 0 : i32
      %dma_start3A_712 = arith.constant 0 : i32
      %dma_start3A_713 = tpu.memref_slice %arg6[%run_scoped3A_308, %dma_start3A_711, %dma_start3A_712] : memref<2x128x128xf32, #tpu.memory_space<vmem>> -> memref<1x128x128xf32, #tpu.memory_space<vmem>>
      %dma_start3A_714 = tpu.memref_squeeze %dma_start3A_713 : memref<1x128x128xf32, #tpu.memory_space<vmem>> -> memref<128x128xf32, #tpu.memory_space<vmem>>
      tpu.enqueue_dma source(%dma_start3A_714 : memref<128x128xf32, #tpu.memory_space<vmem>>) target(%dma_start3A_710 : memref<128x128xf32, #tpu.memory_space<hbm>>) target_semaphore(%run_scoped3A_702 : memref<!tpu.dma_semaphore, #tpu.memory_space<semaphore_mem>>)
      %dma_wait3A_715 = arith.constant 0 : i32
      %dma_wait3A_716 = arith.constant 0 : i32
      %dma_wait3A_717 = tpu.memref_slice %arg6[%run_scoped3A_308, %dma_wait3A_715, %dma_wait3A_716] : memref<2x128x128xf32, #tpu.memory_space<vmem>> -> memref<1x128x128xf32, #tpu.memory_space<vmem>>
      %dma_wait3A_718 = tpu.memref_squeeze %dma_wait3A_717 : memref<1x128x128xf32, #tpu.memory_space<vmem>> -> memref<128x128xf32, #tpu.memory_space<vmem>>
      %dma_wait3A_719 = arith.constant 0 : i32
      %dma_wait3A_720 = tpu.memref_slice %arg4[%add3A_307, %dma_wait3A_719] : memref<106496x128xf32, #tpu.memory_space<hbm>> -> memref<128x128xf32, #tpu.memory_space<hbm>>
      %dma_wait3A_721 = arith.constant 0 : i32
      %dma_wait3A_722 = tpu.memref_slice %arg4[%add3A_307, %dma_wait3A_721] : memref<106496x128xf32, #tpu.memory_space<hbm>> -> memref<128x128xf32, #tpu.memory_space<hbm>>
      %dma_wait3A_723 = arith.constant 0 : i32
      %dma_wait3A_724 = arith.constant 0 : i32
      %dma_wait3A_725 = tpu.memref_slice %arg6[%run_scoped3A_308, %dma_wait3A_723, %dma_wait3A_724] : memref<2x128x128xf32, #tpu.memory_space<vmem>> -> memref<1x128x128xf32, #tpu.memory_space<vmem>>
      %dma_wait3A_726 = tpu.memref_squeeze %dma_wait3A_725 : memref<1x128x128xf32, #tpu.memory_space<vmem>> -> memref<128x128xf32, #tpu.memory_space<vmem>>
      tpu.wait_dma2 semaphore(%run_scoped3A_702 : memref<!tpu.dma_semaphore, #tpu.memory_space<semaphore_mem>>) src(%dma_wait3A_726 : memref<128x128xf32, #tpu.memory_space<vmem>>) dst(%dma_wait3A_722 : memref<128x128xf32, #tpu.memory_space<hbm>>)
      tpu.yield
    }) : () -> ()
    %dma_start3A_309 = arith.constant 12 : i32
    %dma_start3A_310 = arith.constant 0 : i32
    %dma_start3A_311 = arith.constant 0 : i32
    %dma_start3A_312 = arith.constant 0 : i32
    %dma_start3A_313 = tpu.memref_slice %arg6[%dma_start3A_310, %dma_start3A_311, %dma_start3A_312] : memref<2x128x128xf32, #tpu.memory_space<vmem>> -> memref<1x128x128xf32, #tpu.memory_space<vmem>>
    %dma_start3A_314 = tpu.memref_squeeze %dma_start3A_313 : memref<1x128x128xf32, #tpu.memory_space<vmem>> -> memref<128x128xf32, #tpu.memory_space<vmem>>
    %dma_start3A_315 = arith.constant 0 : i32
    %dma_start3A_316 = tpu.memref_slice %arg5[%dma_start3A_309, %dma_start3A_315] : memref<26x128xi32, #tpu.memory_space<vmem>> -> memref<1x128xi32, #tpu.memory_space<vmem>>
    %dma_start3A_317 = tpu.memref_squeeze %dma_start3A_316 : memref<1x128xi32, #tpu.memory_space<vmem>> -> memref<128xi32, #tpu.memory_space<vmem>>
    %dma_start3A_318 = arith.constant 0 : i32
    %dma_start3A_319 = arith.constant 0 : i32
    %dma_start3A_320 = tpu.memref_slice %arg3[%dma_start3A_318, %dma_start3A_319] : memref<2600208x128xf32, #tpu.memory_space<hbm>> -> memref<2600208x128xf32, #tpu.memory_space<hbm>>
    tpu.enqueue_indirect_dma source(%dma_start3A_320 : memref<2600208x128xf32, #tpu.memory_space<hbm>>) target(%dma_start3A_314 : memref<128x128xf32, #tpu.memory_space<vmem>>) offsets(%dma_start3A_317 : memref<128xi32, #tpu.memory_space<vmem>>) semaphore(%arg7 : memref<!tpu.dma_semaphore, #tpu.memory_space<semaphore_mem>>)
    %dma_wait3A_321 = arith.constant 11 : i32
    %dma_wait3A_322 = arith.constant 1 : i32
    %dma_wait3A_323 = arith.constant 0 : i32
    %dma_wait3A_324 = arith.constant 0 : i32
    %dma_wait3A_325 = tpu.memref_slice %arg6[%dma_wait3A_322, %dma_wait3A_323, %dma_wait3A_324] : memref<2x128x128xf32, #tpu.memory_space<vmem>> -> memref<1x128x128xf32, #tpu.memory_space<vmem>>
    %dma_wait3A_326 = tpu.memref_squeeze %dma_wait3A_325 : memref<1x128x128xf32, #tpu.memory_space<vmem>> -> memref<128x128xf32, #tpu.memory_space<vmem>>
    %dma_wait3A_327 = arith.constant 0 : i32
    %dma_wait3A_328 = tpu.memref_slice %arg5[%dma_wait3A_321, %dma_wait3A_327] : memref<26x128xi32, #tpu.memory_space<vmem>> -> memref<1x128xi32, #tpu.memory_space<vmem>>
    %dma_wait3A_329 = tpu.memref_squeeze %dma_wait3A_328 : memref<1x128xi32, #tpu.memory_space<vmem>> -> memref<128xi32, #tpu.memory_space<vmem>>
    %dma_wait3A_330 = arith.constant 0 : i32
    %dma_wait3A_331 = arith.constant 0 : i32
    %dma_wait3A_332 = tpu.memref_slice %arg3[%dma_wait3A_330, %dma_wait3A_331] : memref<2600208x128xf32, #tpu.memory_space<hbm>> -> memref<2600208x128xf32, #tpu.memory_space<hbm>>
    tpu.wait_indirect_dma semaphore(%arg7 : memref<!tpu.dma_semaphore, #tpu.memory_space<semaphore_mem>>) src(%dma_wait3A_332 : memref<2600208x128xf32, #tpu.memory_space<hbm>>) dst(%dma_wait3A_326 : memref<128x128xf32, #tpu.memory_space<vmem>>)
    %add3A_333 = arith.constant 1408 : i32
    %add3A_334 = arith.addi %mul3A_2, %add3A_333 : i32
    %run_scoped3A_335 = arith.constant 1 : i32
    "tpu.region"() ({
      %run_scoped3A_702 = tpu.sem_alloc : memref<!tpu.dma_semaphore, #tpu.memory_space<semaphore_mem>>
      %dma_start3A_703 = arith.constant 0 : i32
      %dma_start3A_704 = arith.constant 0 : i32
      %dma_start3A_705 = tpu.memref_slice %arg6[%run_scoped3A_335, %dma_start3A_703, %dma_start3A_704] : memref<2x128x128xf32, #tpu.memory_space<vmem>> -> memref<1x128x128xf32, #tpu.memory_space<vmem>>
      %dma_start3A_706 = tpu.memref_squeeze %dma_start3A_705 : memref<1x128x128xf32, #tpu.memory_space<vmem>> -> memref<128x128xf32, #tpu.memory_space<vmem>>
      %dma_start3A_707 = arith.constant 0 : i32
      %dma_start3A_708 = tpu.memref_slice %arg4[%add3A_334, %dma_start3A_707] : memref<106496x128xf32, #tpu.memory_space<hbm>> -> memref<128x128xf32, #tpu.memory_space<hbm>>
      %dma_start3A_709 = arith.constant 0 : i32
      %dma_start3A_710 = tpu.memref_slice %arg4[%add3A_334, %dma_start3A_709] : memref<106496x128xf32, #tpu.memory_space<hbm>> -> memref<128x128xf32, #tpu.memory_space<hbm>>
      %dma_start3A_711 = arith.constant 0 : i32
      %dma_start3A_712 = arith.constant 0 : i32
      %dma_start3A_713 = tpu.memref_slice %arg6[%run_scoped3A_335, %dma_start3A_711, %dma_start3A_712] : memref<2x128x128xf32, #tpu.memory_space<vmem>> -> memref<1x128x128xf32, #tpu.memory_space<vmem>>
      %dma_start3A_714 = tpu.memref_squeeze %dma_start3A_713 : memref<1x128x128xf32, #tpu.memory_space<vmem>> -> memref<128x128xf32, #tpu.memory_space<vmem>>
      tpu.enqueue_dma source(%dma_start3A_714 : memref<128x128xf32, #tpu.memory_space<vmem>>) target(%dma_start3A_710 : memref<128x128xf32, #tpu.memory_space<hbm>>) target_semaphore(%run_scoped3A_702 : memref<!tpu.dma_semaphore, #tpu.memory_space<semaphore_mem>>)
      %dma_wait3A_715 = arith.constant 0 : i32
      %dma_wait3A_716 = arith.constant 0 : i32
      %dma_wait3A_717 = tpu.memref_slice %arg6[%run_scoped3A_335, %dma_wait3A_715, %dma_wait3A_716] : memref<2x128x128xf32, #tpu.memory_space<vmem>> -> memref<1x128x128xf32, #tpu.memory_space<vmem>>
      %dma_wait3A_718 = tpu.memref_squeeze %dma_wait3A_717 : memref<1x128x128xf32, #tpu.memory_space<vmem>> -> memref<128x128xf32, #tpu.memory_space<vmem>>
      %dma_wait3A_719 = arith.constant 0 : i32
      %dma_wait3A_720 = tpu.memref_slice %arg4[%add3A_334, %dma_wait3A_719] : memref<106496x128xf32, #tpu.memory_space<hbm>> -> memref<128x128xf32, #tpu.memory_space<hbm>>
      %dma_wait3A_721 = arith.constant 0 : i32
      %dma_wait3A_722 = tpu.memref_slice %arg4[%add3A_334, %dma_wait3A_721] : memref<106496x128xf32, #tpu.memory_space<hbm>> -> memref<128x128xf32, #tpu.memory_space<hbm>>
      %dma_wait3A_723 = arith.constant 0 : i32
      %dma_wait3A_724 = arith.constant 0 : i32
      %dma_wait3A_725 = tpu.memref_slice %arg6[%run_scoped3A_335, %dma_wait3A_723, %dma_wait3A_724] : memref<2x128x128xf32, #tpu.memory_space<vmem>> -> memref<1x128x128xf32, #tpu.memory_space<vmem>>
      %dma_wait3A_726 = tpu.memref_squeeze %dma_wait3A_725 : memref<1x128x128xf32, #tpu.memory_space<vmem>> -> memref<128x128xf32, #tpu.memory_space<vmem>>
      tpu.wait_dma2 semaphore(%run_scoped3A_702 : memref<!tpu.dma_semaphore, #tpu.memory_space<semaphore_mem>>) src(%dma_wait3A_726 : memref<128x128xf32, #tpu.memory_space<vmem>>) dst(%dma_wait3A_722 : memref<128x128xf32, #tpu.memory_space<hbm>>)
      tpu.yield
    }) : () -> ()
    %dma_start3A_336 = arith.constant 13 : i32
    %dma_start3A_337 = arith.constant 1 : i32
    %dma_start3A_338 = arith.constant 0 : i32
    %dma_start3A_339 = arith.constant 0 : i32
    %dma_start3A_340 = tpu.memref_slice %arg6[%dma_start3A_337, %dma_start3A_338, %dma_start3A_339] : memref<2x128x128xf32, #tpu.memory_space<vmem>> -> memref<1x128x128xf32, #tpu.memory_space<vmem>>
    %dma_start3A_341 = tpu.memref_squeeze %dma_start3A_340 : memref<1x128x128xf32, #tpu.memory_space<vmem>> -> memref<128x128xf32, #tpu.memory_space<vmem>>
    %dma_start3A_342 = arith.constant 0 : i32
    %dma_start3A_343 = tpu.memref_slice %arg5[%dma_start3A_336, %dma_start3A_342] : memref<26x128xi32, #tpu.memory_space<vmem>> -> memref<1x128xi32, #tpu.memory_space<vmem>>
    %dma_start3A_344 = tpu.memref_squeeze %dma_start3A_343 : memref<1x128xi32, #tpu.memory_space<vmem>> -> memref<128xi32, #tpu.memory_space<vmem>>
    %dma_start3A_345 = arith.constant 0 : i32
    %dma_start3A_346 = arith.constant 0 : i32
    %dma_start3A_347 = tpu.memref_slice %arg3[%dma_start3A_345, %dma_start3A_346] : memref<2600208x128xf32, #tpu.memory_space<hbm>> -> memref<2600208x128xf32, #tpu.memory_space<hbm>>
    tpu.enqueue_indirect_dma source(%dma_start3A_347 : memref<2600208x128xf32, #tpu.memory_space<hbm>>) target(%dma_start3A_341 : memref<128x128xf32, #tpu.memory_space<vmem>>) offsets(%dma_start3A_344 : memref<128xi32, #tpu.memory_space<vmem>>) semaphore(%arg7 : memref<!tpu.dma_semaphore, #tpu.memory_space<semaphore_mem>>)
    %dma_wait3A_348 = arith.constant 12 : i32
    %dma_wait3A_349 = arith.constant 0 : i32
    %dma_wait3A_350 = arith.constant 0 : i32
    %dma_wait3A_351 = arith.constant 0 : i32
    %dma_wait3A_352 = tpu.memref_slice %arg6[%dma_wait3A_349, %dma_wait3A_350, %dma_wait3A_351] : memref<2x128x128xf32, #tpu.memory_space<vmem>> -> memref<1x128x128xf32, #tpu.memory_space<vmem>>
    %dma_wait3A_353 = tpu.memref_squeeze %dma_wait3A_352 : memref<1x128x128xf32, #tpu.memory_space<vmem>> -> memref<128x128xf32, #tpu.memory_space<vmem>>
    %dma_wait3A_354 = arith.constant 0 : i32
    %dma_wait3A_355 = tpu.memref_slice %arg5[%dma_wait3A_348, %dma_wait3A_354] : memref<26x128xi32, #tpu.memory_space<vmem>> -> memref<1x128xi32, #tpu.memory_space<vmem>>
    %dma_wait3A_356 = tpu.memref_squeeze %dma_wait3A_355 : memref<1x128xi32, #tpu.memory_space<vmem>> -> memref<128xi32, #tpu.memory_space<vmem>>
    %dma_wait3A_357 = arith.constant 0 : i32
    %dma_wait3A_358 = arith.constant 0 : i32
    %dma_wait3A_359 = tpu.memref_slice %arg3[%dma_wait3A_357, %dma_wait3A_358] : memref<2600208x128xf32, #tpu.memory_space<hbm>> -> memref<2600208x128xf32, #tpu.memory_space<hbm>>
    tpu.wait_indirect_dma semaphore(%arg7 : memref<!tpu.dma_semaphore, #tpu.memory_space<semaphore_mem>>) src(%dma_wait3A_359 : memref<2600208x128xf32, #tpu.memory_space<hbm>>) dst(%dma_wait3A_353 : memref<128x128xf32, #tpu.memory_space<vmem>>)
    %add3A_360 = arith.constant 1536 : i32
    %add3A_361 = arith.addi %mul3A_2, %add3A_360 : i32
    %run_scoped3A_362 = arith.constant 0 : i32
    "tpu.region"() ({
      %run_scoped3A_702 = tpu.sem_alloc : memref<!tpu.dma_semaphore, #tpu.memory_space<semaphore_mem>>
      %dma_start3A_703 = arith.constant 0 : i32
      %dma_start3A_704 = arith.constant 0 : i32
      %dma_start3A_705 = tpu.memref_slice %arg6[%run_scoped3A_362, %dma_start3A_703, %dma_start3A_704] : memref<2x128x128xf32, #tpu.memory_space<vmem>> -> memref<1x128x128xf32, #tpu.memory_space<vmem>>
      %dma_start3A_706 = tpu.memref_squeeze %dma_start3A_705 : memref<1x128x128xf32, #tpu.memory_space<vmem>> -> memref<128x128xf32, #tpu.memory_space<vmem>>
      %dma_start3A_707 = arith.constant 0 : i32
      %dma_start3A_708 = tpu.memref_slice %arg4[%add3A_361, %dma_start3A_707] : memref<106496x128xf32, #tpu.memory_space<hbm>> -> memref<128x128xf32, #tpu.memory_space<hbm>>
      %dma_start3A_709 = arith.constant 0 : i32
      %dma_start3A_710 = tpu.memref_slice %arg4[%add3A_361, %dma_start3A_709] : memref<106496x128xf32, #tpu.memory_space<hbm>> -> memref<128x128xf32, #tpu.memory_space<hbm>>
      %dma_start3A_711 = arith.constant 0 : i32
      %dma_start3A_712 = arith.constant 0 : i32
      %dma_start3A_713 = tpu.memref_slice %arg6[%run_scoped3A_362, %dma_start3A_711, %dma_start3A_712] : memref<2x128x128xf32, #tpu.memory_space<vmem>> -> memref<1x128x128xf32, #tpu.memory_space<vmem>>
      %dma_start3A_714 = tpu.memref_squeeze %dma_start3A_713 : memref<1x128x128xf32, #tpu.memory_space<vmem>> -> memref<128x128xf32, #tpu.memory_space<vmem>>
      tpu.enqueue_dma source(%dma_start3A_714 : memref<128x128xf32, #tpu.memory_space<vmem>>) target(%dma_start3A_710 : memref<128x128xf32, #tpu.memory_space<hbm>>) target_semaphore(%run_scoped3A_702 : memref<!tpu.dma_semaphore, #tpu.memory_space<semaphore_mem>>)
      %dma_wait3A_715 = arith.constant 0 : i32
      %dma_wait3A_716 = arith.constant 0 : i32
      %dma_wait3A_717 = tpu.memref_slice %arg6[%run_scoped3A_362, %dma_wait3A_715, %dma_wait3A_716] : memref<2x128x128xf32, #tpu.memory_space<vmem>> -> memref<1x128x128xf32, #tpu.memory_space<vmem>>
      %dma_wait3A_718 = tpu.memref_squeeze %dma_wait3A_717 : memref<1x128x128xf32, #tpu.memory_space<vmem>> -> memref<128x128xf32, #tpu.memory_space<vmem>>
      %dma_wait3A_719 = arith.constant 0 : i32
      %dma_wait3A_720 = tpu.memref_slice %arg4[%add3A_361, %dma_wait3A_719] : memref<106496x128xf32, #tpu.memory_space<hbm>> -> memref<128x128xf32, #tpu.memory_space<hbm>>
      %dma_wait3A_721 = arith.constant 0 : i32
      %dma_wait3A_722 = tpu.memref_slice %arg4[%add3A_361, %dma_wait3A_721] : memref<106496x128xf32, #tpu.memory_space<hbm>> -> memref<128x128xf32, #tpu.memory_space<hbm>>
      %dma_wait3A_723 = arith.constant 0 : i32
      %dma_wait3A_724 = arith.constant 0 : i32
      %dma_wait3A_725 = tpu.memref_slice %arg6[%run_scoped3A_362, %dma_wait3A_723, %dma_wait3A_724] : memref<2x128x128xf32, #tpu.memory_space<vmem>> -> memref<1x128x128xf32, #tpu.memory_space<vmem>>
      %dma_wait3A_726 = tpu.memref_squeeze %dma_wait3A_725 : memref<1x128x128xf32, #tpu.memory_space<vmem>> -> memref<128x128xf32, #tpu.memory_space<vmem>>
      tpu.wait_dma2 semaphore(%run_scoped3A_702 : memref<!tpu.dma_semaphore, #tpu.memory_space<semaphore_mem>>) src(%dma_wait3A_726 : memref<128x128xf32, #tpu.memory_space<vmem>>) dst(%dma_wait3A_722 : memref<128x128xf32, #tpu.memory_space<hbm>>)
      tpu.yield
    }) : () -> ()
    %dma_start3A_363 = arith.constant 14 : i32
    %dma_start3A_364 = arith.constant 0 : i32
    %dma_start3A_365 = arith.constant 0 : i32
    %dma_start3A_366 = arith.constant 0 : i32
    %dma_start3A_367 = tpu.memref_slice %arg6[%dma_start3A_364, %dma_start3A_365, %dma_start3A_366] : memref<2x128x128xf32, #tpu.memory_space<vmem>> -> memref<1x128x128xf32, #tpu.memory_space<vmem>>
    %dma_start3A_368 = tpu.memref_squeeze %dma_start3A_367 : memref<1x128x128xf32, #tpu.memory_space<vmem>> -> memref<128x128xf32, #tpu.memory_space<vmem>>
    %dma_start3A_369 = arith.constant 0 : i32
    %dma_start3A_370 = tpu.memref_slice %arg5[%dma_start3A_363, %dma_start3A_369] : memref<26x128xi32, #tpu.memory_space<vmem>> -> memref<1x128xi32, #tpu.memory_space<vmem>>
    %dma_start3A_371 = tpu.memref_squeeze %dma_start3A_370 : memref<1x128xi32, #tpu.memory_space<vmem>> -> memref<128xi32, #tpu.memory_space<vmem>>
    %dma_start3A_372 = arith.constant 0 : i32
    %dma_start3A_373 = arith.constant 0 : i32
    %dma_start3A_374 = tpu.memref_slice %arg3[%dma_start3A_372, %dma_start3A_373] : memref<2600208x128xf32, #tpu.memory_space<hbm>> -> memref<2600208x128xf32, #tpu.memory_space<hbm>>
    tpu.enqueue_indirect_dma source(%dma_start3A_374 : memref<2600208x128xf32, #tpu.memory_space<hbm>>) target(%dma_start3A_368 : memref<128x128xf32, #tpu.memory_space<vmem>>) offsets(%dma_start3A_371 : memref<128xi32, #tpu.memory_space<vmem>>) semaphore(%arg7 : memref<!tpu.dma_semaphore, #tpu.memory_space<semaphore_mem>>)
    %dma_wait3A_375 = arith.constant 13 : i32
    %dma_wait3A_376 = arith.constant 1 : i32
    %dma_wait3A_377 = arith.constant 0 : i32
    %dma_wait3A_378 = arith.constant 0 : i32
    %dma_wait3A_379 = tpu.memref_slice %arg6[%dma_wait3A_376, %dma_wait3A_377, %dma_wait3A_378] : memref<2x128x128xf32, #tpu.memory_space<vmem>> -> memref<1x128x128xf32, #tpu.memory_space<vmem>>
    %dma_wait3A_380 = tpu.memref_squeeze %dma_wait3A_379 : memref<1x128x128xf32, #tpu.memory_space<vmem>> -> memref<128x128xf32, #tpu.memory_space<vmem>>
    %dma_wait3A_381 = arith.constant 0 : i32
    %dma_wait3A_382 = tpu.memref_slice %arg5[%dma_wait3A_375, %dma_wait3A_381] : memref<26x128xi32, #tpu.memory_space<vmem>> -> memref<1x128xi32, #tpu.memory_space<vmem>>
    %dma_wait3A_383 = tpu.memref_squeeze %dma_wait3A_382 : memref<1x128xi32, #tpu.memory_space<vmem>> -> memref<128xi32, #tpu.memory_space<vmem>>
    %dma_wait3A_384 = arith.constant 0 : i32
    %dma_wait3A_385 = arith.constant 0 : i32
    %dma_wait3A_386 = tpu.memref_slice %arg3[%dma_wait3A_384, %dma_wait3A_385] : memref<2600208x128xf32, #tpu.memory_space<hbm>> -> memref<2600208x128xf32, #tpu.memory_space<hbm>>
    tpu.wait_indirect_dma semaphore(%arg7 : memref<!tpu.dma_semaphore, #tpu.memory_space<semaphore_mem>>) src(%dma_wait3A_386 : memref<2600208x128xf32, #tpu.memory_space<hbm>>) dst(%dma_wait3A_380 : memref<128x128xf32, #tpu.memory_space<vmem>>)
    %add3A_387 = arith.constant 1664 : i32
    %add3A_388 = arith.addi %mul3A_2, %add3A_387 : i32
    %run_scoped3A_389 = arith.constant 1 : i32
    "tpu.region"() ({
      %run_scoped3A_702 = tpu.sem_alloc : memref<!tpu.dma_semaphore, #tpu.memory_space<semaphore_mem>>
      %dma_start3A_703 = arith.constant 0 : i32
      %dma_start3A_704 = arith.constant 0 : i32
      %dma_start3A_705 = tpu.memref_slice %arg6[%run_scoped3A_389, %dma_start3A_703, %dma_start3A_704] : memref<2x128x128xf32, #tpu.memory_space<vmem>> -> memref<1x128x128xf32, #tpu.memory_space<vmem>>
      %dma_start3A_706 = tpu.memref_squeeze %dma_start3A_705 : memref<1x128x128xf32, #tpu.memory_space<vmem>> -> memref<128x128xf32, #tpu.memory_space<vmem>>
      %dma_start3A_707 = arith.constant 0 : i32
      %dma_start3A_708 = tpu.memref_slice %arg4[%add3A_388, %dma_start3A_707] : memref<106496x128xf32, #tpu.memory_space<hbm>> -> memref<128x128xf32, #tpu.memory_space<hbm>>
      %dma_start3A_709 = arith.constant 0 : i32
      %dma_start3A_710 = tpu.memref_slice %arg4[%add3A_388, %dma_start3A_709] : memref<106496x128xf32, #tpu.memory_space<hbm>> -> memref<128x128xf32, #tpu.memory_space<hbm>>
      %dma_start3A_711 = arith.constant 0 : i32
      %dma_start3A_712 = arith.constant 0 : i32
      %dma_start3A_713 = tpu.memref_slice %arg6[%run_scoped3A_389, %dma_start3A_711, %dma_start3A_712] : memref<2x128x128xf32, #tpu.memory_space<vmem>> -> memref<1x128x128xf32, #tpu.memory_space<vmem>>
      %dma_start3A_714 = tpu.memref_squeeze %dma_start3A_713 : memref<1x128x128xf32, #tpu.memory_space<vmem>> -> memref<128x128xf32, #tpu.memory_space<vmem>>
      tpu.enqueue_dma source(%dma_start3A_714 : memref<128x128xf32, #tpu.memory_space<vmem>>) target(%dma_start3A_710 : memref<128x128xf32, #tpu.memory_space<hbm>>) target_semaphore(%run_scoped3A_702 : memref<!tpu.dma_semaphore, #tpu.memory_space<semaphore_mem>>)
      %dma_wait3A_715 = arith.constant 0 : i32
      %dma_wait3A_716 = arith.constant 0 : i32
      %dma_wait3A_717 = tpu.memref_slice %arg6[%run_scoped3A_389, %dma_wait3A_715, %dma_wait3A_716] : memref<2x128x128xf32, #tpu.memory_space<vmem>> -> memref<1x128x128xf32, #tpu.memory_space<vmem>>
      %dma_wait3A_718 = tpu.memref_squeeze %dma_wait3A_717 : memref<1x128x128xf32, #tpu.memory_space<vmem>> -> memref<128x128xf32, #tpu.memory_space<vmem>>
      %dma_wait3A_719 = arith.constant 0 : i32
      %dma_wait3A_720 = tpu.memref_slice %arg4[%add3A_388, %dma_wait3A_719] : memref<106496x128xf32, #tpu.memory_space<hbm>> -> memref<128x128xf32, #tpu.memory_space<hbm>>
      %dma_wait3A_721 = arith.constant 0 : i32
      %dma_wait3A_722 = tpu.memref_slice %arg4[%add3A_388, %dma_wait3A_721] : memref<106496x128xf32, #tpu.memory_space<hbm>> -> memref<128x128xf32, #tpu.memory_space<hbm>>
      %dma_wait3A_723 = arith.constant 0 : i32
      %dma_wait3A_724 = arith.constant 0 : i32
      %dma_wait3A_725 = tpu.memref_slice %arg6[%run_scoped3A_389, %dma_wait3A_723, %dma_wait3A_724] : memref<2x128x128xf32, #tpu.memory_space<vmem>> -> memref<1x128x128xf32, #tpu.memory_space<vmem>>
      %dma_wait3A_726 = tpu.memref_squeeze %dma_wait3A_725 : memref<1x128x128xf32, #tpu.memory_space<vmem>> -> memref<128x128xf32, #tpu.memory_space<vmem>>
      tpu.wait_dma2 semaphore(%run_scoped3A_702 : memref<!tpu.dma_semaphore, #tpu.memory_space<semaphore_mem>>) src(%dma_wait3A_726 : memref<128x128xf32, #tpu.memory_space<vmem>>) dst(%dma_wait3A_722 : memref<128x128xf32, #tpu.memory_space<hbm>>)
      tpu.yield
    }) : () -> ()
    %dma_start3A_390 = arith.constant 15 : i32
    %dma_start3A_391 = arith.constant 1 : i32
    %dma_start3A_392 = arith.constant 0 : i32
    %dma_start3A_393 = arith.constant 0 : i32
    %dma_start3A_394 = tpu.memref_slice %arg6[%dma_start3A_391, %dma_start3A_392, %dma_start3A_393] : memref<2x128x128xf32, #tpu.memory_space<vmem>> -> memref<1x128x128xf32, #tpu.memory_space<vmem>>
    %dma_start3A_395 = tpu.memref_squeeze %dma_start3A_394 : memref<1x128x128xf32, #tpu.memory_space<vmem>> -> memref<128x128xf32, #tpu.memory_space<vmem>>
    %dma_start3A_396 = arith.constant 0 : i32
    %dma_start3A_397 = tpu.memref_slice %arg5[%dma_start3A_390, %dma_start3A_396] : memref<26x128xi32, #tpu.memory_space<vmem>> -> memref<1x128xi32, #tpu.memory_space<vmem>>
    %dma_start3A_398 = tpu.memref_squeeze %dma_start3A_397 : memref<1x128xi32, #tpu.memory_space<vmem>> -> memref<128xi32, #tpu.memory_space<vmem>>
    %dma_start3A_399 = arith.constant 0 : i32
    %dma_start3A_400 = arith.constant 0 : i32
    %dma_start3A_401 = tpu.memref_slice %arg3[%dma_start3A_399, %dma_start3A_400] : memref<2600208x128xf32, #tpu.memory_space<hbm>> -> memref<2600208x128xf32, #tpu.memory_space<hbm>>
    tpu.enqueue_indirect_dma source(%dma_start3A_401 : memref<2600208x128xf32, #tpu.memory_space<hbm>>) target(%dma_start3A_395 : memref<128x128xf32, #tpu.memory_space<vmem>>) offsets(%dma_start3A_398 : memref<128xi32, #tpu.memory_space<vmem>>) semaphore(%arg7 : memref<!tpu.dma_semaphore, #tpu.memory_space<semaphore_mem>>)
    %dma_wait3A_402 = arith.constant 14 : i32
    %dma_wait3A_403 = arith.constant 0 : i32
    %dma_wait3A_404 = arith.constant 0 : i32
    %dma_wait3A_405 = arith.constant 0 : i32
    %dma_wait3A_406 = tpu.memref_slice %arg6[%dma_wait3A_403, %dma_wait3A_404, %dma_wait3A_405] : memref<2x128x128xf32, #tpu.memory_space<vmem>> -> memref<1x128x128xf32, #tpu.memory_space<vmem>>
    %dma_wait3A_407 = tpu.memref_squeeze %dma_wait3A_406 : memref<1x128x128xf32, #tpu.memory_space<vmem>> -> memref<128x128xf32, #tpu.memory_space<vmem>>
    %dma_wait3A_408 = arith.constant 0 : i32
    %dma_wait3A_409 = tpu.memref_slice %arg5[%dma_wait3A_402, %dma_wait3A_408] : memref<26x128xi32, #tpu.memory_space<vmem>> -> memref<1x128xi32, #tpu.memory_space<vmem>>
    %dma_wait3A_410 = tpu.memref_squeeze %dma_wait3A_409 : memref<1x128xi32, #tpu.memory_space<vmem>> -> memref<128xi32, #tpu.memory_space<vmem>>
    %dma_wait3A_411 = arith.constant 0 : i32
    %dma_wait3A_412 = arith.constant 0 : i32
    %dma_wait3A_413 = tpu.memref_slice %arg3[%dma_wait3A_411, %dma_wait3A_412] : memref<2600208x128xf32, #tpu.memory_space<hbm>> -> memref<2600208x128xf32, #tpu.memory_space<hbm>>
    tpu.wait_indirect_dma semaphore(%arg7 : memref<!tpu.dma_semaphore, #tpu.memory_space<semaphore_mem>>) src(%dma_wait3A_413 : memref<2600208x128xf32, #tpu.memory_space<hbm>>) dst(%dma_wait3A_407 : memref<128x128xf32, #tpu.memory_space<vmem>>)
    %add3A_414 = arith.constant 1792 : i32
    %add3A_415 = arith.addi %mul3A_2, %add3A_414 : i32
    %run_scoped3A_416 = arith.constant 0 : i32
    "tpu.region"() ({
      %run_scoped3A_702 = tpu.sem_alloc : memref<!tpu.dma_semaphore, #tpu.memory_space<semaphore_mem>>
      %dma_start3A_703 = arith.constant 0 : i32
      %dma_start3A_704 = arith.constant 0 : i32
      %dma_start3A_705 = tpu.memref_slice %arg6[%run_scoped3A_416, %dma_start3A_703, %dma_start3A_704] : memref<2x128x128xf32, #tpu.memory_space<vmem>> -> memref<1x128x128xf32, #tpu.memory_space<vmem>>
      %dma_start3A_706 = tpu.memref_squeeze %dma_start3A_705 : memref<1x128x128xf32, #tpu.memory_space<vmem>> -> memref<128x128xf32, #tpu.memory_space<vmem>>
      %dma_start3A_707 = arith.constant 0 : i32
      %dma_start3A_708 = tpu.memref_slice %arg4[%add3A_415, %dma_start3A_707] : memref<106496x128xf32, #tpu.memory_space<hbm>> -> memref<128x128xf32, #tpu.memory_space<hbm>>
      %dma_start3A_709 = arith.constant 0 : i32
      %dma_start3A_710 = tpu.memref_slice %arg4[%add3A_415, %dma_start3A_709] : memref<106496x128xf32, #tpu.memory_space<hbm>> -> memref<128x128xf32, #tpu.memory_space<hbm>>
      %dma_start3A_711 = arith.constant 0 : i32
      %dma_start3A_712 = arith.constant 0 : i32
      %dma_start3A_713 = tpu.memref_slice %arg6[%run_scoped3A_416, %dma_start3A_711, %dma_start3A_712] : memref<2x128x128xf32, #tpu.memory_space<vmem>> -> memref<1x128x128xf32, #tpu.memory_space<vmem>>
      %dma_start3A_714 = tpu.memref_squeeze %dma_start3A_713 : memref<1x128x128xf32, #tpu.memory_space<vmem>> -> memref<128x128xf32, #tpu.memory_space<vmem>>
      tpu.enqueue_dma source(%dma_start3A_714 : memref<128x128xf32, #tpu.memory_space<vmem>>) target(%dma_start3A_710 : memref<128x128xf32, #tpu.memory_space<hbm>>) target_semaphore(%run_scoped3A_702 : memref<!tpu.dma_semaphore, #tpu.memory_space<semaphore_mem>>)
      %dma_wait3A_715 = arith.constant 0 : i32
      %dma_wait3A_716 = arith.constant 0 : i32
      %dma_wait3A_717 = tpu.memref_slice %arg6[%run_scoped3A_416, %dma_wait3A_715, %dma_wait3A_716] : memref<2x128x128xf32, #tpu.memory_space<vmem>> -> memref<1x128x128xf32, #tpu.memory_space<vmem>>
      %dma_wait3A_718 = tpu.memref_squeeze %dma_wait3A_717 : memref<1x128x128xf32, #tpu.memory_space<vmem>> -> memref<128x128xf32, #tpu.memory_space<vmem>>
      %dma_wait3A_719 = arith.constant 0 : i32
      %dma_wait3A_720 = tpu.memref_slice %arg4[%add3A_415, %dma_wait3A_719] : memref<106496x128xf32, #tpu.memory_space<hbm>> -> memref<128x128xf32, #tpu.memory_space<hbm>>
      %dma_wait3A_721 = arith.constant 0 : i32
      %dma_wait3A_722 = tpu.memref_slice %arg4[%add3A_415, %dma_wait3A_721] : memref<106496x128xf32, #tpu.memory_space<hbm>> -> memref<128x128xf32, #tpu.memory_space<hbm>>
      %dma_wait3A_723 = arith.constant 0 : i32
      %dma_wait3A_724 = arith.constant 0 : i32
      %dma_wait3A_725 = tpu.memref_slice %arg6[%run_scoped3A_416, %dma_wait3A_723, %dma_wait3A_724] : memref<2x128x128xf32, #tpu.memory_space<vmem>> -> memref<1x128x128xf32, #tpu.memory_space<vmem>>
      %dma_wait3A_726 = tpu.memref_squeeze %dma_wait3A_725 : memref<1x128x128xf32, #tpu.memory_space<vmem>> -> memref<128x128xf32, #tpu.memory_space<vmem>>
      tpu.wait_dma2 semaphore(%run_scoped3A_702 : memref<!tpu.dma_semaphore, #tpu.memory_space<semaphore_mem>>) src(%dma_wait3A_726 : memref<128x128xf32, #tpu.memory_space<vmem>>) dst(%dma_wait3A_722 : memref<128x128xf32, #tpu.memory_space<hbm>>)
      tpu.yield
    }) : () -> ()
    %dma_start3A_417 = arith.constant 16 : i32
    %dma_start3A_418 = arith.constant 0 : i32
    %dma_start3A_419 = arith.constant 0 : i32
    %dma_start3A_420 = arith.constant 0 : i32
    %dma_start3A_421 = tpu.memref_slice %arg6[%dma_start3A_418, %dma_start3A_419, %dma_start3A_420] : memref<2x128x128xf32, #tpu.memory_space<vmem>> -> memref<1x128x128xf32, #tpu.memory_space<vmem>>
    %dma_start3A_422 = tpu.memref_squeeze %dma_start3A_421 : memref<1x128x128xf32, #tpu.memory_space<vmem>> -> memref<128x128xf32, #tpu.memory_space<vmem>>
    %dma_start3A_423 = arith.constant 0 : i32
    %dma_start3A_424 = tpu.memref_slice %arg5[%dma_start3A_417, %dma_start3A_423] : memref<26x128xi32, #tpu.memory_space<vmem>> -> memref<1x128xi32, #tpu.memory_space<vmem>>
    %dma_start3A_425 = tpu.memref_squeeze %dma_start3A_424 : memref<1x128xi32, #tpu.memory_space<vmem>> -> memref<128xi32, #tpu.memory_space<vmem>>
    %dma_start3A_426 = arith.constant 0 : i32
    %dma_start3A_427 = arith.constant 0 : i32
    %dma_start3A_428 = tpu.memref_slice %arg3[%dma_start3A_426, %dma_start3A_427] : memref<2600208x128xf32, #tpu.memory_space<hbm>> -> memref<2600208x128xf32, #tpu.memory_space<hbm>>
    tpu.enqueue_indirect_dma source(%dma_start3A_428 : memref<2600208x128xf32, #tpu.memory_space<hbm>>) target(%dma_start3A_422 : memref<128x128xf32, #tpu.memory_space<vmem>>) offsets(%dma_start3A_425 : memref<128xi32, #tpu.memory_space<vmem>>) semaphore(%arg7 : memref<!tpu.dma_semaphore, #tpu.memory_space<semaphore_mem>>)
    %dma_wait3A_429 = arith.constant 15 : i32
    %dma_wait3A_430 = arith.constant 1 : i32
    %dma_wait3A_431 = arith.constant 0 : i32
    %dma_wait3A_432 = arith.constant 0 : i32
    %dma_wait3A_433 = tpu.memref_slice %arg6[%dma_wait3A_430, %dma_wait3A_431, %dma_wait3A_432] : memref<2x128x128xf32, #tpu.memory_space<vmem>> -> memref<1x128x128xf32, #tpu.memory_space<vmem>>
    %dma_wait3A_434 = tpu.memref_squeeze %dma_wait3A_433 : memref<1x128x128xf32, #tpu.memory_space<vmem>> -> memref<128x128xf32, #tpu.memory_space<vmem>>
    %dma_wait3A_435 = arith.constant 0 : i32
    %dma_wait3A_436 = tpu.memref_slice %arg5[%dma_wait3A_429, %dma_wait3A_435] : memref<26x128xi32, #tpu.memory_space<vmem>> -> memref<1x128xi32, #tpu.memory_space<vmem>>
    %dma_wait3A_437 = tpu.memref_squeeze %dma_wait3A_436 : memref<1x128xi32, #tpu.memory_space<vmem>> -> memref<128xi32, #tpu.memory_space<vmem>>
    %dma_wait3A_438 = arith.constant 0 : i32
    %dma_wait3A_439 = arith.constant 0 : i32
    %dma_wait3A_440 = tpu.memref_slice %arg3[%dma_wait3A_438, %dma_wait3A_439] : memref<2600208x128xf32, #tpu.memory_space<hbm>> -> memref<2600208x128xf32, #tpu.memory_space<hbm>>
    tpu.wait_indirect_dma semaphore(%arg7 : memref<!tpu.dma_semaphore, #tpu.memory_space<semaphore_mem>>) src(%dma_wait3A_440 : memref<2600208x128xf32, #tpu.memory_space<hbm>>) dst(%dma_wait3A_434 : memref<128x128xf32, #tpu.memory_space<vmem>>)
    %add3A_441 = arith.constant 1920 : i32
    %add3A_442 = arith.addi %mul3A_2, %add3A_441 : i32
    %run_scoped3A_443 = arith.constant 1 : i32
    "tpu.region"() ({
      %run_scoped3A_702 = tpu.sem_alloc : memref<!tpu.dma_semaphore, #tpu.memory_space<semaphore_mem>>
      %dma_start3A_703 = arith.constant 0 : i32
      %dma_start3A_704 = arith.constant 0 : i32
      %dma_start3A_705 = tpu.memref_slice %arg6[%run_scoped3A_443, %dma_start3A_703, %dma_start3A_704] : memref<2x128x128xf32, #tpu.memory_space<vmem>> -> memref<1x128x128xf32, #tpu.memory_space<vmem>>
      %dma_start3A_706 = tpu.memref_squeeze %dma_start3A_705 : memref<1x128x128xf32, #tpu.memory_space<vmem>> -> memref<128x128xf32, #tpu.memory_space<vmem>>
      %dma_start3A_707 = arith.constant 0 : i32
      %dma_start3A_708 = tpu.memref_slice %arg4[%add3A_442, %dma_start3A_707] : memref<106496x128xf32, #tpu.memory_space<hbm>> -> memref<128x128xf32, #tpu.memory_space<hbm>>
      %dma_start3A_709 = arith.constant 0 : i32
      %dma_start3A_710 = tpu.memref_slice %arg4[%add3A_442, %dma_start3A_709] : memref<106496x128xf32, #tpu.memory_space<hbm>> -> memref<128x128xf32, #tpu.memory_space<hbm>>
      %dma_start3A_711 = arith.constant 0 : i32
      %dma_start3A_712 = arith.constant 0 : i32
      %dma_start3A_713 = tpu.memref_slice %arg6[%run_scoped3A_443, %dma_start3A_711, %dma_start3A_712] : memref<2x128x128xf32, #tpu.memory_space<vmem>> -> memref<1x128x128xf32, #tpu.memory_space<vmem>>
      %dma_start3A_714 = tpu.memref_squeeze %dma_start3A_713 : memref<1x128x128xf32, #tpu.memory_space<vmem>> -> memref<128x128xf32, #tpu.memory_space<vmem>>
      tpu.enqueue_dma source(%dma_start3A_714 : memref<128x128xf32, #tpu.memory_space<vmem>>) target(%dma_start3A_710 : memref<128x128xf32, #tpu.memory_space<hbm>>) target_semaphore(%run_scoped3A_702 : memref<!tpu.dma_semaphore, #tpu.memory_space<semaphore_mem>>)
      %dma_wait3A_715 = arith.constant 0 : i32
      %dma_wait3A_716 = arith.constant 0 : i32
      %dma_wait3A_717 = tpu.memref_slice %arg6[%run_scoped3A_443, %dma_wait3A_715, %dma_wait3A_716] : memref<2x128x128xf32, #tpu.memory_space<vmem>> -> memref<1x128x128xf32, #tpu.memory_space<vmem>>
      %dma_wait3A_718 = tpu.memref_squeeze %dma_wait3A_717 : memref<1x128x128xf32, #tpu.memory_space<vmem>> -> memref<128x128xf32, #tpu.memory_space<vmem>>
      %dma_wait3A_719 = arith.constant 0 : i32
      %dma_wait3A_720 = tpu.memref_slice %arg4[%add3A_442, %dma_wait3A_719] : memref<106496x128xf32, #tpu.memory_space<hbm>> -> memref<128x128xf32, #tpu.memory_space<hbm>>
      %dma_wait3A_721 = arith.constant 0 : i32
      %dma_wait3A_722 = tpu.memref_slice %arg4[%add3A_442, %dma_wait3A_721] : memref<106496x128xf32, #tpu.memory_space<hbm>> -> memref<128x128xf32, #tpu.memory_space<hbm>>
      %dma_wait3A_723 = arith.constant 0 : i32
      %dma_wait3A_724 = arith.constant 0 : i32
      %dma_wait3A_725 = tpu.memref_slice %arg6[%run_scoped3A_443, %dma_wait3A_723, %dma_wait3A_724] : memref<2x128x128xf32, #tpu.memory_space<vmem>> -> memref<1x128x128xf32, #tpu.memory_space<vmem>>
      %dma_wait3A_726 = tpu.memref_squeeze %dma_wait3A_725 : memref<1x128x128xf32, #tpu.memory_space<vmem>> -> memref<128x128xf32, #tpu.memory_space<vmem>>
      tpu.wait_dma2 semaphore(%run_scoped3A_702 : memref<!tpu.dma_semaphore, #tpu.memory_space<semaphore_mem>>) src(%dma_wait3A_726 : memref<128x128xf32, #tpu.memory_space<vmem>>) dst(%dma_wait3A_722 : memref<128x128xf32, #tpu.memory_space<hbm>>)
      tpu.yield
    }) : () -> ()
    %dma_start3A_444 = arith.constant 17 : i32
    %dma_start3A_445 = arith.constant 1 : i32
    %dma_start3A_446 = arith.constant 0 : i32
    %dma_start3A_447 = arith.constant 0 : i32
    %dma_start3A_448 = tpu.memref_slice %arg6[%dma_start3A_445, %dma_start3A_446, %dma_start3A_447] : memref<2x128x128xf32, #tpu.memory_space<vmem>> -> memref<1x128x128xf32, #tpu.memory_space<vmem>>
    %dma_start3A_449 = tpu.memref_squeeze %dma_start3A_448 : memref<1x128x128xf32, #tpu.memory_space<vmem>> -> memref<128x128xf32, #tpu.memory_space<vmem>>
    %dma_start3A_450 = arith.constant 0 : i32
    %dma_start3A_451 = tpu.memref_slice %arg5[%dma_start3A_444, %dma_start3A_450] : memref<26x128xi32, #tpu.memory_space<vmem>> -> memref<1x128xi32, #tpu.memory_space<vmem>>
    %dma_start3A_452 = tpu.memref_squeeze %dma_start3A_451 : memref<1x128xi32, #tpu.memory_space<vmem>> -> memref<128xi32, #tpu.memory_space<vmem>>
    %dma_start3A_453 = arith.constant 0 : i32
    %dma_start3A_454 = arith.constant 0 : i32
    %dma_start3A_455 = tpu.memref_slice %arg3[%dma_start3A_453, %dma_start3A_454] : memref<2600208x128xf32, #tpu.memory_space<hbm>> -> memref<2600208x128xf32, #tpu.memory_space<hbm>>
    tpu.enqueue_indirect_dma source(%dma_start3A_455 : memref<2600208x128xf32, #tpu.memory_space<hbm>>) target(%dma_start3A_449 : memref<128x128xf32, #tpu.memory_space<vmem>>) offsets(%dma_start3A_452 : memref<128xi32, #tpu.memory_space<vmem>>) semaphore(%arg7 : memref<!tpu.dma_semaphore, #tpu.memory_space<semaphore_mem>>)
    %dma_wait3A_456 = arith.constant 16 : i32
    %dma_wait3A_457 = arith.constant 0 : i32
    %dma_wait3A_458 = arith.constant 0 : i32
    %dma_wait3A_459 = arith.constant 0 : i32
    %dma_wait3A_460 = tpu.memref_slice %arg6[%dma_wait3A_457, %dma_wait3A_458, %dma_wait3A_459] : memref<2x128x128xf32, #tpu.memory_space<vmem>> -> memref<1x128x128xf32, #tpu.memory_space<vmem>>
    %dma_wait3A_461 = tpu.memref_squeeze %dma_wait3A_460 : memref<1x128x128xf32, #tpu.memory_space<vmem>> -> memref<128x128xf32, #tpu.memory_space<vmem>>
    %dma_wait3A_462 = arith.constant 0 : i32
    %dma_wait3A_463 = tpu.memref_slice %arg5[%dma_wait3A_456, %dma_wait3A_462] : memref<26x128xi32, #tpu.memory_space<vmem>> -> memref<1x128xi32, #tpu.memory_space<vmem>>
    %dma_wait3A_464 = tpu.memref_squeeze %dma_wait3A_463 : memref<1x128xi32, #tpu.memory_space<vmem>> -> memref<128xi32, #tpu.memory_space<vmem>>
    %dma_wait3A_465 = arith.constant 0 : i32
    %dma_wait3A_466 = arith.constant 0 : i32
    %dma_wait3A_467 = tpu.memref_slice %arg3[%dma_wait3A_465, %dma_wait3A_466] : memref<2600208x128xf32, #tpu.memory_space<hbm>> -> memref<2600208x128xf32, #tpu.memory_space<hbm>>
    tpu.wait_indirect_dma semaphore(%arg7 : memref<!tpu.dma_semaphore, #tpu.memory_space<semaphore_mem>>) src(%dma_wait3A_467 : memref<2600208x128xf32, #tpu.memory_space<hbm>>) dst(%dma_wait3A_461 : memref<128x128xf32, #tpu.memory_space<vmem>>)
    %add3A_468 = arith.constant 2048 : i32
    %add3A_469 = arith.addi %mul3A_2, %add3A_468 : i32
    %run_scoped3A_470 = arith.constant 0 : i32
    "tpu.region"() ({
      %run_scoped3A_702 = tpu.sem_alloc : memref<!tpu.dma_semaphore, #tpu.memory_space<semaphore_mem>>
      %dma_start3A_703 = arith.constant 0 : i32
      %dma_start3A_704 = arith.constant 0 : i32
      %dma_start3A_705 = tpu.memref_slice %arg6[%run_scoped3A_470, %dma_start3A_703, %dma_start3A_704] : memref<2x128x128xf32, #tpu.memory_space<vmem>> -> memref<1x128x128xf32, #tpu.memory_space<vmem>>
      %dma_start3A_706 = tpu.memref_squeeze %dma_start3A_705 : memref<1x128x128xf32, #tpu.memory_space<vmem>> -> memref<128x128xf32, #tpu.memory_space<vmem>>
      %dma_start3A_707 = arith.constant 0 : i32
      %dma_start3A_708 = tpu.memref_slice %arg4[%add3A_469, %dma_start3A_707] : memref<106496x128xf32, #tpu.memory_space<hbm>> -> memref<128x128xf32, #tpu.memory_space<hbm>>
      %dma_start3A_709 = arith.constant 0 : i32
      %dma_start3A_710 = tpu.memref_slice %arg4[%add3A_469, %dma_start3A_709] : memref<106496x128xf32, #tpu.memory_space<hbm>> -> memref<128x128xf32, #tpu.memory_space<hbm>>
      %dma_start3A_711 = arith.constant 0 : i32
      %dma_start3A_712 = arith.constant 0 : i32
      %dma_start3A_713 = tpu.memref_slice %arg6[%run_scoped3A_470, %dma_start3A_711, %dma_start3A_712] : memref<2x128x128xf32, #tpu.memory_space<vmem>> -> memref<1x128x128xf32, #tpu.memory_space<vmem>>
      %dma_start3A_714 = tpu.memref_squeeze %dma_start3A_713 : memref<1x128x128xf32, #tpu.memory_space<vmem>> -> memref<128x128xf32, #tpu.memory_space<vmem>>
      tpu.enqueue_dma source(%dma_start3A_714 : memref<128x128xf32, #tpu.memory_space<vmem>>) target(%dma_start3A_710 : memref<128x128xf32, #tpu.memory_space<hbm>>) target_semaphore(%run_scoped3A_702 : memref<!tpu.dma_semaphore, #tpu.memory_space<semaphore_mem>>)
      %dma_wait3A_715 = arith.constant 0 : i32
      %dma_wait3A_716 = arith.constant 0 : i32
      %dma_wait3A_717 = tpu.memref_slice %arg6[%run_scoped3A_470, %dma_wait3A_715, %dma_wait3A_716] : memref<2x128x128xf32, #tpu.memory_space<vmem>> -> memref<1x128x128xf32, #tpu.memory_space<vmem>>
      %dma_wait3A_718 = tpu.memref_squeeze %dma_wait3A_717 : memref<1x128x128xf32, #tpu.memory_space<vmem>> -> memref<128x128xf32, #tpu.memory_space<vmem>>
      %dma_wait3A_719 = arith.constant 0 : i32
      %dma_wait3A_720 = tpu.memref_slice %arg4[%add3A_469, %dma_wait3A_719] : memref<106496x128xf32, #tpu.memory_space<hbm>> -> memref<128x128xf32, #tpu.memory_space<hbm>>
      %dma_wait3A_721 = arith.constant 0 : i32
      %dma_wait3A_722 = tpu.memref_slice %arg4[%add3A_469, %dma_wait3A_721] : memref<106496x128xf32, #tpu.memory_space<hbm>> -> memref<128x128xf32, #tpu.memory_space<hbm>>
      %dma_wait3A_723 = arith.constant 0 : i32
      %dma_wait3A_724 = arith.constant 0 : i32
      %dma_wait3A_725 = tpu.memref_slice %arg6[%run_scoped3A_470, %dma_wait3A_723, %dma_wait3A_724] : memref<2x128x128xf32, #tpu.memory_space<vmem>> -> memref<1x128x128xf32, #tpu.memory_space<vmem>>
      %dma_wait3A_726 = tpu.memref_squeeze %dma_wait3A_725 : memref<1x128x128xf32, #tpu.memory_space<vmem>> -> memref<128x128xf32, #tpu.memory_space<vmem>>
      tpu.wait_dma2 semaphore(%run_scoped3A_702 : memref<!tpu.dma_semaphore, #tpu.memory_space<semaphore_mem>>) src(%dma_wait3A_726 : memref<128x128xf32, #tpu.memory_space<vmem>>) dst(%dma_wait3A_722 : memref<128x128xf32, #tpu.memory_space<hbm>>)
      tpu.yield
    }) : () -> ()
    %dma_start3A_471 = arith.constant 18 : i32
    %dma_start3A_472 = arith.constant 0 : i32
    %dma_start3A_473 = arith.constant 0 : i32
    %dma_start3A_474 = arith.constant 0 : i32
    %dma_start3A_475 = tpu.memref_slice %arg6[%dma_start3A_472, %dma_start3A_473, %dma_start3A_474] : memref<2x128x128xf32, #tpu.memory_space<vmem>> -> memref<1x128x128xf32, #tpu.memory_space<vmem>>
    %dma_start3A_476 = tpu.memref_squeeze %dma_start3A_475 : memref<1x128x128xf32, #tpu.memory_space<vmem>> -> memref<128x128xf32, #tpu.memory_space<vmem>>
    %dma_start3A_477 = arith.constant 0 : i32
    %dma_start3A_478 = tpu.memref_slice %arg5[%dma_start3A_471, %dma_start3A_477] : memref<26x128xi32, #tpu.memory_space<vmem>> -> memref<1x128xi32, #tpu.memory_space<vmem>>
    %dma_start3A_479 = tpu.memref_squeeze %dma_start3A_478 : memref<1x128xi32, #tpu.memory_space<vmem>> -> memref<128xi32, #tpu.memory_space<vmem>>
    %dma_start3A_480 = arith.constant 0 : i32
    %dma_start3A_481 = arith.constant 0 : i32
    %dma_start3A_482 = tpu.memref_slice %arg3[%dma_start3A_480, %dma_start3A_481] : memref<2600208x128xf32, #tpu.memory_space<hbm>> -> memref<2600208x128xf32, #tpu.memory_space<hbm>>
    tpu.enqueue_indirect_dma source(%dma_start3A_482 : memref<2600208x128xf32, #tpu.memory_space<hbm>>) target(%dma_start3A_476 : memref<128x128xf32, #tpu.memory_space<vmem>>) offsets(%dma_start3A_479 : memref<128xi32, #tpu.memory_space<vmem>>) semaphore(%arg7 : memref<!tpu.dma_semaphore, #tpu.memory_space<semaphore_mem>>)
    %dma_wait3A_483 = arith.constant 17 : i32
    %dma_wait3A_484 = arith.constant 1 : i32
    %dma_wait3A_485 = arith.constant 0 : i32
    %dma_wait3A_486 = arith.constant 0 : i32
    %dma_wait3A_487 = tpu.memref_slice %arg6[%dma_wait3A_484, %dma_wait3A_485, %dma_wait3A_486] : memref<2x128x128xf32, #tpu.memory_space<vmem>> -> memref<1x128x128xf32, #tpu.memory_space<vmem>>
    %dma_wait3A_488 = tpu.memref_squeeze %dma_wait3A_487 : memref<1x128x128xf32, #tpu.memory_space<vmem>> -> memref<128x128xf32, #tpu.memory_space<vmem>>
    %dma_wait3A_489 = arith.constant 0 : i32
    %dma_wait3A_490 = tpu.memref_slice %arg5[%dma_wait3A_483, %dma_wait3A_489] : memref<26x128xi32, #tpu.memory_space<vmem>> -> memref<1x128xi32, #tpu.memory_space<vmem>>
    %dma_wait3A_491 = tpu.memref_squeeze %dma_wait3A_490 : memref<1x128xi32, #tpu.memory_space<vmem>> -> memref<128xi32, #tpu.memory_space<vmem>>
    %dma_wait3A_492 = arith.constant 0 : i32
    %dma_wait3A_493 = arith.constant 0 : i32
    %dma_wait3A_494 = tpu.memref_slice %arg3[%dma_wait3A_492, %dma_wait3A_493] : memref<2600208x128xf32, #tpu.memory_space<hbm>> -> memref<2600208x128xf32, #tpu.memory_space<hbm>>
    tpu.wait_indirect_dma semaphore(%arg7 : memref<!tpu.dma_semaphore, #tpu.memory_space<semaphore_mem>>) src(%dma_wait3A_494 : memref<2600208x128xf32, #tpu.memory_space<hbm>>) dst(%dma_wait3A_488 : memref<128x128xf32, #tpu.memory_space<vmem>>)
    %add3A_495 = arith.constant 2176 : i32
    %add3A_496 = arith.addi %mul3A_2, %add3A_495 : i32
    %run_scoped3A_497 = arith.constant 1 : i32
    "tpu.region"() ({
      %run_scoped3A_702 = tpu.sem_alloc : memref<!tpu.dma_semaphore, #tpu.memory_space<semaphore_mem>>
      %dma_start3A_703 = arith.constant 0 : i32
      %dma_start3A_704 = arith.constant 0 : i32
      %dma_start3A_705 = tpu.memref_slice %arg6[%run_scoped3A_497, %dma_start3A_703, %dma_start3A_704] : memref<2x128x128xf32, #tpu.memory_space<vmem>> -> memref<1x128x128xf32, #tpu.memory_space<vmem>>
      %dma_start3A_706 = tpu.memref_squeeze %dma_start3A_705 : memref<1x128x128xf32, #tpu.memory_space<vmem>> -> memref<128x128xf32, #tpu.memory_space<vmem>>
      %dma_start3A_707 = arith.constant 0 : i32
      %dma_start3A_708 = tpu.memref_slice %arg4[%add3A_496, %dma_start3A_707] : memref<106496x128xf32, #tpu.memory_space<hbm>> -> memref<128x128xf32, #tpu.memory_space<hbm>>
      %dma_start3A_709 = arith.constant 0 : i32
      %dma_start3A_710 = tpu.memref_slice %arg4[%add3A_496, %dma_start3A_709] : memref<106496x128xf32, #tpu.memory_space<hbm>> -> memref<128x128xf32, #tpu.memory_space<hbm>>
      %dma_start3A_711 = arith.constant 0 : i32
      %dma_start3A_712 = arith.constant 0 : i32
      %dma_start3A_713 = tpu.memref_slice %arg6[%run_scoped3A_497, %dma_start3A_711, %dma_start3A_712] : memref<2x128x128xf32, #tpu.memory_space<vmem>> -> memref<1x128x128xf32, #tpu.memory_space<vmem>>
      %dma_start3A_714 = tpu.memref_squeeze %dma_start3A_713 : memref<1x128x128xf32, #tpu.memory_space<vmem>> -> memref<128x128xf32, #tpu.memory_space<vmem>>
      tpu.enqueue_dma source(%dma_start3A_714 : memref<128x128xf32, #tpu.memory_space<vmem>>) target(%dma_start3A_710 : memref<128x128xf32, #tpu.memory_space<hbm>>) target_semaphore(%run_scoped3A_702 : memref<!tpu.dma_semaphore, #tpu.memory_space<semaphore_mem>>)
      %dma_wait3A_715 = arith.constant 0 : i32
      %dma_wait3A_716 = arith.constant 0 : i32
      %dma_wait3A_717 = tpu.memref_slice %arg6[%run_scoped3A_497, %dma_wait3A_715, %dma_wait3A_716] : memref<2x128x128xf32, #tpu.memory_space<vmem>> -> memref<1x128x128xf32, #tpu.memory_space<vmem>>
      %dma_wait3A_718 = tpu.memref_squeeze %dma_wait3A_717 : memref<1x128x128xf32, #tpu.memory_space<vmem>> -> memref<128x128xf32, #tpu.memory_space<vmem>>
      %dma_wait3A_719 = arith.constant 0 : i32
      %dma_wait3A_720 = tpu.memref_slice %arg4[%add3A_496, %dma_wait3A_719] : memref<106496x128xf32, #tpu.memory_space<hbm>> -> memref<128x128xf32, #tpu.memory_space<hbm>>
      %dma_wait3A_721 = arith.constant 0 : i32
      %dma_wait3A_722 = tpu.memref_slice %arg4[%add3A_496, %dma_wait3A_721] : memref<106496x128xf32, #tpu.memory_space<hbm>> -> memref<128x128xf32, #tpu.memory_space<hbm>>
      %dma_wait3A_723 = arith.constant 0 : i32
      %dma_wait3A_724 = arith.constant 0 : i32
      %dma_wait3A_725 = tpu.memref_slice %arg6[%run_scoped3A_497, %dma_wait3A_723, %dma_wait3A_724] : memref<2x128x128xf32, #tpu.memory_space<vmem>> -> memref<1x128x128xf32, #tpu.memory_space<vmem>>
      %dma_wait3A_726 = tpu.memref_squeeze %dma_wait3A_725 : memref<1x128x128xf32, #tpu.memory_space<vmem>> -> memref<128x128xf32, #tpu.memory_space<vmem>>
      tpu.wait_dma2 semaphore(%run_scoped3A_702 : memref<!tpu.dma_semaphore, #tpu.memory_space<semaphore_mem>>) src(%dma_wait3A_726 : memref<128x128xf32, #tpu.memory_space<vmem>>) dst(%dma_wait3A_722 : memref<128x128xf32, #tpu.memory_space<hbm>>)
      tpu.yield
    }) : () -> ()
    %dma_start3A_498 = arith.constant 19 : i32
    %dma_start3A_499 = arith.constant 1 : i32
    %dma_start3A_500 = arith.constant 0 : i32
    %dma_start3A_501 = arith.constant 0 : i32
    %dma_start3A_502 = tpu.memref_slice %arg6[%dma_start3A_499, %dma_start3A_500, %dma_start3A_501] : memref<2x128x128xf32, #tpu.memory_space<vmem>> -> memref<1x128x128xf32, #tpu.memory_space<vmem>>
    %dma_start3A_503 = tpu.memref_squeeze %dma_start3A_502 : memref<1x128x128xf32, #tpu.memory_space<vmem>> -> memref<128x128xf32, #tpu.memory_space<vmem>>
    %dma_start3A_504 = arith.constant 0 : i32
    %dma_start3A_505 = tpu.memref_slice %arg5[%dma_start3A_498, %dma_start3A_504] : memref<26x128xi32, #tpu.memory_space<vmem>> -> memref<1x128xi32, #tpu.memory_space<vmem>>
    %dma_start3A_506 = tpu.memref_squeeze %dma_start3A_505 : memref<1x128xi32, #tpu.memory_space<vmem>> -> memref<128xi32, #tpu.memory_space<vmem>>
    %dma_start3A_507 = arith.constant 0 : i32
    %dma_start3A_508 = arith.constant 0 : i32
    %dma_start3A_509 = tpu.memref_slice %arg3[%dma_start3A_507, %dma_start3A_508] : memref<2600208x128xf32, #tpu.memory_space<hbm>> -> memref<2600208x128xf32, #tpu.memory_space<hbm>>
    tpu.enqueue_indirect_dma source(%dma_start3A_509 : memref<2600208x128xf32, #tpu.memory_space<hbm>>) target(%dma_start3A_503 : memref<128x128xf32, #tpu.memory_space<vmem>>) offsets(%dma_start3A_506 : memref<128xi32, #tpu.memory_space<vmem>>) semaphore(%arg7 : memref<!tpu.dma_semaphore, #tpu.memory_space<semaphore_mem>>)
    %dma_wait3A_510 = arith.constant 18 : i32
    %dma_wait3A_511 = arith.constant 0 : i32
    %dma_wait3A_512 = arith.constant 0 : i32
    %dma_wait3A_513 = arith.constant 0 : i32
    %dma_wait3A_514 = tpu.memref_slice %arg6[%dma_wait3A_511, %dma_wait3A_512, %dma_wait3A_513] : memref<2x128x128xf32, #tpu.memory_space<vmem>> -> memref<1x128x128xf32, #tpu.memory_space<vmem>>
    %dma_wait3A_515 = tpu.memref_squeeze %dma_wait3A_514 : memref<1x128x128xf32, #tpu.memory_space<vmem>> -> memref<128x128xf32, #tpu.memory_space<vmem>>
    %dma_wait3A_516 = arith.constant 0 : i32
    %dma_wait3A_517 = tpu.memref_slice %arg5[%dma_wait3A_510, %dma_wait3A_516] : memref<26x128xi32, #tpu.memory_space<vmem>> -> memref<1x128xi32, #tpu.memory_space<vmem>>
    %dma_wait3A_518 = tpu.memref_squeeze %dma_wait3A_517 : memref<1x128xi32, #tpu.memory_space<vmem>> -> memref<128xi32, #tpu.memory_space<vmem>>
    %dma_wait3A_519 = arith.constant 0 : i32
    %dma_wait3A_520 = arith.constant 0 : i32
    %dma_wait3A_521 = tpu.memref_slice %arg3[%dma_wait3A_519, %dma_wait3A_520] : memref<2600208x128xf32, #tpu.memory_space<hbm>> -> memref<2600208x128xf32, #tpu.memory_space<hbm>>
    tpu.wait_indirect_dma semaphore(%arg7 : memref<!tpu.dma_semaphore, #tpu.memory_space<semaphore_mem>>) src(%dma_wait3A_521 : memref<2600208x128xf32, #tpu.memory_space<hbm>>) dst(%dma_wait3A_515 : memref<128x128xf32, #tpu.memory_space<vmem>>)
    %add3A_522 = arith.constant 2304 : i32
    %add3A_523 = arith.addi %mul3A_2, %add3A_522 : i32
    %run_scoped3A_524 = arith.constant 0 : i32
    "tpu.region"() ({
      %run_scoped3A_702 = tpu.sem_alloc : memref<!tpu.dma_semaphore, #tpu.memory_space<semaphore_mem>>
      %dma_start3A_703 = arith.constant 0 : i32
      %dma_start3A_704 = arith.constant 0 : i32
      %dma_start3A_705 = tpu.memref_slice %arg6[%run_scoped3A_524, %dma_start3A_703, %dma_start3A_704] : memref<2x128x128xf32, #tpu.memory_space<vmem>> -> memref<1x128x128xf32, #tpu.memory_space<vmem>>
      %dma_start3A_706 = tpu.memref_squeeze %dma_start3A_705 : memref<1x128x128xf32, #tpu.memory_space<vmem>> -> memref<128x128xf32, #tpu.memory_space<vmem>>
      %dma_start3A_707 = arith.constant 0 : i32
      %dma_start3A_708 = tpu.memref_slice %arg4[%add3A_523, %dma_start3A_707] : memref<106496x128xf32, #tpu.memory_space<hbm>> -> memref<128x128xf32, #tpu.memory_space<hbm>>
      %dma_start3A_709 = arith.constant 0 : i32
      %dma_start3A_710 = tpu.memref_slice %arg4[%add3A_523, %dma_start3A_709] : memref<106496x128xf32, #tpu.memory_space<hbm>> -> memref<128x128xf32, #tpu.memory_space<hbm>>
      %dma_start3A_711 = arith.constant 0 : i32
      %dma_start3A_712 = arith.constant 0 : i32
      %dma_start3A_713 = tpu.memref_slice %arg6[%run_scoped3A_524, %dma_start3A_711, %dma_start3A_712] : memref<2x128x128xf32, #tpu.memory_space<vmem>> -> memref<1x128x128xf32, #tpu.memory_space<vmem>>
      %dma_start3A_714 = tpu.memref_squeeze %dma_start3A_713 : memref<1x128x128xf32, #tpu.memory_space<vmem>> -> memref<128x128xf32, #tpu.memory_space<vmem>>
      tpu.enqueue_dma source(%dma_start3A_714 : memref<128x128xf32, #tpu.memory_space<vmem>>) target(%dma_start3A_710 : memref<128x128xf32, #tpu.memory_space<hbm>>) target_semaphore(%run_scoped3A_702 : memref<!tpu.dma_semaphore, #tpu.memory_space<semaphore_mem>>)
      %dma_wait3A_715 = arith.constant 0 : i32
      %dma_wait3A_716 = arith.constant 0 : i32
      %dma_wait3A_717 = tpu.memref_slice %arg6[%run_scoped3A_524, %dma_wait3A_715, %dma_wait3A_716] : memref<2x128x128xf32, #tpu.memory_space<vmem>> -> memref<1x128x128xf32, #tpu.memory_space<vmem>>
      %dma_wait3A_718 = tpu.memref_squeeze %dma_wait3A_717 : memref<1x128x128xf32, #tpu.memory_space<vmem>> -> memref<128x128xf32, #tpu.memory_space<vmem>>
      %dma_wait3A_719 = arith.constant 0 : i32
      %dma_wait3A_720 = tpu.memref_slice %arg4[%add3A_523, %dma_wait3A_719] : memref<106496x128xf32, #tpu.memory_space<hbm>> -> memref<128x128xf32, #tpu.memory_space<hbm>>
      %dma_wait3A_721 = arith.constant 0 : i32
      %dma_wait3A_722 = tpu.memref_slice %arg4[%add3A_523, %dma_wait3A_721] : memref<106496x128xf32, #tpu.memory_space<hbm>> -> memref<128x128xf32, #tpu.memory_space<hbm>>
      %dma_wait3A_723 = arith.constant 0 : i32
      %dma_wait3A_724 = arith.constant 0 : i32
      %dma_wait3A_725 = tpu.memref_slice %arg6[%run_scoped3A_524, %dma_wait3A_723, %dma_wait3A_724] : memref<2x128x128xf32, #tpu.memory_space<vmem>> -> memref<1x128x128xf32, #tpu.memory_space<vmem>>
      %dma_wait3A_726 = tpu.memref_squeeze %dma_wait3A_725 : memref<1x128x128xf32, #tpu.memory_space<vmem>> -> memref<128x128xf32, #tpu.memory_space<vmem>>
      tpu.wait_dma2 semaphore(%run_scoped3A_702 : memref<!tpu.dma_semaphore, #tpu.memory_space<semaphore_mem>>) src(%dma_wait3A_726 : memref<128x128xf32, #tpu.memory_space<vmem>>) dst(%dma_wait3A_722 : memref<128x128xf32, #tpu.memory_space<hbm>>)
      tpu.yield
    }) : () -> ()
    %dma_start3A_525 = arith.constant 20 : i32
    %dma_start3A_526 = arith.constant 0 : i32
    %dma_start3A_527 = arith.constant 0 : i32
    %dma_start3A_528 = arith.constant 0 : i32
    %dma_start3A_529 = tpu.memref_slice %arg6[%dma_start3A_526, %dma_start3A_527, %dma_start3A_528] : memref<2x128x128xf32, #tpu.memory_space<vmem>> -> memref<1x128x128xf32, #tpu.memory_space<vmem>>
    %dma_start3A_530 = tpu.memref_squeeze %dma_start3A_529 : memref<1x128x128xf32, #tpu.memory_space<vmem>> -> memref<128x128xf32, #tpu.memory_space<vmem>>
    %dma_start3A_531 = arith.constant 0 : i32
    %dma_start3A_532 = tpu.memref_slice %arg5[%dma_start3A_525, %dma_start3A_531] : memref<26x128xi32, #tpu.memory_space<vmem>> -> memref<1x128xi32, #tpu.memory_space<vmem>>
    %dma_start3A_533 = tpu.memref_squeeze %dma_start3A_532 : memref<1x128xi32, #tpu.memory_space<vmem>> -> memref<128xi32, #tpu.memory_space<vmem>>
    %dma_start3A_534 = arith.constant 0 : i32
    %dma_start3A_535 = arith.constant 0 : i32
    %dma_start3A_536 = tpu.memref_slice %arg3[%dma_start3A_534, %dma_start3A_535] : memref<2600208x128xf32, #tpu.memory_space<hbm>> -> memref<2600208x128xf32, #tpu.memory_space<hbm>>
    tpu.enqueue_indirect_dma source(%dma_start3A_536 : memref<2600208x128xf32, #tpu.memory_space<hbm>>) target(%dma_start3A_530 : memref<128x128xf32, #tpu.memory_space<vmem>>) offsets(%dma_start3A_533 : memref<128xi32, #tpu.memory_space<vmem>>) semaphore(%arg7 : memref<!tpu.dma_semaphore, #tpu.memory_space<semaphore_mem>>)
    %dma_wait3A_537 = arith.constant 19 : i32
    %dma_wait3A_538 = arith.constant 1 : i32
    %dma_wait3A_539 = arith.constant 0 : i32
    %dma_wait3A_540 = arith.constant 0 : i32
    %dma_wait3A_541 = tpu.memref_slice %arg6[%dma_wait3A_538, %dma_wait3A_539, %dma_wait3A_540] : memref<2x128x128xf32, #tpu.memory_space<vmem>> -> memref<1x128x128xf32, #tpu.memory_space<vmem>>
    %dma_wait3A_542 = tpu.memref_squeeze %dma_wait3A_541 : memref<1x128x128xf32, #tpu.memory_space<vmem>> -> memref<128x128xf32, #tpu.memory_space<vmem>>
    %dma_wait3A_543 = arith.constant 0 : i32
    %dma_wait3A_544 = tpu.memref_slice %arg5[%dma_wait3A_537, %dma_wait3A_543] : memref<26x128xi32, #tpu.memory_space<vmem>> -> memref<1x128xi32, #tpu.memory_space<vmem>>
    %dma_wait3A_545 = tpu.memref_squeeze %dma_wait3A_544 : memref<1x128xi32, #tpu.memory_space<vmem>> -> memref<128xi32, #tpu.memory_space<vmem>>
    %dma_wait3A_546 = arith.constant 0 : i32
    %dma_wait3A_547 = arith.constant 0 : i32
    %dma_wait3A_548 = tpu.memref_slice %arg3[%dma_wait3A_546, %dma_wait3A_547] : memref<2600208x128xf32, #tpu.memory_space<hbm>> -> memref<2600208x128xf32, #tpu.memory_space<hbm>>
    tpu.wait_indirect_dma semaphore(%arg7 : memref<!tpu.dma_semaphore, #tpu.memory_space<semaphore_mem>>) src(%dma_wait3A_548 : memref<2600208x128xf32, #tpu.memory_space<hbm>>) dst(%dma_wait3A_542 : memref<128x128xf32, #tpu.memory_space<vmem>>)
    %add3A_549 = arith.constant 2432 : i32
    %add3A_550 = arith.addi %mul3A_2, %add3A_549 : i32
    %run_scoped3A_551 = arith.constant 1 : i32
    "tpu.region"() ({
      %run_scoped3A_702 = tpu.sem_alloc : memref<!tpu.dma_semaphore, #tpu.memory_space<semaphore_mem>>
      %dma_start3A_703 = arith.constant 0 : i32
      %dma_start3A_704 = arith.constant 0 : i32
      %dma_start3A_705 = tpu.memref_slice %arg6[%run_scoped3A_551, %dma_start3A_703, %dma_start3A_704] : memref<2x128x128xf32, #tpu.memory_space<vmem>> -> memref<1x128x128xf32, #tpu.memory_space<vmem>>
      %dma_start3A_706 = tpu.memref_squeeze %dma_start3A_705 : memref<1x128x128xf32, #tpu.memory_space<vmem>> -> memref<128x128xf32, #tpu.memory_space<vmem>>
      %dma_start3A_707 = arith.constant 0 : i32
      %dma_start3A_708 = tpu.memref_slice %arg4[%add3A_550, %dma_start3A_707] : memref<106496x128xf32, #tpu.memory_space<hbm>> -> memref<128x128xf32, #tpu.memory_space<hbm>>
      %dma_start3A_709 = arith.constant 0 : i32
      %dma_start3A_710 = tpu.memref_slice %arg4[%add3A_550, %dma_start3A_709] : memref<106496x128xf32, #tpu.memory_space<hbm>> -> memref<128x128xf32, #tpu.memory_space<hbm>>
      %dma_start3A_711 = arith.constant 0 : i32
      %dma_start3A_712 = arith.constant 0 : i32
      %dma_start3A_713 = tpu.memref_slice %arg6[%run_scoped3A_551, %dma_start3A_711, %dma_start3A_712] : memref<2x128x128xf32, #tpu.memory_space<vmem>> -> memref<1x128x128xf32, #tpu.memory_space<vmem>>
      %dma_start3A_714 = tpu.memref_squeeze %dma_start3A_713 : memref<1x128x128xf32, #tpu.memory_space<vmem>> -> memref<128x128xf32, #tpu.memory_space<vmem>>
      tpu.enqueue_dma source(%dma_start3A_714 : memref<128x128xf32, #tpu.memory_space<vmem>>) target(%dma_start3A_710 : memref<128x128xf32, #tpu.memory_space<hbm>>) target_semaphore(%run_scoped3A_702 : memref<!tpu.dma_semaphore, #tpu.memory_space<semaphore_mem>>)
      %dma_wait3A_715 = arith.constant 0 : i32
      %dma_wait3A_716 = arith.constant 0 : i32
      %dma_wait3A_717 = tpu.memref_slice %arg6[%run_scoped3A_551, %dma_wait3A_715, %dma_wait3A_716] : memref<2x128x128xf32, #tpu.memory_space<vmem>> -> memref<1x128x128xf32, #tpu.memory_space<vmem>>
      %dma_wait3A_718 = tpu.memref_squeeze %dma_wait3A_717 : memref<1x128x128xf32, #tpu.memory_space<vmem>> -> memref<128x128xf32, #tpu.memory_space<vmem>>
      %dma_wait3A_719 = arith.constant 0 : i32
      %dma_wait3A_720 = tpu.memref_slice %arg4[%add3A_550, %dma_wait3A_719] : memref<106496x128xf32, #tpu.memory_space<hbm>> -> memref<128x128xf32, #tpu.memory_space<hbm>>
      %dma_wait3A_721 = arith.constant 0 : i32
      %dma_wait3A_722 = tpu.memref_slice %arg4[%add3A_550, %dma_wait3A_721] : memref<106496x128xf32, #tpu.memory_space<hbm>> -> memref<128x128xf32, #tpu.memory_space<hbm>>
      %dma_wait3A_723 = arith.constant 0 : i32
      %dma_wait3A_724 = arith.constant 0 : i32
      %dma_wait3A_725 = tpu.memref_slice %arg6[%run_scoped3A_551, %dma_wait3A_723, %dma_wait3A_724] : memref<2x128x128xf32, #tpu.memory_space<vmem>> -> memref<1x128x128xf32, #tpu.memory_space<vmem>>
      %dma_wait3A_726 = tpu.memref_squeeze %dma_wait3A_725 : memref<1x128x128xf32, #tpu.memory_space<vmem>> -> memref<128x128xf32, #tpu.memory_space<vmem>>
      tpu.wait_dma2 semaphore(%run_scoped3A_702 : memref<!tpu.dma_semaphore, #tpu.memory_space<semaphore_mem>>) src(%dma_wait3A_726 : memref<128x128xf32, #tpu.memory_space<vmem>>) dst(%dma_wait3A_722 : memref<128x128xf32, #tpu.memory_space<hbm>>)
      tpu.yield
    }) : () -> ()
    %dma_start3A_552 = arith.constant 21 : i32
    %dma_start3A_553 = arith.constant 1 : i32
    %dma_start3A_554 = arith.constant 0 : i32
    %dma_start3A_555 = arith.constant 0 : i32
    %dma_start3A_556 = tpu.memref_slice %arg6[%dma_start3A_553, %dma_start3A_554, %dma_start3A_555] : memref<2x128x128xf32, #tpu.memory_space<vmem>> -> memref<1x128x128xf32, #tpu.memory_space<vmem>>
    %dma_start3A_557 = tpu.memref_squeeze %dma_start3A_556 : memref<1x128x128xf32, #tpu.memory_space<vmem>> -> memref<128x128xf32, #tpu.memory_space<vmem>>
    %dma_start3A_558 = arith.constant 0 : i32
    %dma_start3A_559 = tpu.memref_slice %arg5[%dma_start3A_552, %dma_start3A_558] : memref<26x128xi32, #tpu.memory_space<vmem>> -> memref<1x128xi32, #tpu.memory_space<vmem>>
    %dma_start3A_560 = tpu.memref_squeeze %dma_start3A_559 : memref<1x128xi32, #tpu.memory_space<vmem>> -> memref<128xi32, #tpu.memory_space<vmem>>
    %dma_start3A_561 = arith.constant 0 : i32
    %dma_start3A_562 = arith.constant 0 : i32
    %dma_start3A_563 = tpu.memref_slice %arg3[%dma_start3A_561, %dma_start3A_562] : memref<2600208x128xf32, #tpu.memory_space<hbm>> -> memref<2600208x128xf32, #tpu.memory_space<hbm>>
    tpu.enqueue_indirect_dma source(%dma_start3A_563 : memref<2600208x128xf32, #tpu.memory_space<hbm>>) target(%dma_start3A_557 : memref<128x128xf32, #tpu.memory_space<vmem>>) offsets(%dma_start3A_560 : memref<128xi32, #tpu.memory_space<vmem>>) semaphore(%arg7 : memref<!tpu.dma_semaphore, #tpu.memory_space<semaphore_mem>>)
    %dma_wait3A_564 = arith.constant 20 : i32
    %dma_wait3A_565 = arith.constant 0 : i32
    %dma_wait3A_566 = arith.constant 0 : i32
    %dma_wait3A_567 = arith.constant 0 : i32
    %dma_wait3A_568 = tpu.memref_slice %arg6[%dma_wait3A_565, %dma_wait3A_566, %dma_wait3A_567] : memref<2x128x128xf32, #tpu.memory_space<vmem>> -> memref<1x128x128xf32, #tpu.memory_space<vmem>>
    %dma_wait3A_569 = tpu.memref_squeeze %dma_wait3A_568 : memref<1x128x128xf32, #tpu.memory_space<vmem>> -> memref<128x128xf32, #tpu.memory_space<vmem>>
    %dma_wait3A_570 = arith.constant 0 : i32
    %dma_wait3A_571 = tpu.memref_slice %arg5[%dma_wait3A_564, %dma_wait3A_570] : memref<26x128xi32, #tpu.memory_space<vmem>> -> memref<1x128xi32, #tpu.memory_space<vmem>>
    %dma_wait3A_572 = tpu.memref_squeeze %dma_wait3A_571 : memref<1x128xi32, #tpu.memory_space<vmem>> -> memref<128xi32, #tpu.memory_space<vmem>>
    %dma_wait3A_573 = arith.constant 0 : i32
    %dma_wait3A_574 = arith.constant 0 : i32
    %dma_wait3A_575 = tpu.memref_slice %arg3[%dma_wait3A_573, %dma_wait3A_574] : memref<2600208x128xf32, #tpu.memory_space<hbm>> -> memref<2600208x128xf32, #tpu.memory_space<hbm>>
    tpu.wait_indirect_dma semaphore(%arg7 : memref<!tpu.dma_semaphore, #tpu.memory_space<semaphore_mem>>) src(%dma_wait3A_575 : memref<2600208x128xf32, #tpu.memory_space<hbm>>) dst(%dma_wait3A_569 : memref<128x128xf32, #tpu.memory_space<vmem>>)
    %add3A_576 = arith.constant 2560 : i32
    %add3A_577 = arith.addi %mul3A_2, %add3A_576 : i32
    %run_scoped3A_578 = arith.constant 0 : i32
    "tpu.region"() ({
      %run_scoped3A_702 = tpu.sem_alloc : memref<!tpu.dma_semaphore, #tpu.memory_space<semaphore_mem>>
      %dma_start3A_703 = arith.constant 0 : i32
      %dma_start3A_704 = arith.constant 0 : i32
      %dma_start3A_705 = tpu.memref_slice %arg6[%run_scoped3A_578, %dma_start3A_703, %dma_start3A_704] : memref<2x128x128xf32, #tpu.memory_space<vmem>> -> memref<1x128x128xf32, #tpu.memory_space<vmem>>
      %dma_start3A_706 = tpu.memref_squeeze %dma_start3A_705 : memref<1x128x128xf32, #tpu.memory_space<vmem>> -> memref<128x128xf32, #tpu.memory_space<vmem>>
      %dma_start3A_707 = arith.constant 0 : i32
      %dma_start3A_708 = tpu.memref_slice %arg4[%add3A_577, %dma_start3A_707] : memref<106496x128xf32, #tpu.memory_space<hbm>> -> memref<128x128xf32, #tpu.memory_space<hbm>>
      %dma_start3A_709 = arith.constant 0 : i32
      %dma_start3A_710 = tpu.memref_slice %arg4[%add3A_577, %dma_start3A_709] : memref<106496x128xf32, #tpu.memory_space<hbm>> -> memref<128x128xf32, #tpu.memory_space<hbm>>
      %dma_start3A_711 = arith.constant 0 : i32
      %dma_start3A_712 = arith.constant 0 : i32
      %dma_start3A_713 = tpu.memref_slice %arg6[%run_scoped3A_578, %dma_start3A_711, %dma_start3A_712] : memref<2x128x128xf32, #tpu.memory_space<vmem>> -> memref<1x128x128xf32, #tpu.memory_space<vmem>>
      %dma_start3A_714 = tpu.memref_squeeze %dma_start3A_713 : memref<1x128x128xf32, #tpu.memory_space<vmem>> -> memref<128x128xf32, #tpu.memory_space<vmem>>
      tpu.enqueue_dma source(%dma_start3A_714 : memref<128x128xf32, #tpu.memory_space<vmem>>) target(%dma_start3A_710 : memref<128x128xf32, #tpu.memory_space<hbm>>) target_semaphore(%run_scoped3A_702 : memref<!tpu.dma_semaphore, #tpu.memory_space<semaphore_mem>>)
      %dma_wait3A_715 = arith.constant 0 : i32
      %dma_wait3A_716 = arith.constant 0 : i32
      %dma_wait3A_717 = tpu.memref_slice %arg6[%run_scoped3A_578, %dma_wait3A_715, %dma_wait3A_716] : memref<2x128x128xf32, #tpu.memory_space<vmem>> -> memref<1x128x128xf32, #tpu.memory_space<vmem>>
      %dma_wait3A_718 = tpu.memref_squeeze %dma_wait3A_717 : memref<1x128x128xf32, #tpu.memory_space<vmem>> -> memref<128x128xf32, #tpu.memory_space<vmem>>
      %dma_wait3A_719 = arith.constant 0 : i32
      %dma_wait3A_720 = tpu.memref_slice %arg4[%add3A_577, %dma_wait3A_719] : memref<106496x128xf32, #tpu.memory_space<hbm>> -> memref<128x128xf32, #tpu.memory_space<hbm>>
      %dma_wait3A_721 = arith.constant 0 : i32
      %dma_wait3A_722 = tpu.memref_slice %arg4[%add3A_577, %dma_wait3A_721] : memref<106496x128xf32, #tpu.memory_space<hbm>> -> memref<128x128xf32, #tpu.memory_space<hbm>>
      %dma_wait3A_723 = arith.constant 0 : i32
      %dma_wait3A_724 = arith.constant 0 : i32
      %dma_wait3A_725 = tpu.memref_slice %arg6[%run_scoped3A_578, %dma_wait3A_723, %dma_wait3A_724] : memref<2x128x128xf32, #tpu.memory_space<vmem>> -> memref<1x128x128xf32, #tpu.memory_space<vmem>>
      %dma_wait3A_726 = tpu.memref_squeeze %dma_wait3A_725 : memref<1x128x128xf32, #tpu.memory_space<vmem>> -> memref<128x128xf32, #tpu.memory_space<vmem>>
      tpu.wait_dma2 semaphore(%run_scoped3A_702 : memref<!tpu.dma_semaphore, #tpu.memory_space<semaphore_mem>>) src(%dma_wait3A_726 : memref<128x128xf32, #tpu.memory_space<vmem>>) dst(%dma_wait3A_722 : memref<128x128xf32, #tpu.memory_space<hbm>>)
      tpu.yield
    }) : () -> ()
    %dma_start3A_579 = arith.constant 22 : i32
    %dma_start3A_580 = arith.constant 0 : i32
    %dma_start3A_581 = arith.constant 0 : i32
    %dma_start3A_582 = arith.constant 0 : i32
    %dma_start3A_583 = tpu.memref_slice %arg6[%dma_start3A_580, %dma_start3A_581, %dma_start3A_582] : memref<2x128x128xf32, #tpu.memory_space<vmem>> -> memref<1x128x128xf32, #tpu.memory_space<vmem>>
    %dma_start3A_584 = tpu.memref_squeeze %dma_start3A_583 : memref<1x128x128xf32, #tpu.memory_space<vmem>> -> memref<128x128xf32, #tpu.memory_space<vmem>>
    %dma_start3A_585 = arith.constant 0 : i32
    %dma_start3A_586 = tpu.memref_slice %arg5[%dma_start3A_579, %dma_start3A_585] : memref<26x128xi32, #tpu.memory_space<vmem>> -> memref<1x128xi32, #tpu.memory_space<vmem>>
    %dma_start3A_587 = tpu.memref_squeeze %dma_start3A_586 : memref<1x128xi32, #tpu.memory_space<vmem>> -> memref<128xi32, #tpu.memory_space<vmem>>
    %dma_start3A_588 = arith.constant 0 : i32
    %dma_start3A_589 = arith.constant 0 : i32
    %dma_start3A_590 = tpu.memref_slice %arg3[%dma_start3A_588, %dma_start3A_589] : memref<2600208x128xf32, #tpu.memory_space<hbm>> -> memref<2600208x128xf32, #tpu.memory_space<hbm>>
    tpu.enqueue_indirect_dma source(%dma_start3A_590 : memref<2600208x128xf32, #tpu.memory_space<hbm>>) target(%dma_start3A_584 : memref<128x128xf32, #tpu.memory_space<vmem>>) offsets(%dma_start3A_587 : memref<128xi32, #tpu.memory_space<vmem>>) semaphore(%arg7 : memref<!tpu.dma_semaphore, #tpu.memory_space<semaphore_mem>>)
    %dma_wait3A_591 = arith.constant 21 : i32
    %dma_wait3A_592 = arith.constant 1 : i32
    %dma_wait3A_593 = arith.constant 0 : i32
    %dma_wait3A_594 = arith.constant 0 : i32
    %dma_wait3A_595 = tpu.memref_slice %arg6[%dma_wait3A_592, %dma_wait3A_593, %dma_wait3A_594] : memref<2x128x128xf32, #tpu.memory_space<vmem>> -> memref<1x128x128xf32, #tpu.memory_space<vmem>>
    %dma_wait3A_596 = tpu.memref_squeeze %dma_wait3A_595 : memref<1x128x128xf32, #tpu.memory_space<vmem>> -> memref<128x128xf32, #tpu.memory_space<vmem>>
    %dma_wait3A_597 = arith.constant 0 : i32
    %dma_wait3A_598 = tpu.memref_slice %arg5[%dma_wait3A_591, %dma_wait3A_597] : memref<26x128xi32, #tpu.memory_space<vmem>> -> memref<1x128xi32, #tpu.memory_space<vmem>>
    %dma_wait3A_599 = tpu.memref_squeeze %dma_wait3A_598 : memref<1x128xi32, #tpu.memory_space<vmem>> -> memref<128xi32, #tpu.memory_space<vmem>>
    %dma_wait3A_600 = arith.constant 0 : i32
    %dma_wait3A_601 = arith.constant 0 : i32
    %dma_wait3A_602 = tpu.memref_slice %arg3[%dma_wait3A_600, %dma_wait3A_601] : memref<2600208x128xf32, #tpu.memory_space<hbm>> -> memref<2600208x128xf32, #tpu.memory_space<hbm>>
    tpu.wait_indirect_dma semaphore(%arg7 : memref<!tpu.dma_semaphore, #tpu.memory_space<semaphore_mem>>) src(%dma_wait3A_602 : memref<2600208x128xf32, #tpu.memory_space<hbm>>) dst(%dma_wait3A_596 : memref<128x128xf32, #tpu.memory_space<vmem>>)
    %add3A_603 = arith.constant 2688 : i32
    %add3A_604 = arith.addi %mul3A_2, %add3A_603 : i32
    %run_scoped3A_605 = arith.constant 1 : i32
    "tpu.region"() ({
      %run_scoped3A_702 = tpu.sem_alloc : memref<!tpu.dma_semaphore, #tpu.memory_space<semaphore_mem>>
      %dma_start3A_703 = arith.constant 0 : i32
      %dma_start3A_704 = arith.constant 0 : i32
      %dma_start3A_705 = tpu.memref_slice %arg6[%run_scoped3A_605, %dma_start3A_703, %dma_start3A_704] : memref<2x128x128xf32, #tpu.memory_space<vmem>> -> memref<1x128x128xf32, #tpu.memory_space<vmem>>
      %dma_start3A_706 = tpu.memref_squeeze %dma_start3A_705 : memref<1x128x128xf32, #tpu.memory_space<vmem>> -> memref<128x128xf32, #tpu.memory_space<vmem>>
      %dma_start3A_707 = arith.constant 0 : i32
      %dma_start3A_708 = tpu.memref_slice %arg4[%add3A_604, %dma_start3A_707] : memref<106496x128xf32, #tpu.memory_space<hbm>> -> memref<128x128xf32, #tpu.memory_space<hbm>>
      %dma_start3A_709 = arith.constant 0 : i32
      %dma_start3A_710 = tpu.memref_slice %arg4[%add3A_604, %dma_start3A_709] : memref<106496x128xf32, #tpu.memory_space<hbm>> -> memref<128x128xf32, #tpu.memory_space<hbm>>
      %dma_start3A_711 = arith.constant 0 : i32
      %dma_start3A_712 = arith.constant 0 : i32
      %dma_start3A_713 = tpu.memref_slice %arg6[%run_scoped3A_605, %dma_start3A_711, %dma_start3A_712] : memref<2x128x128xf32, #tpu.memory_space<vmem>> -> memref<1x128x128xf32, #tpu.memory_space<vmem>>
      %dma_start3A_714 = tpu.memref_squeeze %dma_start3A_713 : memref<1x128x128xf32, #tpu.memory_space<vmem>> -> memref<128x128xf32, #tpu.memory_space<vmem>>
      tpu.enqueue_dma source(%dma_start3A_714 : memref<128x128xf32, #tpu.memory_space<vmem>>) target(%dma_start3A_710 : memref<128x128xf32, #tpu.memory_space<hbm>>) target_semaphore(%run_scoped3A_702 : memref<!tpu.dma_semaphore, #tpu.memory_space<semaphore_mem>>)
      %dma_wait3A_715 = arith.constant 0 : i32
      %dma_wait3A_716 = arith.constant 0 : i32
      %dma_wait3A_717 = tpu.memref_slice %arg6[%run_scoped3A_605, %dma_wait3A_715, %dma_wait3A_716] : memref<2x128x128xf32, #tpu.memory_space<vmem>> -> memref<1x128x128xf32, #tpu.memory_space<vmem>>
      %dma_wait3A_718 = tpu.memref_squeeze %dma_wait3A_717 : memref<1x128x128xf32, #tpu.memory_space<vmem>> -> memref<128x128xf32, #tpu.memory_space<vmem>>
      %dma_wait3A_719 = arith.constant 0 : i32
      %dma_wait3A_720 = tpu.memref_slice %arg4[%add3A_604, %dma_wait3A_719] : memref<106496x128xf32, #tpu.memory_space<hbm>> -> memref<128x128xf32, #tpu.memory_space<hbm>>
      %dma_wait3A_721 = arith.constant 0 : i32
      %dma_wait3A_722 = tpu.memref_slice %arg4[%add3A_604, %dma_wait3A_721] : memref<106496x128xf32, #tpu.memory_space<hbm>> -> memref<128x128xf32, #tpu.memory_space<hbm>>
      %dma_wait3A_723 = arith.constant 0 : i32
      %dma_wait3A_724 = arith.constant 0 : i32
      %dma_wait3A_725 = tpu.memref_slice %arg6[%run_scoped3A_605, %dma_wait3A_723, %dma_wait3A_724] : memref<2x128x128xf32, #tpu.memory_space<vmem>> -> memref<1x128x128xf32, #tpu.memory_space<vmem>>
      %dma_wait3A_726 = tpu.memref_squeeze %dma_wait3A_725 : memref<1x128x128xf32, #tpu.memory_space<vmem>> -> memref<128x128xf32, #tpu.memory_space<vmem>>
      tpu.wait_dma2 semaphore(%run_scoped3A_702 : memref<!tpu.dma_semaphore, #tpu.memory_space<semaphore_mem>>) src(%dma_wait3A_726 : memref<128x128xf32, #tpu.memory_space<vmem>>) dst(%dma_wait3A_722 : memref<128x128xf32, #tpu.memory_space<hbm>>)
      tpu.yield
    }) : () -> ()
    %dma_start3A_606 = arith.constant 23 : i32
    %dma_start3A_607 = arith.constant 1 : i32
    %dma_start3A_608 = arith.constant 0 : i32
    %dma_start3A_609 = arith.constant 0 : i32
    %dma_start3A_610 = tpu.memref_slice %arg6[%dma_start3A_607, %dma_start3A_608, %dma_start3A_609] : memref<2x128x128xf32, #tpu.memory_space<vmem>> -> memref<1x128x128xf32, #tpu.memory_space<vmem>>
    %dma_start3A_611 = tpu.memref_squeeze %dma_start3A_610 : memref<1x128x128xf32, #tpu.memory_space<vmem>> -> memref<128x128xf32, #tpu.memory_space<vmem>>
    %dma_start3A_612 = arith.constant 0 : i32
    %dma_start3A_613 = tpu.memref_slice %arg5[%dma_start3A_606, %dma_start3A_612] : memref<26x128xi32, #tpu.memory_space<vmem>> -> memref<1x128xi32, #tpu.memory_space<vmem>>
    %dma_start3A_614 = tpu.memref_squeeze %dma_start3A_613 : memref<1x128xi32, #tpu.memory_space<vmem>> -> memref<128xi32, #tpu.memory_space<vmem>>
    %dma_start3A_615 = arith.constant 0 : i32
    %dma_start3A_616 = arith.constant 0 : i32
    %dma_start3A_617 = tpu.memref_slice %arg3[%dma_start3A_615, %dma_start3A_616] : memref<2600208x128xf32, #tpu.memory_space<hbm>> -> memref<2600208x128xf32, #tpu.memory_space<hbm>>
    tpu.enqueue_indirect_dma source(%dma_start3A_617 : memref<2600208x128xf32, #tpu.memory_space<hbm>>) target(%dma_start3A_611 : memref<128x128xf32, #tpu.memory_space<vmem>>) offsets(%dma_start3A_614 : memref<128xi32, #tpu.memory_space<vmem>>) semaphore(%arg7 : memref<!tpu.dma_semaphore, #tpu.memory_space<semaphore_mem>>)
    %dma_wait3A_618 = arith.constant 22 : i32
    %dma_wait3A_619 = arith.constant 0 : i32
    %dma_wait3A_620 = arith.constant 0 : i32
    %dma_wait3A_621 = arith.constant 0 : i32
    %dma_wait3A_622 = tpu.memref_slice %arg6[%dma_wait3A_619, %dma_wait3A_620, %dma_wait3A_621] : memref<2x128x128xf32, #tpu.memory_space<vmem>> -> memref<1x128x128xf32, #tpu.memory_space<vmem>>
    %dma_wait3A_623 = tpu.memref_squeeze %dma_wait3A_622 : memref<1x128x128xf32, #tpu.memory_space<vmem>> -> memref<128x128xf32, #tpu.memory_space<vmem>>
    %dma_wait3A_624 = arith.constant 0 : i32
    %dma_wait3A_625 = tpu.memref_slice %arg5[%dma_wait3A_618, %dma_wait3A_624] : memref<26x128xi32, #tpu.memory_space<vmem>> -> memref<1x128xi32, #tpu.memory_space<vmem>>
    %dma_wait3A_626 = tpu.memref_squeeze %dma_wait3A_625 : memref<1x128xi32, #tpu.memory_space<vmem>> -> memref<128xi32, #tpu.memory_space<vmem>>
    %dma_wait3A_627 = arith.constant 0 : i32
    %dma_wait3A_628 = arith.constant 0 : i32
    %dma_wait3A_629 = tpu.memref_slice %arg3[%dma_wait3A_627, %dma_wait3A_628] : memref<2600208x128xf32, #tpu.memory_space<hbm>> -> memref<2600208x128xf32, #tpu.memory_space<hbm>>
    tpu.wait_indirect_dma semaphore(%arg7 : memref<!tpu.dma_semaphore, #tpu.memory_space<semaphore_mem>>) src(%dma_wait3A_629 : memref<2600208x128xf32, #tpu.memory_space<hbm>>) dst(%dma_wait3A_623 : memref<128x128xf32, #tpu.memory_space<vmem>>)
    %add3A_630 = arith.constant 2816 : i32
    %add3A_631 = arith.addi %mul3A_2, %add3A_630 : i32
    %run_scoped3A_632 = arith.constant 0 : i32
    "tpu.region"() ({
      %run_scoped3A_702 = tpu.sem_alloc : memref<!tpu.dma_semaphore, #tpu.memory_space<semaphore_mem>>
      %dma_start3A_703 = arith.constant 0 : i32
      %dma_start3A_704 = arith.constant 0 : i32
      %dma_start3A_705 = tpu.memref_slice %arg6[%run_scoped3A_632, %dma_start3A_703, %dma_start3A_704] : memref<2x128x128xf32, #tpu.memory_space<vmem>> -> memref<1x128x128xf32, #tpu.memory_space<vmem>>
      %dma_start3A_706 = tpu.memref_squeeze %dma_start3A_705 : memref<1x128x128xf32, #tpu.memory_space<vmem>> -> memref<128x128xf32, #tpu.memory_space<vmem>>
      %dma_start3A_707 = arith.constant 0 : i32
      %dma_start3A_708 = tpu.memref_slice %arg4[%add3A_631, %dma_start3A_707] : memref<106496x128xf32, #tpu.memory_space<hbm>> -> memref<128x128xf32, #tpu.memory_space<hbm>>
      %dma_start3A_709 = arith.constant 0 : i32
      %dma_start3A_710 = tpu.memref_slice %arg4[%add3A_631, %dma_start3A_709] : memref<106496x128xf32, #tpu.memory_space<hbm>> -> memref<128x128xf32, #tpu.memory_space<hbm>>
      %dma_start3A_711 = arith.constant 0 : i32
      %dma_start3A_712 = arith.constant 0 : i32
      %dma_start3A_713 = tpu.memref_slice %arg6[%run_scoped3A_632, %dma_start3A_711, %dma_start3A_712] : memref<2x128x128xf32, #tpu.memory_space<vmem>> -> memref<1x128x128xf32, #tpu.memory_space<vmem>>
      %dma_start3A_714 = tpu.memref_squeeze %dma_start3A_713 : memref<1x128x128xf32, #tpu.memory_space<vmem>> -> memref<128x128xf32, #tpu.memory_space<vmem>>
      tpu.enqueue_dma source(%dma_start3A_714 : memref<128x128xf32, #tpu.memory_space<vmem>>) target(%dma_start3A_710 : memref<128x128xf32, #tpu.memory_space<hbm>>) target_semaphore(%run_scoped3A_702 : memref<!tpu.dma_semaphore, #tpu.memory_space<semaphore_mem>>)
      %dma_wait3A_715 = arith.constant 0 : i32
      %dma_wait3A_716 = arith.constant 0 : i32
      %dma_wait3A_717 = tpu.memref_slice %arg6[%run_scoped3A_632, %dma_wait3A_715, %dma_wait3A_716] : memref<2x128x128xf32, #tpu.memory_space<vmem>> -> memref<1x128x128xf32, #tpu.memory_space<vmem>>
      %dma_wait3A_718 = tpu.memref_squeeze %dma_wait3A_717 : memref<1x128x128xf32, #tpu.memory_space<vmem>> -> memref<128x128xf32, #tpu.memory_space<vmem>>
      %dma_wait3A_719 = arith.constant 0 : i32
      %dma_wait3A_720 = tpu.memref_slice %arg4[%add3A_631, %dma_wait3A_719] : memref<106496x128xf32, #tpu.memory_space<hbm>> -> memref<128x128xf32, #tpu.memory_space<hbm>>
      %dma_wait3A_721 = arith.constant 0 : i32
      %dma_wait3A_722 = tpu.memref_slice %arg4[%add3A_631, %dma_wait3A_721] : memref<106496x128xf32, #tpu.memory_space<hbm>> -> memref<128x128xf32, #tpu.memory_space<hbm>>
      %dma_wait3A_723 = arith.constant 0 : i32
      %dma_wait3A_724 = arith.constant 0 : i32
      %dma_wait3A_725 = tpu.memref_slice %arg6[%run_scoped3A_632, %dma_wait3A_723, %dma_wait3A_724] : memref<2x128x128xf32, #tpu.memory_space<vmem>> -> memref<1x128x128xf32, #tpu.memory_space<vmem>>
      %dma_wait3A_726 = tpu.memref_squeeze %dma_wait3A_725 : memref<1x128x128xf32, #tpu.memory_space<vmem>> -> memref<128x128xf32, #tpu.memory_space<vmem>>
      tpu.wait_dma2 semaphore(%run_scoped3A_702 : memref<!tpu.dma_semaphore, #tpu.memory_space<semaphore_mem>>) src(%dma_wait3A_726 : memref<128x128xf32, #tpu.memory_space<vmem>>) dst(%dma_wait3A_722 : memref<128x128xf32, #tpu.memory_space<hbm>>)
      tpu.yield
    }) : () -> ()
    %dma_start3A_633 = arith.constant 24 : i32
    %dma_start3A_634 = arith.constant 0 : i32
    %dma_start3A_635 = arith.constant 0 : i32
    %dma_start3A_636 = arith.constant 0 : i32
    %dma_start3A_637 = tpu.memref_slice %arg6[%dma_start3A_634, %dma_start3A_635, %dma_start3A_636] : memref<2x128x128xf32, #tpu.memory_space<vmem>> -> memref<1x128x128xf32, #tpu.memory_space<vmem>>
    %dma_start3A_638 = tpu.memref_squeeze %dma_start3A_637 : memref<1x128x128xf32, #tpu.memory_space<vmem>> -> memref<128x128xf32, #tpu.memory_space<vmem>>
    %dma_start3A_639 = arith.constant 0 : i32
    %dma_start3A_640 = tpu.memref_slice %arg5[%dma_start3A_633, %dma_start3A_639] : memref<26x128xi32, #tpu.memory_space<vmem>> -> memref<1x128xi32, #tpu.memory_space<vmem>>
    %dma_start3A_641 = tpu.memref_squeeze %dma_start3A_640 : memref<1x128xi32, #tpu.memory_space<vmem>> -> memref<128xi32, #tpu.memory_space<vmem>>
    %dma_start3A_642 = arith.constant 0 : i32
    %dma_start3A_643 = arith.constant 0 : i32
    %dma_start3A_644 = tpu.memref_slice %arg3[%dma_start3A_642, %dma_start3A_643] : memref<2600208x128xf32, #tpu.memory_space<hbm>> -> memref<2600208x128xf32, #tpu.memory_space<hbm>>
    tpu.enqueue_indirect_dma source(%dma_start3A_644 : memref<2600208x128xf32, #tpu.memory_space<hbm>>) target(%dma_start3A_638 : memref<128x128xf32, #tpu.memory_space<vmem>>) offsets(%dma_start3A_641 : memref<128xi32, #tpu.memory_space<vmem>>) semaphore(%arg7 : memref<!tpu.dma_semaphore, #tpu.memory_space<semaphore_mem>>)
    %dma_wait3A_645 = arith.constant 23 : i32
    %dma_wait3A_646 = arith.constant 1 : i32
    %dma_wait3A_647 = arith.constant 0 : i32
    %dma_wait3A_648 = arith.constant 0 : i32
    %dma_wait3A_649 = tpu.memref_slice %arg6[%dma_wait3A_646, %dma_wait3A_647, %dma_wait3A_648] : memref<2x128x128xf32, #tpu.memory_space<vmem>> -> memref<1x128x128xf32, #tpu.memory_space<vmem>>
    %dma_wait3A_650 = tpu.memref_squeeze %dma_wait3A_649 : memref<1x128x128xf32, #tpu.memory_space<vmem>> -> memref<128x128xf32, #tpu.memory_space<vmem>>
    %dma_wait3A_651 = arith.constant 0 : i32
    %dma_wait3A_652 = tpu.memref_slice %arg5[%dma_wait3A_645, %dma_wait3A_651] : memref<26x128xi32, #tpu.memory_space<vmem>> -> memref<1x128xi32, #tpu.memory_space<vmem>>
    %dma_wait3A_653 = tpu.memref_squeeze %dma_wait3A_652 : memref<1x128xi32, #tpu.memory_space<vmem>> -> memref<128xi32, #tpu.memory_space<vmem>>
    %dma_wait3A_654 = arith.constant 0 : i32
    %dma_wait3A_655 = arith.constant 0 : i32
    %dma_wait3A_656 = tpu.memref_slice %arg3[%dma_wait3A_654, %dma_wait3A_655] : memref<2600208x128xf32, #tpu.memory_space<hbm>> -> memref<2600208x128xf32, #tpu.memory_space<hbm>>
    tpu.wait_indirect_dma semaphore(%arg7 : memref<!tpu.dma_semaphore, #tpu.memory_space<semaphore_mem>>) src(%dma_wait3A_656 : memref<2600208x128xf32, #tpu.memory_space<hbm>>) dst(%dma_wait3A_650 : memref<128x128xf32, #tpu.memory_space<vmem>>)
    %add3A_657 = arith.constant 2944 : i32
    %add3A_658 = arith.addi %mul3A_2, %add3A_657 : i32
    %run_scoped3A_659 = arith.constant 1 : i32
    "tpu.region"() ({
      %run_scoped3A_702 = tpu.sem_alloc : memref<!tpu.dma_semaphore, #tpu.memory_space<semaphore_mem>>
      %dma_start3A_703 = arith.constant 0 : i32
      %dma_start3A_704 = arith.constant 0 : i32
      %dma_start3A_705 = tpu.memref_slice %arg6[%run_scoped3A_659, %dma_start3A_703, %dma_start3A_704] : memref<2x128x128xf32, #tpu.memory_space<vmem>> -> memref<1x128x128xf32, #tpu.memory_space<vmem>>
      %dma_start3A_706 = tpu.memref_squeeze %dma_start3A_705 : memref<1x128x128xf32, #tpu.memory_space<vmem>> -> memref<128x128xf32, #tpu.memory_space<vmem>>
      %dma_start3A_707 = arith.constant 0 : i32
      %dma_start3A_708 = tpu.memref_slice %arg4[%add3A_658, %dma_start3A_707] : memref<106496x128xf32, #tpu.memory_space<hbm>> -> memref<128x128xf32, #tpu.memory_space<hbm>>
      %dma_start3A_709 = arith.constant 0 : i32
      %dma_start3A_710 = tpu.memref_slice %arg4[%add3A_658, %dma_start3A_709] : memref<106496x128xf32, #tpu.memory_space<hbm>> -> memref<128x128xf32, #tpu.memory_space<hbm>>
      %dma_start3A_711 = arith.constant 0 : i32
      %dma_start3A_712 = arith.constant 0 : i32
      %dma_start3A_713 = tpu.memref_slice %arg6[%run_scoped3A_659, %dma_start3A_711, %dma_start3A_712] : memref<2x128x128xf32, #tpu.memory_space<vmem>> -> memref<1x128x128xf32, #tpu.memory_space<vmem>>
      %dma_start3A_714 = tpu.memref_squeeze %dma_start3A_713 : memref<1x128x128xf32, #tpu.memory_space<vmem>> -> memref<128x128xf32, #tpu.memory_space<vmem>>
      tpu.enqueue_dma source(%dma_start3A_714 : memref<128x128xf32, #tpu.memory_space<vmem>>) target(%dma_start3A_710 : memref<128x128xf32, #tpu.memory_space<hbm>>) target_semaphore(%run_scoped3A_702 : memref<!tpu.dma_semaphore, #tpu.memory_space<semaphore_mem>>)
      %dma_wait3A_715 = arith.constant 0 : i32
      %dma_wait3A_716 = arith.constant 0 : i32
      %dma_wait3A_717 = tpu.memref_slice %arg6[%run_scoped3A_659, %dma_wait3A_715, %dma_wait3A_716] : memref<2x128x128xf32, #tpu.memory_space<vmem>> -> memref<1x128x128xf32, #tpu.memory_space<vmem>>
      %dma_wait3A_718 = tpu.memref_squeeze %dma_wait3A_717 : memref<1x128x128xf32, #tpu.memory_space<vmem>> -> memref<128x128xf32, #tpu.memory_space<vmem>>
      %dma_wait3A_719 = arith.constant 0 : i32
      %dma_wait3A_720 = tpu.memref_slice %arg4[%add3A_658, %dma_wait3A_719] : memref<106496x128xf32, #tpu.memory_space<hbm>> -> memref<128x128xf32, #tpu.memory_space<hbm>>
      %dma_wait3A_721 = arith.constant 0 : i32
      %dma_wait3A_722 = tpu.memref_slice %arg4[%add3A_658, %dma_wait3A_721] : memref<106496x128xf32, #tpu.memory_space<hbm>> -> memref<128x128xf32, #tpu.memory_space<hbm>>
      %dma_wait3A_723 = arith.constant 0 : i32
      %dma_wait3A_724 = arith.constant 0 : i32
      %dma_wait3A_725 = tpu.memref_slice %arg6[%run_scoped3A_659, %dma_wait3A_723, %dma_wait3A_724] : memref<2x128x128xf32, #tpu.memory_space<vmem>> -> memref<1x128x128xf32, #tpu.memory_space<vmem>>
      %dma_wait3A_726 = tpu.memref_squeeze %dma_wait3A_725 : memref<1x128x128xf32, #tpu.memory_space<vmem>> -> memref<128x128xf32, #tpu.memory_space<vmem>>
      tpu.wait_dma2 semaphore(%run_scoped3A_702 : memref<!tpu.dma_semaphore, #tpu.memory_space<semaphore_mem>>) src(%dma_wait3A_726 : memref<128x128xf32, #tpu.memory_space<vmem>>) dst(%dma_wait3A_722 : memref<128x128xf32, #tpu.memory_space<hbm>>)
      tpu.yield
    }) : () -> ()
    %dma_start3A_660 = arith.constant 25 : i32
    %dma_start3A_661 = arith.constant 1 : i32
    %dma_start3A_662 = arith.constant 0 : i32
    %dma_start3A_663 = arith.constant 0 : i32
    %dma_start3A_664 = tpu.memref_slice %arg6[%dma_start3A_661, %dma_start3A_662, %dma_start3A_663] : memref<2x128x128xf32, #tpu.memory_space<vmem>> -> memref<1x128x128xf32, #tpu.memory_space<vmem>>
    %dma_start3A_665 = tpu.memref_squeeze %dma_start3A_664 : memref<1x128x128xf32, #tpu.memory_space<vmem>> -> memref<128x128xf32, #tpu.memory_space<vmem>>
    %dma_start3A_666 = arith.constant 0 : i32
    %dma_start3A_667 = tpu.memref_slice %arg5[%dma_start3A_660, %dma_start3A_666] : memref<26x128xi32, #tpu.memory_space<vmem>> -> memref<1x128xi32, #tpu.memory_space<vmem>>
    %dma_start3A_668 = tpu.memref_squeeze %dma_start3A_667 : memref<1x128xi32, #tpu.memory_space<vmem>> -> memref<128xi32, #tpu.memory_space<vmem>>
    %dma_start3A_669 = arith.constant 0 : i32
    %dma_start3A_670 = arith.constant 0 : i32
    %dma_start3A_671 = tpu.memref_slice %arg3[%dma_start3A_669, %dma_start3A_670] : memref<2600208x128xf32, #tpu.memory_space<hbm>> -> memref<2600208x128xf32, #tpu.memory_space<hbm>>
    tpu.enqueue_indirect_dma source(%dma_start3A_671 : memref<2600208x128xf32, #tpu.memory_space<hbm>>) target(%dma_start3A_665 : memref<128x128xf32, #tpu.memory_space<vmem>>) offsets(%dma_start3A_668 : memref<128xi32, #tpu.memory_space<vmem>>) semaphore(%arg7 : memref<!tpu.dma_semaphore, #tpu.memory_space<semaphore_mem>>)
    %dma_wait3A_672 = arith.constant 24 : i32
    %dma_wait3A_673 = arith.constant 0 : i32
    %dma_wait3A_674 = arith.constant 0 : i32
    %dma_wait3A_675 = arith.constant 0 : i32
    %dma_wait3A_676 = tpu.memref_slice %arg6[%dma_wait3A_673, %dma_wait3A_674, %dma_wait3A_675] : memref<2x128x128xf32, #tpu.memory_space<vmem>> -> memref<1x128x128xf32, #tpu.memory_space<vmem>>
    %dma_wait3A_677 = tpu.memref_squeeze %dma_wait3A_676 : memref<1x128x128xf32, #tpu.memory_space<vmem>> -> memref<128x128xf32, #tpu.memory_space<vmem>>
    %dma_wait3A_678 = arith.constant 0 : i32
    %dma_wait3A_679 = tpu.memref_slice %arg5[%dma_wait3A_672, %dma_wait3A_678] : memref<26x128xi32, #tpu.memory_space<vmem>> -> memref<1x128xi32, #tpu.memory_space<vmem>>
    %dma_wait3A_680 = tpu.memref_squeeze %dma_wait3A_679 : memref<1x128xi32, #tpu.memory_space<vmem>> -> memref<128xi32, #tpu.memory_space<vmem>>
    %dma_wait3A_681 = arith.constant 0 : i32
    %dma_wait3A_682 = arith.constant 0 : i32
    %dma_wait3A_683 = tpu.memref_slice %arg3[%dma_wait3A_681, %dma_wait3A_682] : memref<2600208x128xf32, #tpu.memory_space<hbm>> -> memref<2600208x128xf32, #tpu.memory_space<hbm>>
    tpu.wait_indirect_dma semaphore(%arg7 : memref<!tpu.dma_semaphore, #tpu.memory_space<semaphore_mem>>) src(%dma_wait3A_683 : memref<2600208x128xf32, #tpu.memory_space<hbm>>) dst(%dma_wait3A_677 : memref<128x128xf32, #tpu.memory_space<vmem>>)
    %add3A_684 = arith.constant 3072 : i32
    %add3A_685 = arith.addi %mul3A_2, %add3A_684 : i32
    %run_scoped3A_686 = arith.constant 0 : i32
    "tpu.region"() ({
      %run_scoped3A_702 = tpu.sem_alloc : memref<!tpu.dma_semaphore, #tpu.memory_space<semaphore_mem>>
      %dma_start3A_703 = arith.constant 0 : i32
      %dma_start3A_704 = arith.constant 0 : i32
      %dma_start3A_705 = tpu.memref_slice %arg6[%run_scoped3A_686, %dma_start3A_703, %dma_start3A_704] : memref<2x128x128xf32, #tpu.memory_space<vmem>> -> memref<1x128x128xf32, #tpu.memory_space<vmem>>
      %dma_start3A_706 = tpu.memref_squeeze %dma_start3A_705 : memref<1x128x128xf32, #tpu.memory_space<vmem>> -> memref<128x128xf32, #tpu.memory_space<vmem>>
      %dma_start3A_707 = arith.constant 0 : i32
      %dma_start3A_708 = tpu.memref_slice %arg4[%add3A_685, %dma_start3A_707] : memref<106496x128xf32, #tpu.memory_space<hbm>> -> memref<128x128xf32, #tpu.memory_space<hbm>>
      %dma_start3A_709 = arith.constant 0 : i32
      %dma_start3A_710 = tpu.memref_slice %arg4[%add3A_685, %dma_start3A_709] : memref<106496x128xf32, #tpu.memory_space<hbm>> -> memref<128x128xf32, #tpu.memory_space<hbm>>
      %dma_start3A_711 = arith.constant 0 : i32
      %dma_start3A_712 = arith.constant 0 : i32
      %dma_start3A_713 = tpu.memref_slice %arg6[%run_scoped3A_686, %dma_start3A_711, %dma_start3A_712] : memref<2x128x128xf32, #tpu.memory_space<vmem>> -> memref<1x128x128xf32, #tpu.memory_space<vmem>>
      %dma_start3A_714 = tpu.memref_squeeze %dma_start3A_713 : memref<1x128x128xf32, #tpu.memory_space<vmem>> -> memref<128x128xf32, #tpu.memory_space<vmem>>
      tpu.enqueue_dma source(%dma_start3A_714 : memref<128x128xf32, #tpu.memory_space<vmem>>) target(%dma_start3A_710 : memref<128x128xf32, #tpu.memory_space<hbm>>) target_semaphore(%run_scoped3A_702 : memref<!tpu.dma_semaphore, #tpu.memory_space<semaphore_mem>>)
      %dma_wait3A_715 = arith.constant 0 : i32
      %dma_wait3A_716 = arith.constant 0 : i32
      %dma_wait3A_717 = tpu.memref_slice %arg6[%run_scoped3A_686, %dma_wait3A_715, %dma_wait3A_716] : memref<2x128x128xf32, #tpu.memory_space<vmem>> -> memref<1x128x128xf32, #tpu.memory_space<vmem>>
      %dma_wait3A_718 = tpu.memref_squeeze %dma_wait3A_717 : memref<1x128x128xf32, #tpu.memory_space<vmem>> -> memref<128x128xf32, #tpu.memory_space<vmem>>
      %dma_wait3A_719 = arith.constant 0 : i32
      %dma_wait3A_720 = tpu.memref_slice %arg4[%add3A_685, %dma_wait3A_719] : memref<106496x128xf32, #tpu.memory_space<hbm>> -> memref<128x128xf32, #tpu.memory_space<hbm>>
      %dma_wait3A_721 = arith.constant 0 : i32
      %dma_wait3A_722 = tpu.memref_slice %arg4[%add3A_685, %dma_wait3A_721] : memref<106496x128xf32, #tpu.memory_space<hbm>> -> memref<128x128xf32, #tpu.memory_space<hbm>>
      %dma_wait3A_723 = arith.constant 0 : i32
      %dma_wait3A_724 = arith.constant 0 : i32
      %dma_wait3A_725 = tpu.memref_slice %arg6[%run_scoped3A_686, %dma_wait3A_723, %dma_wait3A_724] : memref<2x128x128xf32, #tpu.memory_space<vmem>> -> memref<1x128x128xf32, #tpu.memory_space<vmem>>
      %dma_wait3A_726 = tpu.memref_squeeze %dma_wait3A_725 : memref<1x128x128xf32, #tpu.memory_space<vmem>> -> memref<128x128xf32, #tpu.memory_space<vmem>>
      tpu.wait_dma2 semaphore(%run_scoped3A_702 : memref<!tpu.dma_semaphore, #tpu.memory_space<semaphore_mem>>) src(%dma_wait3A_726 : memref<128x128xf32, #tpu.memory_space<vmem>>) dst(%dma_wait3A_722 : memref<128x128xf32, #tpu.memory_space<hbm>>)
      tpu.yield
    }) : () -> ()
    %dma_wait3A_687 = arith.constant 25 : i32
    %dma_wait3A_688 = arith.constant 1 : i32
    %dma_wait3A_689 = arith.constant 0 : i32
    %dma_wait3A_690 = arith.constant 0 : i32
    %dma_wait3A_691 = tpu.memref_slice %arg6[%dma_wait3A_688, %dma_wait3A_689, %dma_wait3A_690] : memref<2x128x128xf32, #tpu.memory_space<vmem>> -> memref<1x128x128xf32, #tpu.memory_space<vmem>>
    %dma_wait3A_692 = tpu.memref_squeeze %dma_wait3A_691 : memref<1x128x128xf32, #tpu.memory_space<vmem>> -> memref<128x128xf32, #tpu.memory_space<vmem>>
    %dma_wait3A_693 = arith.constant 0 : i32
    %dma_wait3A_694 = tpu.memref_slice %arg5[%dma_wait3A_687, %dma_wait3A_693] : memref<26x128xi32, #tpu.memory_space<vmem>> -> memref<1x128xi32, #tpu.memory_space<vmem>>
    %dma_wait3A_695 = tpu.memref_squeeze %dma_wait3A_694 : memref<1x128xi32, #tpu.memory_space<vmem>> -> memref<128xi32, #tpu.memory_space<vmem>>
    %dma_wait3A_696 = arith.constant 0 : i32
    %dma_wait3A_697 = arith.constant 0 : i32
    %dma_wait3A_698 = tpu.memref_slice %arg3[%dma_wait3A_696, %dma_wait3A_697] : memref<2600208x128xf32, #tpu.memory_space<hbm>> -> memref<2600208x128xf32, #tpu.memory_space<hbm>>
    tpu.wait_indirect_dma semaphore(%arg7 : memref<!tpu.dma_semaphore, #tpu.memory_space<semaphore_mem>>) src(%dma_wait3A_698 : memref<2600208x128xf32, #tpu.memory_space<hbm>>) dst(%dma_wait3A_692 : memref<128x128xf32, #tpu.memory_space<vmem>>)
    %add3A_699 = arith.constant 3200 : i32
    %add3A_700 = arith.addi %mul3A_2, %add3A_699 : i32
    %run_scoped3A_701 = arith.constant 1 : i32
    "tpu.region"() ({
      %run_scoped3A_702 = tpu.sem_alloc : memref<!tpu.dma_semaphore, #tpu.memory_space<semaphore_mem>>
      %dma_start3A_703 = arith.constant 0 : i32
      %dma_start3A_704 = arith.constant 0 : i32
      %dma_start3A_705 = tpu.memref_slice %arg6[%run_scoped3A_701, %dma_start3A_703, %dma_start3A_704] : memref<2x128x128xf32, #tpu.memory_space<vmem>> -> memref<1x128x128xf32, #tpu.memory_space<vmem>>
      %dma_start3A_706 = tpu.memref_squeeze %dma_start3A_705 : memref<1x128x128xf32, #tpu.memory_space<vmem>> -> memref<128x128xf32, #tpu.memory_space<vmem>>
      %dma_start3A_707 = arith.constant 0 : i32
      %dma_start3A_708 = tpu.memref_slice %arg4[%add3A_700, %dma_start3A_707] : memref<106496x128xf32, #tpu.memory_space<hbm>> -> memref<128x128xf32, #tpu.memory_space<hbm>>
      %dma_start3A_709 = arith.constant 0 : i32
      %dma_start3A_710 = tpu.memref_slice %arg4[%add3A_700, %dma_start3A_709] : memref<106496x128xf32, #tpu.memory_space<hbm>> -> memref<128x128xf32, #tpu.memory_space<hbm>>
      %dma_start3A_711 = arith.constant 0 : i32
      %dma_start3A_712 = arith.constant 0 : i32
      %dma_start3A_713 = tpu.memref_slice %arg6[%run_scoped3A_701, %dma_start3A_711, %dma_start3A_712] : memref<2x128x128xf32, #tpu.memory_space<vmem>> -> memref<1x128x128xf32, #tpu.memory_space<vmem>>
      %dma_start3A_714 = tpu.memref_squeeze %dma_start3A_713 : memref<1x128x128xf32, #tpu.memory_space<vmem>> -> memref<128x128xf32, #tpu.memory_space<vmem>>
      tpu.enqueue_dma source(%dma_start3A_714 : memref<128x128xf32, #tpu.memory_space<vmem>>) target(%dma_start3A_710 : memref<128x128xf32, #tpu.memory_space<hbm>>) target_semaphore(%run_scoped3A_702 : memref<!tpu.dma_semaphore, #tpu.memory_space<semaphore_mem>>)
      %dma_wait3A_715 = arith.constant 0 : i32
      %dma_wait3A_716 = arith.constant 0 : i32
      %dma_wait3A_717 = tpu.memref_slice %arg6[%run_scoped3A_701, %dma_wait3A_715, %dma_wait3A_716] : memref<2x128x128xf32, #tpu.memory_space<vmem>> -> memref<1x128x128xf32, #tpu.memory_space<vmem>>
      %dma_wait3A_718 = tpu.memref_squeeze %dma_wait3A_717 : memref<1x128x128xf32, #tpu.memory_space<vmem>> -> memref<128x128xf32, #tpu.memory_space<vmem>>
      %dma_wait3A_719 = arith.constant 0 : i32
      %dma_wait3A_720 = tpu.memref_slice %arg4[%add3A_700, %dma_wait3A_719] : memref<106496x128xf32, #tpu.memory_space<hbm>> -> memref<128x128xf32, #tpu.memory_space<hbm>>
      %dma_wait3A_721 = arith.constant 0 : i32
      %dma_wait3A_722 = tpu.memref_slice %arg4[%add3A_700, %dma_wait3A_721] : memref<106496x128xf32, #tpu.memory_space<hbm>> -> memref<128x128xf32, #tpu.memory_space<hbm>>
      %dma_wait3A_723 = arith.constant 0 : i32
      %dma_wait3A_724 = arith.constant 0 : i32
      %dma_wait3A_725 = tpu.memref_slice %arg6[%run_scoped3A_701, %dma_wait3A_723, %dma_wait3A_724] : memref<2x128x128xf32, #tpu.memory_space<vmem>> -> memref<1x128x128xf32, #tpu.memory_space<vmem>>
      %dma_wait3A_726 = tpu.memref_squeeze %dma_wait3A_725 : memref<1x128x128xf32, #tpu.memory_space<vmem>> -> memref<128x128xf32, #tpu.memory_space<vmem>>
      tpu.wait_dma2 semaphore(%run_scoped3A_702 : memref<!tpu.dma_semaphore, #tpu.memory_space<semaphore_mem>>) src(%dma_wait3A_726 : memref<128x128xf32, #tpu.memory_space<vmem>>) dst(%dma_wait3A_722 : memref<128x128xf32, #tpu.memory_space<hbm>>)
      tpu.yield
    }) : () -> ()
    return
  }
}

module attributes {stable_mosaic.version = 14 : i64} {
  func.func @_layer1_body(%arg0: i32, %arg1: memref<512x13xf32, #tpu.memory_space<vmem>>, %arg2: memref<512x3328xf32, #tpu.memory_space<vmem>>, %arg3: memref<13x256xf32, #tpu.memory_space<vmem>>, %arg4: memref<3328x256xf32, #tpu.memory_space<vmem>>, %arg5: memref<1x256xf32, #tpu.memory_space<vmem>>, %arg6: memref<512x256xf32, #tpu.memory_space<vmem>>) attributes {dimension_semantics = [#tpu.dimension_semantics<arbitrary>], iteration_bounds = array<i64: 8>, scalar_prefetch = 0 : i64, scratch_operands = 0 : i64, tpu.core_type = #tpu.core_type<tc>, window_params = [{transform_indices = @transform_0, window_bounds = array<i64: 512, 13>}, {transform_indices = @transform_1, window_bounds = array<i64: 512, 3328>}, {pipeline_mode = #tpu.pipeline_mode<synchronous>, transform_indices = @transform_2, window_bounds = array<i64: 13, 256>}, {pipeline_mode = #tpu.pipeline_mode<synchronous>, transform_indices = @transform_3, window_bounds = array<i64: 3328, 256>}, {pipeline_mode = #tpu.pipeline_mode<synchronous>, transform_indices = @transform_4, window_bounds = array<i64: 1, 256>}, {transform_indices = @transform_5, window_bounds = array<i64: 512, 256>}]} {
    %get3A = arith.constant 0 : index
    %get3A_0 = arith.constant 0 : index
    %get3A_1 = vector.load %arg1[%get3A, %get3A_0] : memref<512x13xf32, #tpu.memory_space<vmem>>, vector<512x13xf32>
    %get3A_2 = arith.constant 0 : index
    %get3A_3 = arith.constant 0 : index
    %get3A_4 = vector.load %arg3[%get3A_2, %get3A_3] : memref<13x256xf32, #tpu.memory_space<vmem>>, vector<13x256xf32>
    %dot_general3A = arith.constant dense<0.000000e+00> : vector<512x256xf32>
    %dot_general3A_5 = tpu.matmul %get3A_1, %get3A_4, %dot_general3A {dimension_numbers = #tpu.dot_dimension_numbers<[1], [0], [0], [1], [0, 0, 1, 1], [], []>, precision = #tpu.contract_precision<fp32>, transpose_lhs_hint = false} : vector<512x13xf32>, vector<13x256xf32>, vector<512x256xf32> -> vector<512x256xf32>
    %get3A_6 = arith.constant 0 : index
    %get3A_7 = arith.constant 0 : index
    %get3A_8 = vector.load %arg2[%get3A_6, %get3A_7] : memref<512x3328xf32, #tpu.memory_space<vmem>>, vector<512x3328xf32>
    %get3A_9 = arith.constant 0 : index
    %get3A_10 = arith.constant 0 : index
    %get3A_11 = vector.load %arg4[%get3A_9, %get3A_10] : memref<3328x256xf32, #tpu.memory_space<vmem>>, vector<3328x256xf32>
    %dot_general3A_12 = arith.constant dense<0.000000e+00> : vector<512x256xf32>
    %dot_general3A_13 = tpu.matmul %get3A_8, %get3A_11, %dot_general3A_12 {dimension_numbers = #tpu.dot_dimension_numbers<[1], [0], [0], [1], [0, 0, 1, 1], [], []>, precision = #tpu.contract_precision<fp32>, transpose_lhs_hint = false} : vector<512x3328xf32>, vector<3328x256xf32>, vector<512x256xf32> -> vector<512x256xf32>
    %add3A = arith.addf %dot_general3A_5, %dot_general3A_13 : vector<512x256xf32>
    %get3A_14 = arith.constant 0 : index
    %get3A_15 = arith.constant 0 : index
    %get3A_16 = vector.load %arg5[%get3A_14, %get3A_15] : memref<1x256xf32, #tpu.memory_space<vmem>>, vector<1x256xf32>
    %add3A_17 = vector.broadcast %get3A_16 : vector<1x256xf32> to vector<512x256xf32>
    %add3A_18 = arith.addf %add3A, %add3A_17 : vector<512x256xf32>
    %swap3A = arith.constant 0 : index
    %swap3A_19 = arith.constant 0 : index
    %swap3A_20 = vector.load %arg6[%swap3A, %swap3A_19] : memref<512x256xf32, #tpu.memory_space<vmem>>, vector<512x256xf32>
    tpu.vector_store %arg6[%swap3A, %swap3A_19], %add3A_18 {strides = array<i32>} : memref<512x256xf32, #tpu.memory_space<vmem>>, vector<512x256xf32>,
    return
  }
  func.func @transform_0(%arg0: i32) -> (i32, i32) {
    %c0_i32 = arith.constant 0 : i32
    %c0_i32_0 = arith.constant 0 : i32
    return %arg0, %c0_i32 : i32, i32
  }
  func.func @transform_1(%arg0: i32) -> (i32, i32) {
    %c0_i32 = arith.constant 0 : i32
    %c0_i32_0 = arith.constant 0 : i32
    return %arg0, %c0_i32 : i32, i32
  }
  func.func @transform_2(%arg0: i32) -> (i32, i32) {
    %c0_i32 = arith.constant 0 : i32
    %c0_i32_0 = arith.constant 0 : i32
    %c0_i32_1 = arith.constant 0 : i32
    return %c0_i32, %c0_i32_0 : i32, i32
  }
  func.func @transform_3(%arg0: i32) -> (i32, i32) {
    %c0_i32 = arith.constant 0 : i32
    %c0_i32_0 = arith.constant 0 : i32
    %c0_i32_1 = arith.constant 0 : i32
    return %c0_i32, %c0_i32_0 : i32, i32
  }
  func.func @transform_4(%arg0: i32) -> (i32, i32) {
    %c0_i32 = arith.constant 0 : i32
    %c0_i32_0 = arith.constant 0 : i32
    %c0_i32_1 = arith.constant 0 : i32
    return %c0_i32, %c0_i32_0 : i32, i32
  }
  func.func @transform_5(%arg0: i32) -> (i32, i32) {
    %c0_i32 = arith.constant 0 : i32
    %c0_i32_0 = arith.constant 0 : i32
    return %arg0, %c0_i32 : i32, i32
  }
}

module attributes {stable_mosaic.version = 14 : i64} {
  func.func @_mlp_body(%arg0: memref<4096x256xf32, #tpu.memory_space<vmem>>, %arg1: memref<1x256xf32, #tpu.memory_space<vmem>>, %arg2: memref<1x256xf32, #tpu.memory_space<vmem>>, %arg3: memref<256x128xf32, #tpu.memory_space<vmem>>, %arg4: memref<1x128xf32, #tpu.memory_space<vmem>>, %arg5: memref<1x128xf32, #tpu.memory_space<vmem>>, %arg6: memref<1x128xf32, #tpu.memory_space<vmem>>, %arg7: memref<128x64xf32, #tpu.memory_space<vmem>>, %arg8: memref<1x64xf32, #tpu.memory_space<vmem>>, %arg9: memref<1x64xf32, #tpu.memory_space<vmem>>, %arg10: memref<1x64xf32, #tpu.memory_space<vmem>>, %arg11: memref<1x64xf32, #tpu.memory_space<vmem>>, %arg12: memref<1x1xf32, #tpu.memory_space<vmem>>, %arg13: memref<4096x1xf32, #tpu.memory_space<vmem>>) attributes {dimension_semantics = [], scalar_prefetch = 0 : i64, scratch_operands = 0 : i64, tpu.core_type = #tpu.core_type<tc>} {
    %get3A = arith.constant 0 : index
    %get3A_0 = arith.constant 0 : index
    %get3A_1 = vector.load %arg0[%get3A, %get3A_0] : memref<4096x256xf32, #tpu.memory_space<vmem>>, vector<4096x256xf32>
    %get3A_2 = arith.constant 0 : index
    %get3A_3 = arith.constant 0 : index
    %get3A_4 = vector.load %arg1[%get3A_2, %get3A_3] : memref<1x256xf32, #tpu.memory_space<vmem>>, vector<1x256xf32>
    %get3A_5 = arith.constant 0 : index
    %get3A_6 = arith.constant 0 : index
    %get3A_7 = vector.load %arg2[%get3A_5, %get3A_6] : memref<1x256xf32, #tpu.memory_space<vmem>>, vector<1x256xf32>
    %reduce_sum3A = arith.constant dense<0.000000e+00> : vector<256xf32>
    %reduce_sum3A_8 = vector.multi_reduction <add>, %get3A_1, %reduce_sum3A [0] : vector<4096x256xf32> to vector<256xf32>
    %broadcast_in_dim3A = vector.shape_cast %reduce_sum3A_8 : vector<256xf32> to vector<1x256xf32>
    %div3A = arith.constant 4.096000e+03 : f32
    %div3A_9 = vector.broadcast %div3A : f32 to vector<1x256xf32>
    %div3A_10 = arith.divf %broadcast_in_dim3A, %div3A_9 : vector<1x256xf32>
    %sub3A = vector.broadcast %div3A_10 : vector<1x256xf32> to vector<4096x256xf32>
    %sub3A_11 = arith.subf %get3A_1, %sub3A : vector<4096x256xf32>
    %integer_pow3A = arith.mulf %sub3A_11, %sub3A_11 : vector<4096x256xf32>
    %reduce_sum3A_12 = arith.constant dense<0.000000e+00> : vector<256xf32>
    %reduce_sum3A_13 = vector.multi_reduction <add>, %integer_pow3A, %reduce_sum3A_12 [0] : vector<4096x256xf32> to vector<256xf32>
    %broadcast_in_dim3A_14 = vector.shape_cast %reduce_sum3A_13 : vector<256xf32> to vector<1x256xf32>
    %div3A_15 = arith.constant 4.096000e+03 : f32
    %div3A_16 = vector.broadcast %div3A_15 : f32 to vector<1x256xf32>
    %div3A_17 = arith.divf %broadcast_in_dim3A_14, %div3A_16 : vector<1x256xf32>
    %sub3A_18 = vector.broadcast %div3A_10 : vector<1x256xf32> to vector<4096x256xf32>
    %sub3A_19 = arith.subf %get3A_1, %sub3A_18 : vector<4096x256xf32>
    %add3A = arith.constant 9.99999974E-6 : f32
    %add3A_20 = vector.broadcast %add3A : f32 to vector<1x256xf32>
    %add3A_21 = arith.addf %div3A_17, %add3A_20 : vector<1x256xf32>
    %rsqrt3A = math.rsqrt %add3A_21 : vector<1x256xf32>
    %mul3A = arith.mulf %get3A_4, %rsqrt3A : vector<1x256xf32>
    %mul3A_22 = vector.broadcast %mul3A : vector<1x256xf32> to vector<4096x256xf32>
    %mul3A_23 = arith.mulf %sub3A_19, %mul3A_22 : vector<4096x256xf32>
    %add3A_24 = vector.broadcast %get3A_7 : vector<1x256xf32> to vector<4096x256xf32>
    %add3A_25 = arith.addf %mul3A_23, %add3A_24 : vector<4096x256xf32>
    %max3A = arith.constant 0.000000e+00 : f32
    %max3A_26 = vector.broadcast %max3A : f32 to vector<4096x256xf32>
    %max3A_27 = arith.maximumf %add3A_25, %max3A_26 : vector<4096x256xf32>
    %get3A_28 = arith.constant 0 : index
    %get3A_29 = arith.constant 0 : index
    %get3A_30 = vector.load %arg3[%get3A_28, %get3A_29] : memref<256x128xf32, #tpu.memory_space<vmem>>, vector<256x128xf32>
    %dot_general3A = arith.constant dense<0.000000e+00> : vector<4096x128xf32>
    %dot_general3A_31 = tpu.matmul %max3A_27, %get3A_30, %dot_general3A {dimension_numbers = #tpu.dot_dimension_numbers<[1], [0], [0], [1], [0, 0, 1, 1], [], []>, precision = #tpu.contract_precision<fp32>, transpose_lhs_hint = false} : vector<4096x256xf32>, vector<256x128xf32>, vector<4096x128xf32> -> vector<4096x128xf32>
    %get3A_32 = arith.constant 0 : index
    %get3A_33 = arith.constant 0 : index
    %get3A_34 = vector.load %arg4[%get3A_32, %get3A_33] : memref<1x128xf32, #tpu.memory_space<vmem>>, vector<1x128xf32>
    %add3A_35 = vector.broadcast %get3A_34 : vector<1x128xf32> to vector<4096x128xf32>
    %add3A_36 = arith.addf %dot_general3A_31, %add3A_35 : vector<4096x128xf32>
    %get3A_37 = arith.constant 0 : index
    %get3A_38 = arith.constant 0 : index
    %get3A_39 = vector.load %arg5[%get3A_37, %get3A_38] : memref<1x128xf32, #tpu.memory_space<vmem>>, vector<1x128xf32>
    %get3A_40 = arith.constant 0 : index
    %get3A_41 = arith.constant 0 : index
    %get3A_42 = vector.load %arg6[%get3A_40, %get3A_41] : memref<1x128xf32, #tpu.memory_space<vmem>>, vector<1x128xf32>
    %reduce_sum3A_43 = arith.constant dense<0.000000e+00> : vector<128xf32>
    %reduce_sum3A_44 = vector.multi_reduction <add>, %add3A_36, %reduce_sum3A_43 [0] : vector<4096x128xf32> to vector<128xf32>
    %broadcast_in_dim3A_45 = vector.shape_cast %reduce_sum3A_44 : vector<128xf32> to vector<1x128xf32>
    %div3A_46 = arith.constant 4.096000e+03 : f32
    %div3A_47 = vector.broadcast %div3A_46 : f32 to vector<1x128xf32>
    %div3A_48 = arith.divf %broadcast_in_dim3A_45, %div3A_47 : vector<1x128xf32>
    %sub3A_49 = vector.broadcast %div3A_48 : vector<1x128xf32> to vector<4096x128xf32>
    %sub3A_50 = arith.subf %add3A_36, %sub3A_49 : vector<4096x128xf32>
    %integer_pow3A_51 = arith.mulf %sub3A_50, %sub3A_50 : vector<4096x128xf32>
    %reduce_sum3A_52 = arith.constant dense<0.000000e+00> : vector<128xf32>
    %reduce_sum3A_53 = vector.multi_reduction <add>, %integer_pow3A_51, %reduce_sum3A_52 [0] : vector<4096x128xf32> to vector<128xf32>
    %broadcast_in_dim3A_54 = vector.shape_cast %reduce_sum3A_53 : vector<128xf32> to vector<1x128xf32>
    %div3A_55 = arith.constant 4.096000e+03 : f32
    %div3A_56 = vector.broadcast %div3A_55 : f32 to vector<1x128xf32>
    %div3A_57 = arith.divf %broadcast_in_dim3A_54, %div3A_56 : vector<1x128xf32>
    %sub3A_58 = vector.broadcast %div3A_48 : vector<1x128xf32> to vector<4096x128xf32>
    %sub3A_59 = arith.subf %add3A_36, %sub3A_58 : vector<4096x128xf32>
    %add3A_60 = arith.constant 9.99999974E-6 : f32
    %add3A_61 = vector.broadcast %add3A_60 : f32 to vector<1x128xf32>
    %add3A_62 = arith.addf %div3A_57, %add3A_61 : vector<1x128xf32>
    %rsqrt3A_63 = math.rsqrt %add3A_62 : vector<1x128xf32>
    %mul3A_64 = arith.mulf %get3A_39, %rsqrt3A_63 : vector<1x128xf32>
    %mul3A_65 = vector.broadcast %mul3A_64 : vector<1x128xf32> to vector<4096x128xf32>
    %mul3A_66 = arith.mulf %sub3A_59, %mul3A_65 : vector<4096x128xf32>
    %add3A_67 = vector.broadcast %get3A_42 : vector<1x128xf32> to vector<4096x128xf32>
    %add3A_68 = arith.addf %mul3A_66, %add3A_67 : vector<4096x128xf32>
    %max3A_69 = arith.constant 0.000000e+00 : f32
    %max3A_70 = vector.broadcast %max3A_69 : f32 to vector<4096x128xf32>
    %max3A_71 = arith.maximumf %add3A_68, %max3A_70 : vector<4096x128xf32>
    %get3A_72 = arith.constant 0 : index
    %get3A_73 = arith.constant 0 : index
    %get3A_74 = vector.load %arg7[%get3A_72, %get3A_73] : memref<128x64xf32, #tpu.memory_space<vmem>>, vector<128x64xf32>
    %dot_general3A_75 = arith.constant dense<0.000000e+00> : vector<4096x64xf32>
    %dot_general3A_76 = tpu.matmul %max3A_71, %get3A_74, %dot_general3A_75 {dimension_numbers = #tpu.dot_dimension_numbers<[1], [0], [0], [1], [0, 0, 1, 1], [], []>, precision = #tpu.contract_precision<fp32>, transpose_lhs_hint = false} : vector<4096x128xf32>, vector<128x64xf32>, vector<4096x64xf32> -> vector<4096x64xf32>
    %get3A_77 = arith.constant 0 : index
    %get3A_78 = arith.constant 0 : index
    %get3A_79 = vector.load %arg8[%get3A_77, %get3A_78] : memref<1x64xf32, #tpu.memory_space<vmem>>, vector<1x64xf32>
    %add3A_80 = vector.broadcast %get3A_79 : vector<1x64xf32> to vector<4096x64xf32>
    %add3A_81 = arith.addf %dot_general3A_76, %add3A_80 : vector<4096x64xf32>
    %get3A_82 = arith.constant 0 : index
    %get3A_83 = arith.constant 0 : index
    %get3A_84 = vector.load %arg9[%get3A_82, %get3A_83] : memref<1x64xf32, #tpu.memory_space<vmem>>, vector<1x64xf32>
    %get3A_85 = arith.constant 0 : index
    %get3A_86 = arith.constant 0 : index
    %get3A_87 = vector.load %arg10[%get3A_85, %get3A_86] : memref<1x64xf32, #tpu.memory_space<vmem>>, vector<1x64xf32>
    %reduce_sum3A_88 = arith.constant dense<0.000000e+00> : vector<64xf32>
    %reduce_sum3A_89 = vector.multi_reduction <add>, %add3A_81, %reduce_sum3A_88 [0] : vector<4096x64xf32> to vector<64xf32>
    %broadcast_in_dim3A_90 = vector.shape_cast %reduce_sum3A_89 : vector<64xf32> to vector<1x64xf32>
    %div3A_91 = arith.constant 4.096000e+03 : f32
    %div3A_92 = vector.broadcast %div3A_91 : f32 to vector<1x64xf32>
    %div3A_93 = arith.divf %broadcast_in_dim3A_90, %div3A_92 : vector<1x64xf32>
    %sub3A_94 = vector.broadcast %div3A_93 : vector<1x64xf32> to vector<4096x64xf32>
    %sub3A_95 = arith.subf %add3A_81, %sub3A_94 : vector<4096x64xf32>
    %integer_pow3A_96 = arith.mulf %sub3A_95, %sub3A_95 : vector<4096x64xf32>
    %reduce_sum3A_97 = arith.constant dense<0.000000e+00> : vector<64xf32>
    %reduce_sum3A_98 = vector.multi_reduction <add>, %integer_pow3A_96, %reduce_sum3A_97 [0] : vector<4096x64xf32> to vector<64xf32>
    %broadcast_in_dim3A_99 = vector.shape_cast %reduce_sum3A_98 : vector<64xf32> to vector<1x64xf32>
    %div3A_100 = arith.constant 4.096000e+03 : f32
    %div3A_101 = vector.broadcast %div3A_100 : f32 to vector<1x64xf32>
    %div3A_102 = arith.divf %broadcast_in_dim3A_99, %div3A_101 : vector<1x64xf32>
    %sub3A_103 = vector.broadcast %div3A_93 : vector<1x64xf32> to vector<4096x64xf32>
    %sub3A_104 = arith.subf %add3A_81, %sub3A_103 : vector<4096x64xf32>
    %add3A_105 = arith.constant 9.99999974E-6 : f32
    %add3A_106 = vector.broadcast %add3A_105 : f32 to vector<1x64xf32>
    %add3A_107 = arith.addf %div3A_102, %add3A_106 : vector<1x64xf32>
    %rsqrt3A_108 = math.rsqrt %add3A_107 : vector<1x64xf32>
    %mul3A_109 = arith.mulf %get3A_84, %rsqrt3A_108 : vector<1x64xf32>
    %mul3A_110 = vector.broadcast %mul3A_109 : vector<1x64xf32> to vector<4096x64xf32>
    %mul3A_111 = arith.mulf %sub3A_104, %mul3A_110 : vector<4096x64xf32>
    %add3A_112 = vector.broadcast %get3A_87 : vector<1x64xf32> to vector<4096x64xf32>
    %add3A_113 = arith.addf %mul3A_111, %add3A_112 : vector<4096x64xf32>
    %max3A_114 = arith.constant 0.000000e+00 : f32
    %max3A_115 = vector.broadcast %max3A_114 : f32 to vector<4096x64xf32>
    %max3A_116 = arith.maximumf %add3A_113, %max3A_115 : vector<4096x64xf32>
    %get3A_117 = arith.constant 0 : index
    %get3A_118 = arith.constant 0 : index
    %get3A_119 = vector.load %arg11[%get3A_117, %get3A_118] : memref<1x64xf32, #tpu.memory_space<vmem>>, vector<1x64xf32>
    %mul3A_120 = vector.broadcast %get3A_119 : vector<1x64xf32> to vector<4096x64xf32>
    %mul3A_121 = arith.mulf %max3A_116, %mul3A_120 : vector<4096x64xf32>
    %reduce_sum3A_122 = arith.constant dense<0.000000e+00> : vector<4096xf32>
    %reduce_sum3A_123 = vector.multi_reduction <add>, %mul3A_121, %reduce_sum3A_122 [1] : vector<4096x64xf32> to vector<4096xf32>
    %broadcast_in_dim3A_124 = vector.shape_cast %reduce_sum3A_123 : vector<4096xf32> to vector<4096x1xf32>
    %get3A_125 = arith.constant 0 : index
    %get3A_126 = arith.constant 0 : index
    %get3A_127 = vector.load %arg12[%get3A_125, %get3A_126] : memref<1x1xf32, #tpu.memory_space<vmem>>, vector<1x1xf32>
    %add3A_128 = vector.broadcast %get3A_127 : vector<1x1xf32> to vector<4096x1xf32>
    %add3A_129 = arith.addf %broadcast_in_dim3A_124, %add3A_128 : vector<4096x1xf32>
    %swap3A = arith.constant 0 : index
    %swap3A_130 = arith.constant 0 : index
    %swap3A_131 = vector.load %arg13[%swap3A, %swap3A_130] : memref<4096x1xf32, #tpu.memory_space<vmem>>, vector<4096x1xf32>
    tpu.vector_store %arg13[%swap3A, %swap3A_130], %add3A_129 {strides = array<i32>} : memref<4096x1xf32, #tpu.memory_space<vmem>>, vector<4096x1xf32>,
    return
  }
}

</mosaic_0001>

<sc_bundles>
// kernel: kernel.5.cloned.1.call-start
scs
__scs_entry_jumppad:
0x0: {  	(pc) =	sbr.rel $0x88, $3  }
0x1: {  	(tag) =	ssettag $0x0;
	lr =	simm.s32 $0x1  }
0x2: {  	[smem:$0x3F90] =	sst lr;
	_ =	strace $0xD0000000  }
0x3: {  	_ = 	snop  }
0x4: {  	_ = 	snop  }
0x5: {  	_ = 	snop  }
0x6: {  	_ = 	snop  }
0x7: {  	_ = 	snop  }
__scs_overlays_trampoline_lowered:
0x8: {  	[smem:$0x3F9F] =	sst s0  }
0x9: {  	[smem:$0x3FA0] =	sst s1  }
0xa: {  	[smem:$0x3FA1] =	sst s2  }
0xb: {  	[smem:$0x3FA2] =	sst s3  }
0xc: {  	[smem:$0x3FA3] =	sst s4  }
0xd: {  	[smem:$0x3FA4] =	sst s5  }
0xe: {  	[smem:$0x3FA5] =	sst s6  }
0xf: {  	[smem:$0x3FA6] =	sst s7  }
0x10: {  	[smem:$0x3FA7] =	sst s8  }
0x11: {  	[smem:$0x3FA8] =	sst s9;
	s0 =	simm.s32 @!p0 $0x0  }
0x12: {  	s1 =	sld [smem:$0x3F8E];
	s0 =	simm.s32 @p0 $0x1  }
0x13: {  	[smem:$0x3FA9] =	sst s0;
	s0 =	simm.s32 @!p1 $0x0  }
0x14: {  	s2 =	sld [smem:$0x3F8D];
	s0 =	simm.s32 @p1 $0x1  }
0x15: {  	[smem:$0x3FAA] =	sst s0;
	s0 =	simm.s32 @!p2 $0x0  }
0x16: {  	s3 =	sld [smem:$0x3FDB];
	s0 =	simm.s32 @p2 $0x1  }
0x17: {  	s4 =	simm.s32 $0x1BF5;
	[smem:$0x3FAC] =	sst s0  }
0x18: {  	s0 =	sld [smem:$0x3F8F];
	_ =	swait.ge [sflag:s4], $0x0  }
0x19: {  	s7 =	sld [smem:$0x3F90]  }
0x1a: {  	s8 =	sadd.s32 $0xFFFFE003, lr  }
0x1b: {  	s9 =	sadd.s32 $0xFFFFFEF7, lr;
	s5 =	simm.s32 $0xFFFFFFFF;
	p2 =	slt.u32 s8, $0xFFFFF086  }
0x1c: {  	p1 =	slt.u32 s9, $0xF7A;
	s5 =	simm.s32 @!p2 $0x0  }
0x1d: {  	s5 =	simm.s32 @p1 $0x1;
	p0 =	seq.s32 s7, s2  }
0x1e: {  	s7 =	smul.u32 @!p0 $0xF7A, s2;
	p2 =	seq.s32 @!p0 s5, $0x0  }
0x1f: {  	s9 =	smul.u32 $0xF7A, s1;
	s8 =	simm.s32 @!p0 $0x1BF5;
	p2 =	por !p2, p0  }
0x20: {  	[sflag:s8] =	ssyncset.s32 @!p0 $0xFFFFF086;
	s6 =	sadd.s32 @!p0 s3, s7;
	s7 =	simm.s32 @!p0 $0x108  }
0x21: {  	s3 =	sadd.s32 s3, s9;
	s6 =	sadd.s32 @!p0 $0x88, s6;
	s7 =	simm.s32 @p2 $0x1082  }
0x22: {  	[simem:s7], [sflag:s8] =	dma.local @!p0 [hbm:s6], $0xF7A  }
0x23: {  	s9 =	sor.u32 $0xD0000000, s2;
	s6 =	simm.s32 $0x108;
	_ =	swait.ge @!p0 [sflag:s8], $0x0  }
0x24: {  	s3 =	sadd.s32 $0x88, s3;
	s6 =	simm.s32 @!p1 $0x1082;
	[sflag:s4] =	ssyncset.s32 $0xFFFFF086  }
0x25: {  	[simem:s6], [sflag:s4] =	dma.local [hbm:s3], $0xF7A  }
0x26: {  	[smem:$0x3F90] =	sst s1;
	(tag) =	ssettag s2;
	_ =	strace s9  }
0x27: {  	s1 =	sld [smem:$0x3FA0]  }
0x28: {  	s2 =	sld [smem:$0x3FA1]  }
0x29: {  	s4 =	sld [smem:$0x3FA3]  }
0x2a: {  	p0 =	seq.s32 s5, $0x0;
	s5 =	sld [smem:$0x3FA4]  }
0x2b: {  	s6 =	sld [smem:$0x3FA5]  }
0x2c: {  	s7 =	sld [smem:$0x3FA6]  }
0x2d: {  	s3 =	simm.s32 $0x108;
	s8 =	sld [smem:$0x3FA7]  }
0x2e: {  	s3 =	simm.s32 @!p0 $0x1082;
	s9 =	sld [smem:$0x3FA8]  }
0x2f: {  	lr =	sadd.s32 s0, s3;
	s0 =	sld [smem:$0x3F9F]  }
0x30: {  	s3 =	sld [smem:$0x3FA2]  }
0x31: {  	[smem:$0x3FAB] =	sst s10  }
0x32: {  	s10 =	sld [smem:$0x3FA9];
	_ =	sdelay $0x3  }
0x33: {  	p0 =	seq.s32 s10, $0x1;
	s10 =	sld [smem:$0x3FAB];
	_ =	sdelay $0x3  }
0x34: {  	[smem:$0x3FAB] =	sst s10  }
0x35: {  	s10 =	sld [smem:$0x3FAA];
	_ =	sdelay $0x3  }
0x36: {  	p1 =	seq.s32 s10, $0x1;
	s10 =	sld [smem:$0x3FAB];
	_ =	sdelay $0x3  }
0x37: {  	[smem:$0x3FAB] =	sst s10  }
0x38: {  	s10 =	sld [smem:$0x3FAC]  }
0x39: {  	_ = 	snop;
	(pc) =	sbr.ind lr, $3  }
0x3a: {  	_ = 	snop  }
0x3b: {  	_ = 	snop  }
0x3c: {  	p2 =	seq.s32 s10, $0x1;
	s10 =	sld [smem:$0x3FAB]  }
0x3d: {  	_ =	shalt  }
0x3e: {  	_ =	shalt  }
0x3f: {  	_ =	shalt  }
0x40: {  	_ =	shalt  }
0x41: {  	_ =	shalt  }
0x42: {  	_ =	shalt  }
0x43: {  	_ =	shalt  }
0x44: {  	_ =	shalt  }
0x45: {  	_ =	shalt  }
0x46: {  	_ =	shalt  }
0x47: {  	_ =	shalt  }
0x48: {  	_ =	shalt  }
0x49: {  	_ =	shalt  }
0x4a: {  	_ =	shalt  }
0x4b: {  	_ =	shalt  }
0x4c: {  	_ =	shalt  }
0x4d: {  	_ =	shalt  }
0x4e: {  	_ =	shalt  }
0x4f: {  	_ =	shalt  }
0x50: {  	_ =	shalt  }
0x51: {  	_ =	shalt  }
0x52: {  	_ =	shalt  }
0x53: {  	_ =	shalt  }
0x54: {  	_ =	shalt  }
0x55: {  	_ =	shalt  }
0x56: {  	_ =	shalt  }
0x57: {  	_ =	shalt  }
0x58: {  	_ =	shalt  }
0x59: {  	_ =	shalt  }
0x5a: {  	_ =	shalt  }
0x5b: {  	_ =	shalt  }
0x5c: {  	_ =	shalt  }
0x5d: {  	_ =	shalt  }
0x5e: {  	_ =	shalt  }
0x5f: {  	_ =	shalt  }
0x60: {  	_ =	shalt  }
0x61: {  	_ =	shalt  }
0x62: {  	_ =	shalt  }
0x63: {  	_ =	shalt  }
0x64: {  	_ =	shalt  }
0x65: {  	_ =	shalt  }
0x66: {  	_ =	shalt  }
0x67: {  	_ =	shalt  }
0x68: {  	_ =	shalt  }
0x69: {  	_ =	shalt  }
0x6a: {  	_ =	shalt  }
0x6b: {  	_ =	shalt  }
0x6c: {  	_ =	shalt  }
0x6d: {  	_ =	shalt  }
0x6e: {  	_ =	shalt  }
0x6f: {  	_ =	shalt  }
0x70: {  	_ =	shalt  }
0x71: {  	_ =	shalt  }
0x72: {  	_ =	shalt  }
0x73: {  	_ =	shalt  }
0x74: {  	_ =	shalt  }
0x75: {  	_ =	shalt  }
0x76: {  	_ =	shalt  }
0x77: {  	_ =	shalt  }
0x78: {  	_ =	shalt  }
0x79: {  	_ =	shalt  }
0x7a: {  	_ =	shalt  }
0x7b: {  	_ =	shalt  }
0x7c: {  	_ =	shalt  }
0x7d: {  	_ =	shalt  }
0x7e: {  	_ =	shalt  }
0x7f: {  	_ =	shalt  }
0x80: {  	_ =	shalt  }
0x81: {  	_ =	shalt  }
0x82: {  	_ =	shalt  }
0x83: {  	_ =	shalt  }
0x84: {  	_ =	shalt  }
0x85: {  	_ =	shalt  }
0x86: {  	_ =	shalt  }
0x87: {  	_ =	shalt  }
.Lfunc_end0:
.L_simem_size_0:
called_computation.1_lowered:
.L_overlay_start_0:
0x88: {  	s2 =	sld [smem:$0x3FD9]  }
0x89: {  	s3 =	sld [smem:$0x3FFE];
	_ =	sdelay $0x1  }
0x8a: {  	s1 =	srdreg.scid  }
0x8b: {  	s0 =	sand.u32 $0x1, s1  }
0x8c: {  	s16 =	sshll.u32 s0, $0xA;
	s2 =	sadd.s32 s3, s2  }
0x8d: {  	s2 =	sadd.s32 s2, s16  }
0x8e: {  	[smem:$0x3FB7] =	sst s2  }
0x8f: {  	_ = 	snop  }
0x90: {  	(tm) =	ssettm $0x1  }
0x91: {  	s17 =	sld [smem:$0x3FFB];
	_ =	sdelay $0x3  }
0x92: {  	_ =	strace s17  }
0x93: {  	s2 =	sld [smem:$0x3FFC];
	_ =	sdelay $0x3  }
0x94: {  	_ =	strace s2  }
0x95: {  	s2 =	sld [smem:$0x3FFD];
	_ =	sdelay $0x3  }
0x96: {  	_ =	strace s2  }
0x97: {  	_ =	strace $0x8FFFFFFF  }
0x98: {  	s18 =	sld [smem:$0x3FDB];
	_ =	sdelay $0x1  }
0x99: {  	s19 =	simm.s32 $_scs_section_size  }
0x9a: {  	s4 =	simm.s32 $_size__tile_overlayer_lowered;
	s5 =	simm.s32 $_tile_overlayer_lowered  }
0x9b: {  	s22 =	simm.s32 $0x1BFF;
	s21 =	sshll.u32 s5, $0x1;
	s2 =	sadd.s32 s19, s18  }
0x9c: {  	s6 =	simm.s32 $0x0;
	s20 =	sshll.u32 s4, $0x1;
	s4 =	sadd.s32 s21, s2  }
0x9d: {  	[timem:s6], [sflag:s22] =	dma.local [hbm:s4], s20  }
0x9e: {  	_ =	swait.ge [sflag:s22], s20  }
0x9f: {  	s3 =	ssub.s32 $0x0, s20;
	[sflag:s22] =	ssyncset.done $0x0  }
0xa0: {  	[sflag:s22] =	ssyncadd.s32 s3;
	_ =	sdelay $0x1  }
0xa1: {  	s23 =	simm.s32 $0x1B8B  }
0xa2: {  	_ =	swait.ge [sflag:s23], $0x1  }
0xa3: {  	[sflag:s23] =	ssyncset.done $0x0  }
0xa4: {  	s25 =	simm.s32 $0x1B8E;
	s24 =	sld [smem:$0x3FFE];
	[sflag:s23] =	ssyncadd.s32 $0xFFFFFFFF  }
0xa5: {  	s26 =	simm.s32 $execute0_lowered;
	[smem:$0x3FD2] =	sst s25  }
0xa6: {  	s4 =	sshll.u32 s26, $0x1;
	_ =	strace $0x80000049;
	[dreg:$0x1] =	wrdreg $0xFFFFFFFF  }
0xa7: {  	s28 =	simm.s32 $_size_execute0_lowered;
	s2 =	sadd.s32 s2, s4;
	[dreg:$0x0] =	wrdreg $0x0  }
0xa8: {  	s4 =	sshll.u32 s28, $0x1;
	[dreg:$0x2] =	wrdreg s2  }
0xa9: {  	[dreg:$0x3] =	wrdreg s4  }
0xaa: {  	[dreg:$0x4] =	wrdreg $0xC0  }
0xab: {  	_ =	task [dreg:s6], $0x5FFFF  }
0xac: {  	[dreg:$0x1] =	wrdreg $0xFFFFFFFF  }
0xad: {  	[dreg:$0x0] =	wrdreg $0x60  }
0xae: {  	[dreg:$0x2] =	wrdreg s24  }
0xaf: {  	[dreg:$0x3] =	wrdreg $0x9  }
0xb0: {  	_ =	task.clear_ibuf [dreg:s6], $0x4FFFF;
	_ =	strace $0x90000049  }
0xb1: {  	s29 =	simm.s32 $0x9;
	_ =	strace $0x8000004B  }
0xb2: {  	_ =	swait.ge [sflag:s29], $0x1  }
0xb3: {  	[sflag:s29] =	ssyncadd.s32 $0xFFFFFFFF  }
0xb4: {  	_ =	strace $0x9000004B  }
0xb5: {  	_ =	sfence  }
0xb6: {  	s30 =	sld [smem:$0x0];
	_ =	sdelay $0x2  }
0xb7: {  	s31 =	sshll.u32 s1, $0xD;
	s1 =	sshrl.u32 s1, $0x2  }
0xb8: {  	s3 =	sand.u32 $0x4000, s31;
	s1 =	sadd.s32 s1, s30  }
0xb9: {  	s0 =	sor.u32 s3, s0;
	s1 =	sshll.u32 s1, $0x11  }
0xba: {  	s0 =	sor.u32 s1, s0  }
0xbb: {  	s0 =	sadd.s32 $0x8F2B, s0  }
0xbc: {  	[sflag:s0] =	ssyncadd.remote.s32 $0x1  }
0xbd: {  	_ =	sfence.sel $0xFFFF  }
0xbe: {  	[dreg:$0x0] =	wrdreg $0xFFFFFFFF;
	(pc) =	sbr.abs _section_cstart, $3  }
0xbf: {  	[dreg:$0x1] =	wrdreg $0xFFFFFFFF  }
0xc0: {  	_ =	task.clear_ibuf [dreg:s6], $0x2FFFF;
	_ =	strace $0x9FFFFFFF  }
0xc1: {  	(tm) =	ssettm $0x7FFFFFFF  }
tec
execute0_lowered:
.L_overlay_start_1:
0x0: {  	(tag) =	ssettag $0x1  }
0x1: {  	s0 =	srdreg.scid;
	s1 =	stileid.u32  }
0x2: {  	s0 =	sand.u32 $0x1, s0;
	s2 =	sshll.u32 s1, $0x1  }
0x3: {  	s3 =	sor.u32 s0, s2  }
0x4: {  	s1 =	rddreg [dreg:$0x0];
	s2 =	simm.s32 $0x0;
	s4 =	smul.u32 $0xD000, s3  }
0x5: {  	[smem:$0x7FF] =	sst s2;
	s5 =	sshll.u32 s3, $0x9;
	s3 =	smul.u32 $0x68000, s3  }
0x6: {  	s6 =	sadd.s32 $0x2200, s1;
	_ =	strace $0x8000004A;
	s5 =	sadd.s32 s5, s1  }
0x7: {  	s5 =	sadd.s32 $0x27AF400, s5;
	s25 =	sadd.s32 s6, s4;
	s3 =	sshrl.u32 s3, $0x3  }
0x8: {  	[dreg:$0x2] =	wrdreg s5;
	s4 =	sadd.s32 $0x800, s25;
	s3 =	sadd.s32 s6, s3  }
0x9: {  	[dreg:$0x3] =	wrdreg s4;
	s20 =	sadd.s32 $0x1000, s3  }
0xa: {  	s21 =	sadd.s32 $0x1800, s3;
	[dreg:$0x4] =	wrdreg s20  }
0xb: {  	s22 =	sadd.s32 $0x2000, s3;
	[dreg:$0x5] =	wrdreg s21  }
0xc: {  	s23 =	sadd.s32 $0x2800, s3;
	[dreg:$0x6] =	wrdreg s22  }
0xd: {  	s24 =	sadd.s32 $0x3000, s3;
	[dreg:$0x7] =	wrdreg s23  }
0xe: {  	s26 =	sadd.s32 $0x3800, s3;
	[dreg:$0x8] =	wrdreg s24  }
0xf: {  	s5 =	sadd.s32 $0x4000, s3;
	[dreg:$0x9] =	wrdreg s26  }
0x10: {  	s6 =	sadd.s32 $0x4800, s3;
	[dreg:$0xa] =	wrdreg s5  }
0x11: {  	s7 =	sadd.s32 $0x5000, s3;
	[dreg:$0xb] =	wrdreg s6  }
0x12: {  	s8 =	sadd.s32 $0x5800, s3;
	[dreg:$0xc] =	wrdreg s7  }
0x13: {  	s9 =	sadd.s32 $0x6000, s3;
	[dreg:$0xd] =	wrdreg s8  }
0x14: {  	s10 =	sadd.s32 $0x6800, s3;
	[dreg:$0xe] =	wrdreg s9  }
0x15: {  	s11 =	sadd.s32 $0x7000, s3;
	[dreg:$0xf] =	wrdreg s10  }
0x16: {  	s12 =	sadd.s32 $0x7800, s3;
	[dreg:$0x10] =	wrdreg s11  }
0x17: {  	s31 =	simm.s32 $0x280;
	s13 =	sadd.s32 $0x8000, s3;
	[dreg:$0x11] =	wrdreg s12  }
0x18: {  	s30 =	simm.s32 $0x300;
	s14 =	sadd.s32 $0x8800, s3;
	[dreg:$0x12] =	wrdreg s13  }
0x19: {  	s29 =	simm.s32 $0x380;
	s15 =	sadd.s32 $0x9000, s3;
	[dreg:$0x13] =	wrdreg s14  }
0x1a: {  	s28 =	simm.s32 $0x400;
	s16 =	sadd.s32 $0x9800, s3;
	[dreg:$0x14] =	wrdreg s15  }
0x1b: {  	p0 =	por $0x0, $0x0;
	s17 =	sadd.s32 $0xA000, s3;
	[dreg:$0x15] =	wrdreg s16  }
0x1c: {  	s0 =	ssub.s32 $0x2, s0;
	s18 =	sadd.s32 $0xA800, s3;
	[dreg:$0x16] =	wrdreg s17  }
0x1d: {  	s19 =	sadd.s32 $0xB000, s3;
	s4 =	simm.s32 $0x5000;
	[dreg:$0x17] =	wrdreg s18  }
0x1e: {  	[dreg:$0x18] =	wrdreg s19;
	s20 =	sadd.s32 $0xB800, s3;
	s21 =	sshrl.u32 s0, $0x1  }
0x1f: {  	s22 =	sadd.s32 $0xC000, s3;
	s3 =	sadd.s32 $0xC800, s3;
	s5 =	sadd.s32 $0x27B3400, s1  }
0x20: {  	s8 =	simm.s32 $0x80;
	s23 =	simm.s32 $0x100;
	s7 =	simm.s32 $0x1000  }
0x21: {  	s24 =	simm.s32 $0x180;
	s26 =	simm.s32 $0x200;
	s6 =	simm.s32 $0x1  }
0x22: {  	s19 =	simm.s32 $0x780;
	s18 =	simm.s32 $0x800;
	s17 =	simm.s32 $0x880  }
0x23: {  	s16 =	simm.s32 $0x900;
	s15 =	simm.s32 $0x980;
	s14 =	simm.s32 $0xA00  }
0x24: {  	s13 =	simm.s32 $0xA80;
	[dreg:$0x19] =	wrdreg s20;
	s0 =	ssub.s32 s0, s21  }
0x25: {  	s12 =	simm.s32 $0xB00;
	[dreg:$0x1a] =	wrdreg s22;
	s0 =	smax.u32 s0, $0x1  }
0x26: {  	s11 =	simm.s32 $0xB80;
	[dreg:$0x1b] =	wrdreg s3;
	p1 =	sne.s32 s0, $0x1  }
.Ltmp0:
0x27: {  	s10 =	simm.s32 $0xC00;
	[dreg:$0x1c] =	wrdreg s23;
	(pc) =	sbr.rel @!p1 .LBB2_3-.Ltmp0, $4  }
0x28: {  	s9 =	simm.s32 $0xC80;
	s3 =	simm.s32 $0x2;
	[dreg:$0x1d] =	wrdreg s24  }
0x29: {  	[dreg:$0x1e] =	wrdreg s26;
	s26 =	simm.s32 $0x480;
	s24 =	simm.s32 $0x500  }
0x2a: {  	s23 =	simm.s32 $0x580;
	s22 =	simm.s32 $0x600;
	s21 =	simm.s32 $0x680  }
0x2b: {  	s20 =	simm.s32 $0x700;
	s1 =	sadd.s32 $0xFFFFFFFF, s0;
	s0 =	rddreg [dreg:$0x2]  }
0x2c: {  	[tilespmem:s2], [sflag:$0x2] =	stream.linear.gather [hbm4b:s0+s2], $0xD00, $0x38;
	[tilespmem:$0x9000] =	vst v63  }
0x2d: {  	_ =	swait.ge [sflag:s3], $0xD00  }
0x2e: {  	[sflag:s3] =	ssyncset.done $0x0  }
0x2f: {  	[sflag:s3] =	ssyncadd.s32 $0xFFFFF300  }
0x30: {  	[tilespmem:s7], [sflag:$0x1] =	stream.indirect.gather [hbm4b:s5+s8], $0x80, s2, s8, $0xb8;
	[tilespmem:$0x9000] =	vst v63  }
0x31: {  	_ = 	snop  }
0x32: {  	[tilespmem:s4], [sflag:$0x1] =	stream.indirect.gather [hbm4b:s5+s8], $0x80, s8, s8, $0xb8;
	[tilespmem:$0x9000] =	vst v63  }
0x33: {  	_ =	swait.ge [sflag:s6], $0x4000  }
0x34: {  	[sflag:s6] =	ssyncset.done $0x0  }
0x35: {  	[sflag:s6] =	ssyncadd.s32 $0xFFFFC000  }
0x36: {  	[hbm4b:s25+s2] =	stream.linear.scatter [tilespmem:s7], [sflag:$0x2], $0x4000, $0x38;
	[tilespmem:$0x9000] =	vst v63  }
0x37: {  	_ =	swait.ge [sflag:s3], $0x4000  }
0x38: {  	[sflag:s3] =	ssyncset.done $0x0  }
0x39: {  	s0 =	rddreg [dreg:$0x1c];
	[sflag:s3] =	ssyncadd.s32 $0xFFFFC000  }
0x3a: {  	[tilespmem:s7], [sflag:$0x1] =	stream.indirect.gather [hbm4b:s5+s8], $0x80, s0, s8, $0xb8;
	[tilespmem:$0x9000] =	vst v63  }
0x3b: {  	_ =	swait.ge [sflag:s6], $0x4000  }
0x3c: {  	[sflag:s6] =	ssyncset.done $0x0  }
0x3d: {  	s0 =	rddreg [dreg:$0x3];
	[sflag:s6] =	ssyncadd.s32 $0xFFFFC000  }
0x3e: {  	[hbm4b:s0+s2] =	stream.linear.scatter [tilespmem:s4], [sflag:$0x2], $0x4000, $0x38;
	[tilespmem:$0x9000] =	vst v63  }
0x3f: {  	_ =	swait.ge [sflag:s3], $0x4000  }
0x40: {  	[sflag:s3] =	ssyncset.done $0x0  }
0x41: {  	s0 =	rddreg [dreg:$0x1d];
	[sflag:s3] =	ssyncadd.s32 $0xFFFFC000  }
0x42: {  	[tilespmem:s4], [sflag:$0x1] =	stream.indirect.gather [hbm4b:s5+s8], $0x80, s0, s8, $0xb8;
	[tilespmem:$0x9000] =	vst v63  }
0x43: {  	_ =	swait.ge [sflag:s6], $0x4000  }
0x44: {  	[sflag:s6] =	ssyncset.done $0x0  }
0x45: {  	s0 =	rddreg [dreg:$0x4];
	[sflag:s6] =	ssyncadd.s32 $0xFFFFC000  }
0x46: {  	[hbm4b:s0+s2] =	stream.linear.scatter [tilespmem:s7], [sflag:$0x2], $0x4000, $0x38;
	[tilespmem:$0x9000] =	vst v63  }
0x47: {  	_ =	swait.ge [sflag:s3], $0x4000  }
0x48: {  	[sflag:s3] =	ssyncset.done $0x0  }
0x49: {  	s0 =	rddreg [dreg:$0x1e];
	[sflag:s3] =	ssyncadd.s32 $0xFFFFC000  }
0x4a: {  	[tilespmem:s7], [sflag:$0x1] =	stream.indirect.gather [hbm4b:s5+s8], $0x80, s0, s8, $0xb8;
	[tilespmem:$0x9000] =	vst v63  }
0x4b: {  	_ =	swait.ge [sflag:s6], $0x4000  }
0x4c: {  	[sflag:s6] =	ssyncset.done $0x0  }
0x4d: {  	s0 =	rddreg [dreg:$0x5];
	[sflag:s6] =	ssyncadd.s32 $0xFFFFC000  }
0x4e: {  	[hbm4b:s0+s2] =	stream.linear.scatter [tilespmem:s4], [sflag:$0x2], $0x4000, $0x38;
	[tilespmem:$0x9000] =	vst v63  }
0x4f: {  	_ =	swait.ge [sflag:s3], $0x4000  }
0x50: {  	[sflag:s3] =	ssyncset.done $0x0  }
0x51: {  	[sflag:s3] =	ssyncadd.s32 $0xFFFFC000  }
0x52: {  	[tilespmem:s4], [sflag:$0x1] =	stream.indirect.gather [hbm4b:s5+s8], $0x80, s31, s8, $0xb8;
	[tilespmem:$0x9000] =	vst v63  }
0x53: {  	_ =	swait.ge [sflag:s6], $0x4000  }
0x54: {  	[sflag:s6] =	ssyncset.done $0x0  }
0x55: {  	s0 =	rddreg [dreg:$0x6];
	[sflag:s6] =	ssyncadd.s32 $0xFFFFC000  }
0x56: {  	[hbm4b:s0+s2] =	stream.linear.scatter [tilespmem:s7], [sflag:$0x2], $0x4000, $0x38;
	[tilespmem:$0x9000] =	vst v63  }
0x57: {  	_ =	swait.ge [sflag:s3], $0x4000  }
0x58: {  	[sflag:s3] =	ssyncset.done $0x0  }
0x59: {  	[sflag:s3] =	ssyncadd.s32 $0xFFFFC000  }
0x5a: {  	[tilespmem:s7], [sflag:$0x1] =	stream.indirect.gather [hbm4b:s5+s8], $0x80, s30, s8, $0xb8;
	[tilespmem:$0x9000] =	vst v63  }
0x5b: {  	_ =	swait.ge [sflag:s6], $0x4000  }
0x5c: {  	[sflag:s6] =	ssyncset.done $0x0  }
0x5d: {  	s0 =	rddreg [dreg:$0x7];
	[sflag:s6] =	ssyncadd.s32 $0xFFFFC000  }
0x5e: {  	[hbm4b:s0+s2] =	stream.linear.scatter [tilespmem:s4], [sflag:$0x2], $0x4000, $0x38;
	[tilespmem:$0x9000] =	vst v63  }
0x5f: {  	_ =	swait.ge [sflag:s3], $0x4000  }
0x60: {  	[sflag:s3] =	ssyncset.done $0x0  }
0x61: {  	[sflag:s3] =	ssyncadd.s32 $0xFFFFC000  }
0x62: {  	[tilespmem:s4], [sflag:$0x1] =	stream.indirect.gather [hbm4b:s5+s8], $0x80, s29, s8, $0xb8;
	[tilespmem:$0x9000] =	vst v63  }
0x63: {  	_ =	swait.ge [sflag:s6], $0x4000  }
0x64: {  	[sflag:s6] =	ssyncset.done $0x0  }
0x65: {  	s0 =	rddreg [dreg:$0x8];
	[sflag:s6] =	ssyncadd.s32 $0xFFFFC000  }
0x66: {  	[hbm4b:s0+s2] =	stream.linear.scatter [tilespmem:s7], [sflag:$0x2], $0x4000, $0x38;
	[tilespmem:$0x9000] =	vst v63  }
0x67: {  	_ =	swait.ge [sflag:s3], $0x4000  }
0x68: {  	[sflag:s3] =	ssyncset.done $0x0  }
0x69: {  	[sflag:s3] =	ssyncadd.s32 $0xFFFFC000  }
0x6a: {  	[tilespmem:s7], [sflag:$0x1] =	stream.indirect.gather [hbm4b:s5+s8], $0x80, s28, s8, $0xb8;
	[tilespmem:$0x9000] =	vst v63  }
0x6b: {  	_ =	swait.ge [sflag:s6], $0x4000  }
0x6c: {  	[sflag:s6] =	ssyncset.done $0x0  }
0x6d: {  	s0 =	rddreg [dreg:$0x9];
	[sflag:s6] =	ssyncadd.s32 $0xFFFFC000  }
0x6e: {  	[hbm4b:s0+s2] =	stream.linear.scatter [tilespmem:s4], [sflag:$0x2], $0x4000, $0x38;
	[tilespmem:$0x9000] =	vst v63  }
0x6f: {  	_ =	swait.ge [sflag:s3], $0x4000  }
0x70: {  	[sflag:s3] =	ssyncset.done $0x0  }
0x71: {  	[sflag:s3] =	ssyncadd.s32 $0xFFFFC000  }
0x72: {  	[tilespmem:s4], [sflag:$0x1] =	stream.indirect.gather [hbm4b:s5+s8], $0x80, s26, s8, $0xb8;
	[tilespmem:$0x9000] =	vst v63  }
0x73: {  	_ =	swait.ge [sflag:s6], $0x4000  }
0x74: {  	[sflag:s6] =	ssyncset.done $0x0  }
0x75: {  	s0 =	rddreg [dreg:$0xa];
	[sflag:s6] =	ssyncadd.s32 $0xFFFFC000  }
0x76: {  	[hbm4b:s0+s2] =	stream.linear.scatter [tilespmem:s7], [sflag:$0x2], $0x4000, $0x38;
	[tilespmem:$0x9000] =	vst v63  }
0x77: {  	_ =	swait.ge [sflag:s3], $0x4000  }
0x78: {  	[sflag:s3] =	ssyncset.done $0x0  }
0x79: {  	[sflag:s3] =	ssyncadd.s32 $0xFFFFC000  }
0x7a: {  	[tilespmem:s7], [sflag:$0x1] =	stream.indirect.gather [hbm4b:s5+s8], $0x80, s24, s8, $0xb8;
	[tilespmem:$0x9000] =	vst v63  }
0x7b: {  	_ =	swait.ge [sflag:s6], $0x4000  }
0x7c: {  	[sflag:s6] =	ssyncset.done $0x0  }
0x7d: {  	s0 =	rddreg [dreg:$0xb];
	[sflag:s6] =	ssyncadd.s32 $0xFFFFC000  }
0x7e: {  	[hbm4b:s0+s2] =	stream.linear.scatter [tilespmem:s4], [sflag:$0x2], $0x4000, $0x38;
	[tilespmem:$0x9000] =	vst v63  }
0x7f: {  	_ =	swait.ge [sflag:s3], $0x4000  }
0x80: {  	[sflag:s3] =	ssyncset.done $0x0  }
0x81: {  	[sflag:s3] =	ssyncadd.s32 $0xFFFFC000  }
0x82: {  	[tilespmem:s4], [sflag:$0x1] =	stream.indirect.gather [hbm4b:s5+s8], $0x80, s23, s8, $0xb8;
	[tilespmem:$0x9000] =	vst v63  }
0x83: {  	_ =	swait.ge [sflag:s6], $0x4000  }
0x84: {  	[sflag:s6] =	ssyncset.done $0x0  }
0x85: {  	s0 =	rddreg [dreg:$0xc];
	[sflag:s6] =	ssyncadd.s32 $0xFFFFC000  }
0x86: {  	[hbm4b:s0+s2] =	stream.linear.scatter [tilespmem:s7], [sflag:$0x2], $0x4000, $0x38;
	[tilespmem:$0x9000] =	vst v63  }
0x87: {  	_ =	swait.ge [sflag:s3], $0x4000  }
0x88: {  	[sflag:s3] =	ssyncset.done $0x0  }
0x89: {  	[sflag:s3] =	ssyncadd.s32 $0xFFFFC000  }
0x8a: {  	[tilespmem:s7], [sflag:$0x1] =	stream.indirect.gather [hbm4b:s5+s8], $0x80, s22, s8, $0xb8;
	[tilespmem:$0x9000] =	vst v63  }
0x8b: {  	_ =	swait.ge [sflag:s6], $0x4000  }
0x8c: {  	[sflag:s6] =	ssyncset.done $0x0  }
0x8d: {  	s0 =	rddreg [dreg:$0xd];
	[sflag:s6] =	ssyncadd.s32 $0xFFFFC000  }
0x8e: {  	[hbm4b:s0+s2] =	stream.linear.scatter [tilespmem:s4], [sflag:$0x2], $0x4000, $0x38;
	[tilespmem:$0x9000] =	vst v63  }
0x8f: {  	_ =	swait.ge [sflag:s3], $0x4000  }
0x90: {  	[sflag:s3] =	ssyncset.done $0x0  }
0x91: {  	[sflag:s3] =	ssyncadd.s32 $0xFFFFC000  }
0x92: {  	[tilespmem:s4], [sflag:$0x1] =	stream.indirect.gather [hbm4b:s5+s8], $0x80, s21, s8, $0xb8;
	[tilespmem:$0x9000] =	vst v63  }
0x93: {  	_ =	swait.ge [sflag:s6], $0x4000  }
0x94: {  	[sflag:s6] =	ssyncset.done $0x0  }
0x95: {  	s0 =	rddreg [dreg:$0xe];
	[sflag:s6] =	ssyncadd.s32 $0xFFFFC000  }
0x96: {  	[hbm4b:s0+s2] =	stream.linear.scatter [tilespmem:s7], [sflag:$0x2], $0x4000, $0x38;
	[tilespmem:$0x9000] =	vst v63  }
0x97: {  	_ =	swait.ge [sflag:s3], $0x4000  }
0x98: {  	[sflag:s3] =	ssyncset.done $0x0  }
0x99: {  	[sflag:s3] =	ssyncadd.s32 $0xFFFFC000  }
0x9a: {  	[tilespmem:s7], [sflag:$0x1] =	stream.indirect.gather [hbm4b:s5+s8], $0x80, s20, s8, $0xb8;
	[tilespmem:$0x9000] =	vst v63  }
0x9b: {  	_ =	swait.ge [sflag:s6], $0x4000  }
0x9c: {  	[sflag:s6] =	ssyncset.done $0x0  }
0x9d: {  	s0 =	rddreg [dreg:$0xf];
	[sflag:s6] =	ssyncadd.s32 $0xFFFFC000  }
0x9e: {  	[hbm4b:s0+s2] =	stream.linear.scatter [tilespmem:s4], [sflag:$0x2], $0x4000, $0x38;
	[tilespmem:$0x9000] =	vst v63  }
0x9f: {  	_ =	swait.ge [sflag:s3], $0x4000  }
0xa0: {  	[sflag:s3] =	ssyncset.done $0x0  }
0xa1: {  	[sflag:s3] =	ssyncadd.s32 $0xFFFFC000  }
0xa2: {  	[tilespmem:s4], [sflag:$0x1] =	stream.indirect.gather [hbm4b:s5+s8], $0x80, s19, s8, $0xb8;
	[tilespmem:$0x9000] =	vst v63  }
0xa3: {  	_ =	swait.ge [sflag:s6], $0x4000  }
0xa4: {  	[sflag:s6] =	ssyncset.done $0x0  }
0xa5: {  	s0 =	rddreg [dreg:$0x10];
	[sflag:s6] =	ssyncadd.s32 $0xFFFFC000  }
0xa6: {  	[hbm4b:s0+s2] =	stream.linear.scatter [tilespmem:s7], [sflag:$0x2], $0x4000, $0x38;
	[tilespmem:$0x9000] =	vst v63  }
0xa7: {  	_ =	swait.ge [sflag:s3], $0x4000  }
0xa8: {  	[sflag:s3] =	ssyncset.done $0x0  }
0xa9: {  	[sflag:s3] =	ssyncadd.s32 $0xFFFFC000  }
0xaa: {  	[tilespmem:s7], [sflag:$0x1] =	stream.indirect.gather [hbm4b:s5+s8], $0x80, s18, s8, $0xb8;
	[tilespmem:$0x9000] =	vst v63  }
0xab: {  	_ =	swait.ge [sflag:s6], $0x4000  }
0xac: {  	[sflag:s6] =	ssyncset.done $0x0  }
0xad: {  	s0 =	rddreg [dreg:$0x11];
	[sflag:s6] =	ssyncadd.s32 $0xFFFFC000  }
0xae: {  	[hbm4b:s0+s2] =	stream.linear.scatter [tilespmem:s4], [sflag:$0x2], $0x4000, $0x38;
	[tilespmem:$0x9000] =	vst v63  }
0xaf: {  	_ =	swait.ge [sflag:s3], $0x4000  }
0xb0: {  	[sflag:s3] =	ssyncset.done $0x0  }
0xb1: {  	[sflag:s3] =	ssyncadd.s32 $0xFFFFC000  }
0xb2: {  	[tilespmem:s4], [sflag:$0x1] =	stream.indirect.gather [hbm4b:s5+s8], $0x80, s17, s8, $0xb8;
	[tilespmem:$0x9000] =	vst v63  }
0xb3: {  	_ =	swait.ge [sflag:s6], $0x4000  }
0xb4: {  	[sflag:s6] =	ssyncset.done $0x0  }
0xb5: {  	s0 =	rddreg [dreg:$0x12];
	[sflag:s6] =	ssyncadd.s32 $0xFFFFC000  }
0xb6: {  	[hbm4b:s0+s2] =	stream.linear.scatter [tilespmem:s7], [sflag:$0x2], $0x4000, $0x38;
	[tilespmem:$0x9000] =	vst v63  }
0xb7: {  	_ =	swait.ge [sflag:s3], $0x4000  }
0xb8: {  	[sflag:s3] =	ssyncset.done $0x0  }
0xb9: {  	[sflag:s3] =	ssyncadd.s32 $0xFFFFC000  }
0xba: {  	[tilespmem:s7], [sflag:$0x1] =	stream.indirect.gather [hbm4b:s5+s8], $0x80, s16, s8, $0xb8;
	[tilespmem:$0x9000] =	vst v63  }
0xbb: {  	_ =	swait.ge [sflag:s6], $0x4000  }
0xbc: {  	[sflag:s6] =	ssyncset.done $0x0  }
0xbd: {  	s0 =	rddreg [dreg:$0x13];
	[sflag:s6] =	ssyncadd.s32 $0xFFFFC000  }
0xbe: {  	[hbm4b:s0+s2] =	stream.linear.scatter [tilespmem:s4], [sflag:$0x2], $0x4000, $0x38;
	[tilespmem:$0x9000] =	vst v63  }
0xbf: {  	_ =	swait.ge [sflag:s3], $0x4000  }
0xc0: {  	[sflag:s3] =	ssyncset.done $0x0  }
0xc1: {  	[sflag:s3] =	ssyncadd.s32 $0xFFFFC000  }
0xc2: {  	[tilespmem:s4], [sflag:$0x1] =	stream.indirect.gather [hbm4b:s5+s8], $0x80, s15, s8, $0xb8;
	[tilespmem:$0x9000] =	vst v63  }
0xc3: {  	_ =	swait.ge [sflag:s6], $0x4000  }
0xc4: {  	[sflag:s6] =	ssyncset.done $0x0  }
0xc5: {  	s0 =	rddreg [dreg:$0x14];
	[sflag:s6] =	ssyncadd.s32 $0xFFFFC000  }
0xc6: {  	[hbm4b:s0+s2] =	stream.linear.scatter [tilespmem:s7], [sflag:$0x2], $0x4000, $0x38;
	[tilespmem:$0x9000] =	vst v63  }
0xc7: {  	_ =	swait.ge [sflag:s3], $0x4000  }
0xc8: {  	[sflag:s3] =	ssyncset.done $0x0  }
0xc9: {  	[sflag:s3] =	ssyncadd.s32 $0xFFFFC000  }
0xca: {  	[tilespmem:s7], [sflag:$0x1] =	stream.indirect.gather [hbm4b:s5+s8], $0x80, s14, s8, $0xb8;
	[tilespmem:$0x9000] =	vst v63  }
0xcb: {  	_ =	swait.ge [sflag:s6], $0x4000  }
0xcc: {  	[sflag:s6] =	ssyncset.done $0x0  }
0xcd: {  	s0 =	rddreg [dreg:$0x15];
	[sflag:s6] =	ssyncadd.s32 $0xFFFFC000  }
0xce: {  	[hbm4b:s0+s2] =	stream.linear.scatter [tilespmem:s4], [sflag:$0x2], $0x4000, $0x38;
	[tilespmem:$0x9000] =	vst v63  }
0xcf: {  	_ =	swait.ge [sflag:s3], $0x4000  }
0xd0: {  	[sflag:s3] =	ssyncset.done $0x0  }
0xd1: {  	[sflag:s3] =	ssyncadd.s32 $0xFFFFC000  }
0xd2: {  	[tilespmem:s4], [sflag:$0x1] =	stream.indirect.gather [hbm4b:s5+s8], $0x80, s13, s8, $0xb8;
	[tilespmem:$0x9000] =	vst v63  }
0xd3: {  	_ =	swait.ge [sflag:s6], $0x4000  }
0xd4: {  	[sflag:s6] =	ssyncset.done $0x0  }
0xd5: {  	s0 =	rddreg [dreg:$0x16];
	[sflag:s6] =	ssyncadd.s32 $0xFFFFC000  }
0xd6: {  	[hbm4b:s0+s2] =	stream.linear.scatter [tilespmem:s7], [sflag:$0x2], $0x4000, $0x38;
	[tilespmem:$0x9000] =	vst v63  }
0xd7: {  	_ =	swait.ge [sflag:s3], $0x4000  }
0xd8: {  	[sflag:s3] =	ssyncset.done $0x0  }
0xd9: {  	[sflag:s3] =	ssyncadd.s32 $0xFFFFC000  }
0xda: {  	[tilespmem:s7], [sflag:$0x1] =	stream.indirect.gather [hbm4b:s5+s8], $0x80, s12, s8, $0xb8;
	[tilespmem:$0x9000] =	vst v63  }
0xdb: {  	_ =	swait.ge [sflag:s6], $0x4000  }
0xdc: {  	[sflag:s6] =	ssyncset.done $0x0  }
0xdd: {  	s0 =	rddreg [dreg:$0x17];
	[sflag:s6] =	ssyncadd.s32 $0xFFFFC000  }
0xde: {  	[hbm4b:s0+s2] =	stream.linear.scatter [tilespmem:s4], [sflag:$0x2], $0x4000, $0x38;
	[tilespmem:$0x9000] =	vst v63  }
0xdf: {  	_ =	swait.ge [sflag:s3], $0x4000  }
0xe0: {  	[sflag:s3] =	ssyncset.done $0x0  }
0xe1: {  	[sflag:s3] =	ssyncadd.s32 $0xFFFFC000  }
0xe2: {  	[tilespmem:s4], [sflag:$0x1] =	stream.indirect.gather [hbm4b:s5+s8], $0x80, s11, s8, $0xb8;
	[tilespmem:$0x9000] =	vst v63  }
0xe3: {  	_ =	swait.ge [sflag:s6], $0x4000  }
0xe4: {  	[sflag:s6] =	ssyncset.done $0x0  }
0xe5: {  	s0 =	rddreg [dreg:$0x18];
	[sflag:s6] =	ssyncadd.s32 $0xFFFFC000  }
0xe6: {  	[hbm4b:s0+s2] =	stream.linear.scatter [tilespmem:s7], [sflag:$0x2], $0x4000, $0x38;
	[tilespmem:$0x9000] =	vst v63  }
0xe7: {  	_ =	swait.ge [sflag:s3], $0x4000  }
0xe8: {  	[sflag:s3] =	ssyncset.done $0x0  }
0xe9: {  	[sflag:s3] =	ssyncadd.s32 $0xFFFFC000  }
0xea: {  	[tilespmem:s7], [sflag:$0x1] =	stream.indirect.gather [hbm4b:s5+s8], $0x80, s10, s8, $0xb8;
	[tilespmem:$0x9000] =	vst v63  }
0xeb: {  	_ =	swait.ge [sflag:s6], $0x4000  }
0xec: {  	[sflag:s6] =	ssyncset.done $0x0  }
0xed: {  	s0 =	rddreg [dreg:$0x19];
	[sflag:s6] =	ssyncadd.s32 $0xFFFFC000  }
0xee: {  	[hbm4b:s0+s2] =	stream.linear.scatter [tilespmem:s4], [sflag:$0x2], $0x4000, $0x38;
	[tilespmem:$0x9000] =	vst v63  }
0xef: {  	_ =	swait.ge [sflag:s3], $0x4000  }
0xf0: {  	[sflag:s3] =	ssyncset.done $0x0  }
0xf1: {  	[sflag:s3] =	ssyncadd.s32 $0xFFFFC000  }
0xf2: {  	[tilespmem:s4], [sflag:$0x1] =	stream.indirect.gather [hbm4b:s5+s8], $0x80, s9, s8, $0xb8;
	[tilespmem:$0x9000] =	vst v63  }
0xf3: {  	_ =	swait.ge [sflag:s6], $0x4000  }
0xf4: {  	[sflag:s6] =	ssyncset.done $0x0  }
0xf5: {  	s0 =	rddreg [dreg:$0x1a];
	[sflag:s6] =	ssyncadd.s32 $0xFFFFC000  }
0xf6: {  	[hbm4b:s0+s2] =	stream.linear.scatter [tilespmem:s7], [sflag:$0x2], $0x4000, $0x38;
	[tilespmem:$0x9000] =	vst v63  }
0xf7: {  	_ =	swait.ge [sflag:s3], $0x4000  }
0xf8: {  	[sflag:s3] =	ssyncset.done $0x0  }
0xf9: {  	[sflag:s3] =	ssyncadd.s32 $0xFFFFC000  }
0xfa: {  	p1 =	sne.s32 s1, $0x1;
	_ =	swait.ge [sflag:s6], $0x4000  }
.Ltmp1:
0xfb: {  	[sflag:s6] =	ssyncset.done $0x0;
	(pc) =	sbr.rel @!p1 .LBB2_3-.Ltmp1, $4  }
0xfc: {  	s0 =	rddreg [dreg:$0x1b];
	[sflag:s6] =	ssyncadd.s32 $0xFFFFC000  }
0xfd: {  	[hbm4b:s0+s2] =	stream.linear.scatter [tilespmem:s4], [sflag:$0x2], $0x4000, $0x38;
	[tilespmem:$0x9000] =	vst v63  }
0xfe: {  	s1 =	sadd.s32 $0xFFFFFFFF, s1;
	_ =	swait.ge [sflag:s3], $0x4000  }
0xff: {  	p0 =	por $0x1, $0x1;
	s0 =	rddreg [dreg:$0x2];
	[sflag:s3] =	ssyncset.done $0x0  }
.LBB2_2:
0x100: {  	[sflag:s3] =	ssyncadd.s32 $0xFFFFC000  }
0x101: {  	[tilespmem:s2], [sflag:$0x2] =	stream.linear.gather [hbm4b:s0+s2], $0xD00, $0x38;
	[tilespmem:$0x9000] =	vst v63  }
0x102: {  	_ =	swait.ge [sflag:s3], $0xD00  }
0x103: {  	[sflag:s3] =	ssyncset.done $0x0  }
0x104: {  	[sflag:s3] =	ssyncadd.s32 $0xFFFFF300  }
0x105: {  	[tilespmem:s7], [sflag:$0x1] =	stream.indirect.gather [hbm4b:s5+s8], $0x80, s2, s8, $0xb8;
	[tilespmem:$0x9000] =	vst v63  }
0x106: {  	_ = 	snop  }
0x107: {  	[tilespmem:s4], [sflag:$0x1] =	stream.indirect.gather [hbm4b:s5+s8], $0x80, s8, s8, $0xb8;
	[tilespmem:$0x9000] =	vst v63  }
0x108: {  	_ =	swait.ge [sflag:s6], $0x4000  }
0x109: {  	[sflag:s6] =	ssyncset.done $0x0  }
0x10a: {  	[sflag:s6] =	ssyncadd.s32 $0xFFFFC000  }
0x10b: {  	[hbm4b:s25+s2] =	stream.linear.scatter [tilespmem:s7], [sflag:$0x2], $0x4000, $0x38;
	[tilespmem:$0x9000] =	vst v63  }
0x10c: {  	_ =	swait.ge [sflag:s3], $0x4000  }
0x10d: {  	[sflag:s3] =	ssyncset.done $0x0  }
0x10e: {  	s0 =	rddreg [dreg:$0x1c];
	[sflag:s3] =	ssyncadd.s32 $0xFFFFC000  }
0x10f: {  	[tilespmem:s7], [sflag:$0x1] =	stream.indirect.gather [hbm4b:s5+s8], $0x80, s0, s8, $0xb8;
	[tilespmem:$0x9000] =	vst v63  }
0x110: {  	_ =	swait.ge [sflag:s6], $0x4000  }
0x111: {  	[sflag:s6] =	ssyncset.done $0x0  }
0x112: {  	s0 =	rddreg [dreg:$0x3];
	[sflag:s6] =	ssyncadd.s32 $0xFFFFC000  }
0x113: {  	[hbm4b:s0+s2] =	stream.linear.scatter [tilespmem:s4], [sflag:$0x2], $0x4000, $0x38;
	[tilespmem:$0x9000] =	vst v63  }
0x114: {  	_ =	swait.ge [sflag:s3], $0x4000  }
0x115: {  	[sflag:s3] =	ssyncset.done $0x0  }
0x116: {  	s0 =	rddreg [dreg:$0x1d];
	[sflag:s3] =	ssyncadd.s32 $0xFFFFC000  }
0x117: {  	[tilespmem:s4], [sflag:$0x1] =	stream.indirect.gather [hbm4b:s5+s8], $0x80, s0, s8, $0xb8;
	[tilespmem:$0x9000] =	vst v63  }
0x118: {  	_ =	swait.ge [sflag:s6], $0x4000  }
0x119: {  	[sflag:s6] =	ssyncset.done $0x0  }
0x11a: {  	s0 =	rddreg [dreg:$0x4];
	[sflag:s6] =	ssyncadd.s32 $0xFFFFC000  }
0x11b: {  	[hbm4b:s0+s2] =	stream.linear.scatter [tilespmem:s7], [sflag:$0x2], $0x4000, $0x38;
	[tilespmem:$0x9000] =	vst v63  }
0x11c: {  	_ =	swait.ge [sflag:s3], $0x4000  }
0x11d: {  	[sflag:s3] =	ssyncset.done $0x0  }
0x11e: {  	s0 =	rddreg [dreg:$0x1e];
	[sflag:s3] =	ssyncadd.s32 $0xFFFFC000  }
0x11f: {  	[tilespmem:s7], [sflag:$0x1] =	stream.indirect.gather [hbm4b:s5+s8], $0x80, s0, s8, $0xb8;
	[tilespmem:$0x9000] =	vst v63  }
0x120: {  	_ =	swait.ge [sflag:s6], $0x4000  }
0x121: {  	[sflag:s6] =	ssyncset.done $0x0  }
0x122: {  	s0 =	rddreg [dreg:$0x5];
	[sflag:s6] =	ssyncadd.s32 $0xFFFFC000  }
0x123: {  	[hbm4b:s0+s2] =	stream.linear.scatter [tilespmem:s4], [sflag:$0x2], $0x4000, $0x38;
	[tilespmem:$0x9000] =	vst v63  }
0x124: {  	_ =	swait.ge [sflag:s3], $0x4000  }
0x125: {  	[sflag:s3] =	ssyncset.done $0x0  }
0x126: {  	[sflag:s3] =	ssyncadd.s32 $0xFFFFC000  }
0x127: {  	[tilespmem:s4], [sflag:$0x1] =	stream.indirect.gather [hbm4b:s5+s8], $0x80, s31, s8, $0xb8;
	[tilespmem:$0x9000] =	vst v63  }
0x128: {  	_ =	swait.ge [sflag:s6], $0x4000  }
0x129: {  	[sflag:s6] =	ssyncset.done $0x0  }
0x12a: {  	s0 =	rddreg [dreg:$0x6];
	[sflag:s6] =	ssyncadd.s32 $0xFFFFC000  }
0x12b: {  	[hbm4b:s0+s2] =	stream.linear.scatter [tilespmem:s7], [sflag:$0x2], $0x4000, $0x38;
	[tilespmem:$0x9000] =	vst v63  }
0x12c: {  	_ =	swait.ge [sflag:s3], $0x4000  }
0x12d: {  	[sflag:s3] =	ssyncset.done $0x0  }
0x12e: {  	[sflag:s3] =	ssyncadd.s32 $0xFFFFC000  }
0x12f: {  	[tilespmem:s7], [sflag:$0x1] =	stream.indirect.gather [hbm4b:s5+s8], $0x80, s30, s8, $0xb8;
	[tilespmem:$0x9000] =	vst v63  }
0x130: {  	_ =	swait.ge [sflag:s6], $0x4000  }
0x131: {  	[sflag:s6] =	ssyncset.done $0x0  }
0x132: {  	s0 =	rddreg [dreg:$0x7];
	[sflag:s6] =	ssyncadd.s32 $0xFFFFC000  }
0x133: {  	[hbm4b:s0+s2] =	stream.linear.scatter [tilespmem:s4], [sflag:$0x2], $0x4000, $0x38;
	[tilespmem:$0x9000] =	vst v63  }
0x134: {  	_ =	swait.ge [sflag:s3], $0x4000  }
0x135: {  	[sflag:s3] =	ssyncset.done $0x0  }
0x136: {  	[sflag:s3] =	ssyncadd.s32 $0xFFFFC000  }
0x137: {  	[tilespmem:s4], [sflag:$0x1] =	stream.indirect.gather [hbm4b:s5+s8], $0x80, s29, s8, $0xb8;
	[tilespmem:$0x9000] =	vst v63  }
0x138: {  	_ =	swait.ge [sflag:s6], $0x4000  }
0x139: {  	[sflag:s6] =	ssyncset.done $0x0  }
0x13a: {  	s0 =	rddreg [dreg:$0x8];
	[sflag:s6] =	ssyncadd.s32 $0xFFFFC000  }
0x13b: {  	[hbm4b:s0+s2] =	stream.linear.scatter [tilespmem:s7], [sflag:$0x2], $0x4000, $0x38;
	[tilespmem:$0x9000] =	vst v63  }
0x13c: {  	_ =	swait.ge [sflag:s3], $0x4000  }
0x13d: {  	[sflag:s3] =	ssyncset.done $0x0  }
0x13e: {  	[sflag:s3] =	ssyncadd.s32 $0xFFFFC000  }
0x13f: {  	[tilespmem:s7], [sflag:$0x1] =	stream.indirect.gather [hbm4b:s5+s8], $0x80, s28, s8, $0xb8;
	[tilespmem:$0x9000] =	vst v63  }
0x140: {  	_ =	swait.ge [sflag:s6], $0x4000  }
0x141: {  	[sflag:s6] =	ssyncset.done $0x0  }
0x142: {  	s0 =	rddreg [dreg:$0x9];
	[sflag:s6] =	ssyncadd.s32 $0xFFFFC000  }
0x143: {  	[hbm4b:s0+s2] =	stream.linear.scatter [tilespmem:s4], [sflag:$0x2], $0x4000, $0x38;
	[tilespmem:$0x9000] =	vst v63  }
0x144: {  	_ =	swait.ge [sflag:s3], $0x4000  }
0x145: {  	[sflag:s3] =	ssyncset.done $0x0  }
0x146: {  	[sflag:s3] =	ssyncadd.s32 $0xFFFFC000  }
0x147: {  	[tilespmem:s4], [sflag:$0x1] =	stream.indirect.gather [hbm4b:s5+s8], $0x80, s26, s8, $0xb8;
	[tilespmem:$0x9000] =	vst v63  }
0x148: {  	_ =	swait.ge [sflag:s6], $0x4000  }
0x149: {  	[sflag:s6] =	ssyncset.done $0x0  }
0x14a: {  	s0 =	rddreg [dreg:$0xa];
	[sflag:s6] =	ssyncadd.s32 $0xFFFFC000  }
0x14b: {  	[hbm4b:s0+s2] =	stream.linear.scatter [tilespmem:s7], [sflag:$0x2], $0x4000, $0x38;
	[tilespmem:$0x9000] =	vst v63  }
0x14c: {  	_ =	swait.ge [sflag:s3], $0x4000  }
0x14d: {  	[sflag:s3] =	ssyncset.done $0x0  }
0x14e: {  	[sflag:s3] =	ssyncadd.s32 $0xFFFFC000  }
0x14f: {  	[tilespmem:s7], [sflag:$0x1] =	stream.indirect.gather [hbm4b:s5+s8], $0x80, s24, s8, $0xb8;
	[tilespmem:$0x9000] =	vst v63  }
0x150: {  	_ =	swait.ge [sflag:s6], $0x4000  }
0x151: {  	[sflag:s6] =	ssyncset.done $0x0  }
0x152: {  	s0 =	rddreg [dreg:$0xb];
	[sflag:s6] =	ssyncadd.s32 $0xFFFFC000  }
0x153: {  	[hbm4b:s0+s2] =	stream.linear.scatter [tilespmem:s4], [sflag:$0x2], $0x4000, $0x38;
	[tilespmem:$0x9000] =	vst v63  }
0x154: {  	_ =	swait.ge [sflag:s3], $0x4000  }
0x155: {  	[sflag:s3] =	ssyncset.done $0x0  }
0x156: {  	[sflag:s3] =	ssyncadd.s32 $0xFFFFC000  }
0x157: {  	[tilespmem:s4], [sflag:$0x1] =	stream.indirect.gather [hbm4b:s5+s8], $0x80, s23, s8, $0xb8;
	[tilespmem:$0x9000] =	vst v63  }
0x158: {  	_ =	swait.ge [sflag:s6], $0x4000  }
0x159: {  	[sflag:s6] =	ssyncset.done $0x0  }
0x15a: {  	s0 =	rddreg [dreg:$0xc];
	[sflag:s6] =	ssyncadd.s32 $0xFFFFC000  }
0x15b: {  	[hbm4b:s0+s2] =	stream.linear.scatter [tilespmem:s7], [sflag:$0x2], $0x4000, $0x38;
	[tilespmem:$0x9000] =	vst v63  }
0x15c: {  	_ =	swait.ge [sflag:s3], $0x4000  }
0x15d: {  	[sflag:s3] =	ssyncset.done $0x0  }
0x15e: {  	[sflag:s3] =	ssyncadd.s32 $0xFFFFC000  }
0x15f: {  	[tilespmem:s7], [sflag:$0x1] =	stream.indirect.gather [hbm4b:s5+s8], $0x80, s22, s8, $0xb8;
	[tilespmem:$0x9000] =	vst v63  }
0x160: {  	_ =	swait.ge [sflag:s6], $0x4000  }
0x161: {  	[sflag:s6] =	ssyncset.done $0x0  }
0x162: {  	s0 =	rddreg [dreg:$0xd];
	[sflag:s6] =	ssyncadd.s32 $0xFFFFC000  }
0x163: {  	[hbm4b:s0+s2] =	stream.linear.scatter [tilespmem:s4], [sflag:$0x2], $0x4000, $0x38;
	[tilespmem:$0x9000] =	vst v63  }
0x164: {  	_ =	swait.ge [sflag:s3], $0x4000  }
0x165: {  	[sflag:s3] =	ssyncset.done $0x0  }
0x166: {  	[sflag:s3] =	ssyncadd.s32 $0xFFFFC000  }
0x167: {  	[tilespmem:s4], [sflag:$0x1] =	stream.indirect.gather [hbm4b:s5+s8], $0x80, s21, s8, $0xb8;
	[tilespmem:$0x9000] =	vst v63  }
0x168: {  	_ =	swait.ge [sflag:s6], $0x4000  }
0x169: {  	[sflag:s6] =	ssyncset.done $0x0  }
0x16a: {  	s0 =	rddreg [dreg:$0xe];
	[sflag:s6] =	ssyncadd.s32 $0xFFFFC000  }
0x16b: {  	[hbm4b:s0+s2] =	stream.linear.scatter [tilespmem:s7], [sflag:$0x2], $0x4000, $0x38;
	[tilespmem:$0x9000] =	vst v63  }
0x16c: {  	_ =	swait.ge [sflag:s3], $0x4000  }
0x16d: {  	[sflag:s3] =	ssyncset.done $0x0  }
0x16e: {  	[sflag:s3] =	ssyncadd.s32 $0xFFFFC000  }
0x16f: {  	[tilespmem:s7], [sflag:$0x1] =	stream.indirect.gather [hbm4b:s5+s8], $0x80, s20, s8, $0xb8;
	[tilespmem:$0x9000] =	vst v63  }
0x170: {  	_ =	swait.ge [sflag:s6], $0x4000  }
0x171: {  	[sflag:s6] =	ssyncset.done $0x0  }
0x172: {  	s0 =	rddreg [dreg:$0xf];
	[sflag:s6] =	ssyncadd.s32 $0xFFFFC000  }
0x173: {  	[hbm4b:s0+s2] =	stream.linear.scatter [tilespmem:s4], [sflag:$0x2], $0x4000, $0x38;
	[tilespmem:$0x9000] =	vst v63  }
0x174: {  	_ =	swait.ge [sflag:s3], $0x4000  }
0x175: {  	[sflag:s3] =	ssyncset.done $0x0  }
0x176: {  	[sflag:s3] =	ssyncadd.s32 $0xFFFFC000  }
0x177: {  	[tilespmem:s4], [sflag:$0x1] =	stream.indirect.gather [hbm4b:s5+s8], $0x80, s19, s8, $0xb8;
	[tilespmem:$0x9000] =	vst v63  }
0x178: {  	_ =	swait.ge [sflag:s6], $0x4000  }
0x179: {  	[sflag:s6] =	ssyncset.done $0x0  }
0x17a: {  	s0 =	rddreg [dreg:$0x10];
	[sflag:s6] =	ssyncadd.s32 $0xFFFFC000  }
0x17b: {  	[hbm4b:s0+s2] =	stream.linear.scatter [tilespmem:s7], [sflag:$0x2], $0x4000, $0x38;
	[tilespmem:$0x9000] =	vst v63  }
0x17c: {  	_ =	swait.ge [sflag:s3], $0x4000  }
0x17d: {  	[sflag:s3] =	ssyncset.done $0x0  }
0x17e: {  	[sflag:s3] =	ssyncadd.s32 $0xFFFFC000  }
0x17f: {  	[tilespmem:s7], [sflag:$0x1] =	stream.indirect.gather [hbm4b:s5+s8], $0x80, s18, s8, $0xb8;
	[tilespmem:$0x9000] =	vst v63  }
0x180: {  	_ =	swait.ge [sflag:s6], $0x4000  }
0x181: {  	[sflag:s6] =	ssyncset.done $0x0  }
0x182: {  	s0 =	rddreg [dreg:$0x11];
	[sflag:s6] =	ssyncadd.s32 $0xFFFFC000  }
0x183: {  	[hbm4b:s0+s2] =	stream.linear.scatter [tilespmem:s4], [sflag:$0x2], $0x4000, $0x38;
	[tilespmem:$0x9000] =	vst v63  }
0x184: {  	_ =	swait.ge [sflag:s3], $0x4000  }
0x185: {  	[sflag:s3] =	ssyncset.done $0x0  }
0x186: {  	[sflag:s3] =	ssyncadd.s32 $0xFFFFC000  }
0x187: {  	[tilespmem:s4], [sflag:$0x1] =	stream.indirect.gather [hbm4b:s5+s8], $0x80, s17, s8, $0xb8;
	[tilespmem:$0x9000] =	vst v63  }
0x188: {  	_ =	swait.ge [sflag:s6], $0x4000  }
0x189: {  	[sflag:s6] =	ssyncset.done $0x0  }
0x18a: {  	s0 =	rddreg [dreg:$0x12];
	[sflag:s6] =	ssyncadd.s32 $0xFFFFC000  }
0x18b: {  	[hbm4b:s0+s2] =	stream.linear.scatter [tilespmem:s7], [sflag:$0x2], $0x4000, $0x38;
	[tilespmem:$0x9000] =	vst v63  }
0x18c: {  	_ =	swait.ge [sflag:s3], $0x4000  }
0x18d: {  	[sflag:s3] =	ssyncset.done $0x0  }
0x18e: {  	[sflag:s3] =	ssyncadd.s32 $0xFFFFC000  }
0x18f: {  	[tilespmem:s7], [sflag:$0x1] =	stream.indirect.gather [hbm4b:s5+s8], $0x80, s16, s8, $0xb8;
	[tilespmem:$0x9000] =	vst v63  }
0x190: {  	_ =	swait.ge [sflag:s6], $0x4000  }
0x191: {  	[sflag:s6] =	ssyncset.done $0x0  }
0x192: {  	s0 =	rddreg [dreg:$0x13];
	[sflag:s6] =	ssyncadd.s32 $0xFFFFC000  }
0x193: {  	[hbm4b:s0+s2] =	stream.linear.scatter [tilespmem:s4], [sflag:$0x2], $0x4000, $0x38;
	[tilespmem:$0x9000] =	vst v63  }
0x194: {  	_ =	swait.ge [sflag:s3], $0x4000  }
0x195: {  	[sflag:s3] =	ssyncset.done $0x0  }
0x196: {  	[sflag:s3] =	ssyncadd.s32 $0xFFFFC000  }
0x197: {  	[tilespmem:s4], [sflag:$0x1] =	stream.indirect.gather [hbm4b:s5+s8], $0x80, s15, s8, $0xb8;
	[tilespmem:$0x9000] =	vst v63  }
0x198: {  	_ =	swait.ge [sflag:s6], $0x4000  }
0x199: {  	[sflag:s6] =	ssyncset.done $0x0  }
0x19a: {  	s0 =	rddreg [dreg:$0x14];
	[sflag:s6] =	ssyncadd.s32 $0xFFFFC000  }
0x19b: {  	[hbm4b:s0+s2] =	stream.linear.scatter [tilespmem:s7], [sflag:$0x2], $0x4000, $0x38;
	[tilespmem:$0x9000] =	vst v63  }
0x19c: {  	_ =	swait.ge [sflag:s3], $0x4000  }
0x19d: {  	[sflag:s3] =	ssyncset.done $0x0  }
0x19e: {  	[sflag:s3] =	ssyncadd.s32 $0xFFFFC000  }
0x19f: {  	[tilespmem:s7], [sflag:$0x1] =	stream.indirect.gather [hbm4b:s5+s8], $0x80, s14, s8, $0xb8;
	[tilespmem:$0x9000] =	vst v63  }
0x1a0: {  	_ =	swait.ge [sflag:s6], $0x4000  }
0x1a1: {  	[sflag:s6] =	ssyncset.done $0x0  }
0x1a2: {  	s0 =	rddreg [dreg:$0x15];
	[sflag:s6] =	ssyncadd.s32 $0xFFFFC000  }
0x1a3: {  	[hbm4b:s0+s2] =	stream.linear.scatter [tilespmem:s4], [sflag:$0x2], $0x4000, $0x38;
	[tilespmem:$0x9000] =	vst v63  }
0x1a4: {  	_ =	swait.ge [sflag:s3], $0x4000  }
0x1a5: {  	[sflag:s3] =	ssyncset.done $0x0  }
0x1a6: {  	[sflag:s3] =	ssyncadd.s32 $0xFFFFC000  }
0x1a7: {  	[tilespmem:s4], [sflag:$0x1] =	stream.indirect.gather [hbm4b:s5+s8], $0x80, s13, s8, $0xb8;
	[tilespmem:$0x9000] =	vst v63  }
0x1a8: {  	_ =	swait.ge [sflag:s6], $0x4000  }
0x1a9: {  	[sflag:s6] =	ssyncset.done $0x0  }
0x1aa: {  	s0 =	rddreg [dreg:$0x16];
	[sflag:s6] =	ssyncadd.s32 $0xFFFFC000  }
0x1ab: {  	[hbm4b:s0+s2] =	stream.linear.scatter [tilespmem:s7], [sflag:$0x2], $0x4000, $0x38;
	[tilespmem:$0x9000] =	vst v63  }
0x1ac: {  	_ =	swait.ge [sflag:s3], $0x4000  }
0x1ad: {  	[sflag:s3] =	ssyncset.done $0x0  }
0x1ae: {  	[sflag:s3] =	ssyncadd.s32 $0xFFFFC000  }
0x1af: {  	[tilespmem:s7], [sflag:$0x1] =	stream.indirect.gather [hbm4b:s5+s8], $0x80, s12, s8, $0xb8;
	[tilespmem:$0x9000] =	vst v63  }
0x1b0: {  	_ =	swait.ge [sflag:s6], $0x4000  }
0x1b1: {  	[sflag:s6] =	ssyncset.done $0x0  }
0x1b2: {  	s0 =	rddreg [dreg:$0x17];
	[sflag:s6] =	ssyncadd.s32 $0xFFFFC000  }
0x1b3: {  	[hbm4b:s0+s2] =	stream.linear.scatter [tilespmem:s4], [sflag:$0x2], $0x4000, $0x38;
	[tilespmem:$0x9000] =	vst v63  }
0x1b4: {  	_ =	swait.ge [sflag:s3], $0x4000  }
0x1b5: {  	[sflag:s3] =	ssyncset.done $0x0  }
0x1b6: {  	[sflag:s3] =	ssyncadd.s32 $0xFFFFC000  }
0x1b7: {  	[tilespmem:s4], [sflag:$0x1] =	stream.indirect.gather [hbm4b:s5+s8], $0x80, s11, s8, $0xb8;
	[tilespmem:$0x9000] =	vst v63  }
0x1b8: {  	_ =	swait.ge [sflag:s6], $0x4000  }
0x1b9: {  	[sflag:s6] =	ssyncset.done $0x0  }
0x1ba: {  	s0 =	rddreg [dreg:$0x18];
	[sflag:s6] =	ssyncadd.s32 $0xFFFFC000  }
0x1bb: {  	[hbm4b:s0+s2] =	stream.linear.scatter [tilespmem:s7], [sflag:$0x2], $0x4000, $0x38;
	[tilespmem:$0x9000] =	vst v63  }
0x1bc: {  	_ =	swait.ge [sflag:s3], $0x4000  }
0x1bd: {  	[sflag:s3] =	ssyncset.done $0x0  }
0x1be: {  	[sflag:s3] =	ssyncadd.s32 $0xFFFFC000  }
0x1bf: {  	[tilespmem:s7], [sflag:$0x1] =	stream.indirect.gather [hbm4b:s5+s8], $0x80, s10, s8, $0xb8;
	[tilespmem:$0x9000] =	vst v63  }
0x1c0: {  	_ =	swait.ge [sflag:s6], $0x4000  }
0x1c1: {  	[sflag:s6] =	ssyncset.done $0x0  }
0x1c2: {  	s0 =	rddreg [dreg:$0x19];
	[sflag:s6] =	ssyncadd.s32 $0xFFFFC000  }
0x1c3: {  	[hbm4b:s0+s2] =	stream.linear.scatter [tilespmem:s4], [sflag:$0x2], $0x4000, $0x38;
	[tilespmem:$0x9000] =	vst v63  }
0x1c4: {  	_ =	swait.ge [sflag:s3], $0x4000  }
0x1c5: {  	[sflag:s3] =	ssyncset.done $0x0  }
0x1c6: {  	[sflag:s3] =	ssyncadd.s32 $0xFFFFC000  }
0x1c7: {  	[tilespmem:s4], [sflag:$0x1] =	stream.indirect.gather [hbm4b:s5+s8], $0x80, s9, s8, $0xb8;
	[tilespmem:$0x9000] =	vst v63  }
0x1c8: {  	_ =	swait.ge [sflag:s6], $0x4000  }
0x1c9: {  	[sflag:s6] =	ssyncset.done $0x0  }
0x1ca: {  	s0 =	rddreg [dreg:$0x1a];
	[sflag:s6] =	ssyncadd.s32 $0xFFFFC000  }
0x1cb: {  	[hbm4b:s0+s2] =	stream.linear.scatter [tilespmem:s7], [sflag:$0x2], $0x4000, $0x38;
	[tilespmem:$0x9000] =	vst v63  }
0x1cc: {  	_ =	swait.ge [sflag:s3], $0x4000  }
0x1cd: {  	[sflag:s3] =	ssyncset.done $0x0  }
0x1ce: {  	[sflag:s3] =	ssyncadd.s32 $0xFFFFC000  }
0x1cf: {  	p1 =	sne.s32 s1, $0x1;
	_ =	swait.ge [sflag:s6], $0x4000  }
.Ltmp2:
0x1d0: {  	[sflag:s6] =	ssyncset.done $0x0;
	(pc) =	sbr.rel @p1 .LBB2_2-.Ltmp2, $4  }
0x1d1: {  	s0 =	rddreg [dreg:$0x1b];
	[sflag:s6] =	ssyncadd.s32 $0xFFFFC000  }
0x1d2: {  	[hbm4b:s0+s2] =	stream.linear.scatter [tilespmem:s4], [sflag:$0x2], $0x4000, $0x38;
	[tilespmem:$0x9000] =	vst v63  }
0x1d3: {  	_ =	swait.ge [sflag:s3], $0x4000  }
0x1d4: {  	s1 =	sadd.s32 $0xFFFFFFFF, s1;
	s0 =	rddreg [dreg:$0x2];
	[sflag:s3] =	ssyncset.done $0x0  }
.LBB2_3:
0x1d5: {  	[sflag:s3] =	ssyncadd.s32 @p0 $0xFFFFC000  }
0x1d6: {  	[tilespmem:s2], [sflag:$0x2] =	stream.linear.gather [hbm4b:s0+s2], $0xD00, $0x38;
	[tilespmem:$0x9000] =	vst v63  }
0x1d7: {  	_ =	swait.ge [sflag:s3], $0xD00  }
0x1d8: {  	[sflag:s3] =	ssyncset.done $0x0  }
0x1d9: {  	[sflag:s3] =	ssyncadd.s32 $0xFFFFF300  }
0x1da: {  	[tilespmem:s7], [sflag:$0x1] =	stream.indirect.gather [hbm4b:s5+s8], $0x80, s2, s8, $0xb8;
	[tilespmem:$0x9000] =	vst v63  }
0x1db: {  	_ = 	snop  }
0x1dc: {  	[tilespmem:s4], [sflag:$0x1] =	stream.indirect.gather [hbm4b:s5+s8], $0x80, s8, s8, $0xb8;
	[tilespmem:$0x9000] =	vst v63  }
0x1dd: {  	_ =	swait.ge [sflag:s6], $0x4000  }
0x1de: {  	[sflag:s6] =	ssyncset.done $0x0  }
0x1df: {  	[sflag:s6] =	ssyncadd.s32 $0xFFFFC000  }
0x1e0: {  	[hbm4b:s25+s2] =	stream.linear.scatter [tilespmem:s7], [sflag:$0x2], $0x4000, $0x38;
	[tilespmem:$0x9000] =	vst v63  }
0x1e1: {  	_ =	swait.ge [sflag:s3], $0x4000  }
0x1e2: {  	[sflag:s3] =	ssyncset.done $0x0  }
0x1e3: {  	s25 =	rddreg [dreg:$0x1c];
	[sflag:s3] =	ssyncadd.s32 $0xFFFFC000  }
0x1e4: {  	[tilespmem:s7], [sflag:$0x1] =	stream.indirect.gather [hbm4b:s5+s8], $0x80, s25, s8, $0xb8;
	[tilespmem:$0x9000] =	vst v63  }
0x1e5: {  	_ =	swait.ge [sflag:s6], $0x4000  }
0x1e6: {  	[sflag:s6] =	ssyncset.done $0x0  }
0x1e7: {  	s1 =	rddreg [dreg:$0x3];
	[sflag:s6] =	ssyncadd.s32 $0xFFFFC000  }
0x1e8: {  	[hbm4b:s1+s2] =	stream.linear.scatter [tilespmem:s4], [sflag:$0x2], $0x4000, $0x38;
	[tilespmem:$0x9000] =	vst v63  }
0x1e9: {  	_ =	swait.ge [sflag:s3], $0x4000  }
0x1ea: {  	[sflag:s3] =	ssyncset.done $0x0  }
0x1eb: {  	s25 =	rddreg [dreg:$0x1d];
	[sflag:s3] =	ssyncadd.s32 $0xFFFFC000  }
0x1ec: {  	[tilespmem:s4], [sflag:$0x1] =	stream.indirect.gather [hbm4b:s5+s8], $0x80, s25, s8, $0xb8;
	[tilespmem:$0x9000] =	vst v63  }
0x1ed: {  	_ =	swait.ge [sflag:s6], $0x4000  }
0x1ee: {  	[sflag:s6] =	ssyncset.done $0x0  }
0x1ef: {  	s1 =	rddreg [dreg:$0x4];
	[sflag:s6] =	ssyncadd.s32 $0xFFFFC000  }
0x1f0: {  	[hbm4b:s1+s2] =	stream.linear.scatter [tilespmem:s7], [sflag:$0x2], $0x4000, $0x38;
	[tilespmem:$0x9000] =	vst v63  }
0x1f1: {  	_ =	swait.ge [sflag:s3], $0x4000  }
0x1f2: {  	[sflag:s3] =	ssyncset.done $0x0  }
0x1f3: {  	s25 =	rddreg [dreg:$0x1e];
	[sflag:s3] =	ssyncadd.s32 $0xFFFFC000  }
0x1f4: {  	[tilespmem:s7], [sflag:$0x1] =	stream.indirect.gather [hbm4b:s5+s8], $0x80, s25, s8, $0xb8;
	[tilespmem:$0x9000] =	vst v63  }
0x1f5: {  	_ =	swait.ge [sflag:s6], $0x4000  }
0x1f6: {  	[sflag:s6] =	ssyncset.done $0x0  }
0x1f7: {  	s1 =	rddreg [dreg:$0x5];
	[sflag:s6] =	ssyncadd.s32 $0xFFFFC000  }
0x1f8: {  	[hbm4b:s1+s2] =	stream.linear.scatter [tilespmem:s4], [sflag:$0x2], $0x4000, $0x38;
	[tilespmem:$0x9000] =	vst v63  }
0x1f9: {  	_ =	swait.ge [sflag:s3], $0x4000  }
0x1fa: {  	[sflag:s3] =	ssyncset.done $0x0  }
0x1fb: {  	[sflag:s3] =	ssyncadd.s32 $0xFFFFC000  }
0x1fc: {  	[tilespmem:s4], [sflag:$0x1] =	stream.indirect.gather [hbm4b:s5+s8], $0x80, s31, s8, $0xb8;
	[tilespmem:$0x9000] =	vst v63  }
0x1fd: {  	_ =	swait.ge [sflag:s6], $0x4000  }
0x1fe: {  	[sflag:s6] =	ssyncset.done $0x0  }
0x1ff: {  	s25 =	rddreg [dreg:$0x6];
	[sflag:s6] =	ssyncadd.s32 $0xFFFFC000  }
0x200: {  	[hbm4b:s25+s2] =	stream.linear.scatter [tilespmem:s7], [sflag:$0x2], $0x4000, $0x38;
	[tilespmem:$0x9000] =	vst v63  }
0x201: {  	_ =	swait.ge [sflag:s3], $0x4000  }
0x202: {  	[sflag:s3] =	ssyncset.done $0x0  }
0x203: {  	[sflag:s3] =	ssyncadd.s32 $0xFFFFC000  }
0x204: {  	[tilespmem:s7], [sflag:$0x1] =	stream.indirect.gather [hbm4b:s5+s8], $0x80, s30, s8, $0xb8;
	[tilespmem:$0x9000] =	vst v63  }
0x205: {  	_ =	swait.ge [sflag:s6], $0x4000  }
0x206: {  	[sflag:s6] =	ssyncset.done $0x0  }
0x207: {  	s30 =	rddreg [dreg:$0x7];
	[sflag:s6] =	ssyncadd.s32 $0xFFFFC000  }
0x208: {  	[hbm4b:s30+s2] =	stream.linear.scatter [tilespmem:s4], [sflag:$0x2], $0x4000, $0x38;
	[tilespmem:$0x9000] =	vst v63  }
0x209: {  	_ =	swait.ge [sflag:s3], $0x4000  }
0x20a: {  	[sflag:s3] =	ssyncset.done $0x0  }
0x20b: {  	[sflag:s3] =	ssyncadd.s32 $0xFFFFC000  }
0x20c: {  	[tilespmem:s4], [sflag:$0x1] =	stream.indirect.gather [hbm4b:s5+s8], $0x80, s29, s8, $0xb8;
	[tilespmem:$0x9000] =	vst v63  }
0x20d: {  	_ =	swait.ge [sflag:s6], $0x4000  }
0x20e: {  	[sflag:s6] =	ssyncset.done $0x0  }
0x20f: {  	s31 =	rddreg [dreg:$0x8];
	[sflag:s6] =	ssyncadd.s32 $0xFFFFC000  }
0x210: {  	[hbm4b:s31+s2] =	stream.linear.scatter [tilespmem:s7], [sflag:$0x2], $0x4000, $0x38;
	[tilespmem:$0x9000] =	vst v63  }
0x211: {  	_ =	swait.ge [sflag:s3], $0x4000  }
0x212: {  	[sflag:s3] =	ssyncset.done $0x0  }
0x213: {  	[sflag:s3] =	ssyncadd.s32 $0xFFFFC000  }
0x214: {  	[tilespmem:s7], [sflag:$0x1] =	stream.indirect.gather [hbm4b:s5+s8], $0x80, s28, s8, $0xb8;
	[tilespmem:$0x9000] =	vst v63  }
0x215: {  	_ =	swait.ge [sflag:s6], $0x4000  }
0x216: {  	[sflag:s6] =	ssyncset.done $0x0  }
0x217: {  	s1 =	rddreg [dreg:$0x9];
	[sflag:s6] =	ssyncadd.s32 $0xFFFFC000  }
0x218: {  	[hbm4b:s1+s2] =	stream.linear.scatter [tilespmem:s4], [sflag:$0x2], $0x4000, $0x38;
	[tilespmem:$0x9000] =	vst v63  }
0x219: {  	_ =	swait.ge [sflag:s3], $0x4000  }
0x21a: {  	[sflag:s3] =	ssyncset.done $0x0  }
0x21b: {  	[sflag:s3] =	ssyncadd.s32 $0xFFFFC000  }
0x21c: {  	[tilespmem:s4], [sflag:$0x1] =	stream.indirect.gather [hbm4b:s5+s8], $0x80, s26, s8, $0xb8;
	[tilespmem:$0x9000] =	vst v63  }
0x21d: {  	_ =	swait.ge [sflag:s6], $0x4000  }
0x21e: {  	[sflag:s6] =	ssyncset.done $0x0  }
0x21f: {  	s25 =	rddreg [dreg:$0xa];
	[sflag:s6] =	ssyncadd.s32 $0xFFFFC000  }
0x220: {  	[hbm4b:s25+s2] =	stream.linear.scatter [tilespmem:s7], [sflag:$0x2], $0x4000, $0x38;
	[tilespmem:$0x9000] =	vst v63  }
0x221: {  	_ =	swait.ge [sflag:s3], $0x4000  }
0x222: {  	[sflag:s3] =	ssyncset.done $0x0  }
0x223: {  	[sflag:s3] =	ssyncadd.s32 $0xFFFFC000  }
0x224: {  	[tilespmem:s7], [sflag:$0x1] =	stream.indirect.gather [hbm4b:s5+s8], $0x80, s24, s8, $0xb8;
	[tilespmem:$0x9000] =	vst v63  }
0x225: {  	_ =	swait.ge [sflag:s6], $0x4000  }
0x226: {  	[sflag:s6] =	ssyncset.done $0x0  }
0x227: {  	s26 =	rddreg [dreg:$0xb];
	[sflag:s6] =	ssyncadd.s32 $0xFFFFC000  }
0x228: {  	[hbm4b:s26+s2] =	stream.linear.scatter [tilespmem:s4], [sflag:$0x2], $0x4000, $0x38;
	[tilespmem:$0x9000] =	vst v63  }
0x229: {  	_ =	swait.ge [sflag:s3], $0x4000  }
0x22a: {  	[sflag:s3] =	ssyncset.done $0x0  }
0x22b: {  	[sflag:s3] =	ssyncadd.s32 $0xFFFFC000  }
0x22c: {  	[tilespmem:s4], [sflag:$0x1] =	stream.indirect.gather [hbm4b:s5+s8], $0x80, s23, s8, $0xb8;
	[tilespmem:$0x9000] =	vst v63  }
0x22d: {  	_ =	swait.ge [sflag:s6], $0x4000  }
0x22e: {  	[sflag:s6] =	ssyncset.done $0x0  }
0x22f: {  	s28 =	rddreg [dreg:$0xc];
	[sflag:s6] =	ssyncadd.s32 $0xFFFFC000  }
0x230: {  	[hbm4b:s28+s2] =	stream.linear.scatter [tilespmem:s7], [sflag:$0x2], $0x4000, $0x38;
	[tilespmem:$0x9000] =	vst v63  }
0x231: {  	_ =	swait.ge [sflag:s3], $0x4000  }
0x232: {  	[sflag:s3] =	ssyncset.done $0x0  }
0x233: {  	[sflag:s3] =	ssyncadd.s32 $0xFFFFC000  }
0x234: {  	[tilespmem:s7], [sflag:$0x1] =	stream.indirect.gather [hbm4b:s5+s8], $0x80, s22, s8, $0xb8;
	[tilespmem:$0x9000] =	vst v63  }
0x235: {  	_ =	swait.ge [sflag:s6], $0x4000  }
0x236: {  	[sflag:s6] =	ssyncset.done $0x0  }
0x237: {  	s29 =	rddreg [dreg:$0xd];
	[sflag:s6] =	ssyncadd.s32 $0xFFFFC000  }
0x238: {  	[hbm4b:s29+s2] =	stream.linear.scatter [tilespmem:s4], [sflag:$0x2], $0x4000, $0x38;
	[tilespmem:$0x9000] =	vst v63  }
0x239: {  	_ =	swait.ge [sflag:s3], $0x4000  }
0x23a: {  	[sflag:s3] =	ssyncset.done $0x0  }
0x23b: {  	[sflag:s3] =	ssyncadd.s32 $0xFFFFC000  }
0x23c: {  	[tilespmem:s4], [sflag:$0x1] =	stream.indirect.gather [hbm4b:s5+s8], $0x80, s21, s8, $0xb8;
	[tilespmem:$0x9000] =	vst v63  }
0x23d: {  	_ =	swait.ge [sflag:s6], $0x4000  }
0x23e: {  	[sflag:s6] =	ssyncset.done $0x0  }
0x23f: {  	s30 =	rddreg [dreg:$0xe];
	[sflag:s6] =	ssyncadd.s32 $0xFFFFC000  }
0x240: {  	[hbm4b:s30+s2] =	stream.linear.scatter [tilespmem:s7], [sflag:$0x2], $0x4000, $0x38;
	[tilespmem:$0x9000] =	vst v63  }
0x241: {  	_ =	swait.ge [sflag:s3], $0x4000  }
0x242: {  	[sflag:s3] =	ssyncset.done $0x0  }
0x243: {  	[sflag:s3] =	ssyncadd.s32 $0xFFFFC000  }
0x244: {  	[tilespmem:s7], [sflag:$0x1] =	stream.indirect.gather [hbm4b:s5+s8], $0x80, s20, s8, $0xb8;
	[tilespmem:$0x9000] =	vst v63  }
0x245: {  	_ =	swait.ge [sflag:s6], $0x4000  }
0x246: {  	[sflag:s6] =	ssyncset.done $0x0  }
0x247: {  	s31 =	rddreg [dreg:$0xf];
	[sflag:s6] =	ssyncadd.s32 $0xFFFFC000  }
0x248: {  	[hbm4b:s31+s2] =	stream.linear.scatter [tilespmem:s4], [sflag:$0x2], $0x4000, $0x38;
	[tilespmem:$0x9000] =	vst v63  }
0x249: {  	_ =	swait.ge [sflag:s3], $0x4000  }
0x24a: {  	[sflag:s3] =	ssyncset.done $0x0  }
0x24b: {  	[sflag:s3] =	ssyncadd.s32 $0xFFFFC000  }
0x24c: {  	[tilespmem:s4], [sflag:$0x1] =	stream.indirect.gather [hbm4b:s5+s8], $0x80, s19, s8, $0xb8;
	[tilespmem:$0x9000] =	vst v63  }
0x24d: {  	_ =	swait.ge [sflag:s6], $0x4000  }
0x24e: {  	[sflag:s6] =	ssyncset.done $0x0  }
0x24f: {  	s1 =	rddreg [dreg:$0x10];
	[sflag:s6] =	ssyncadd.s32 $0xFFFFC000  }
0x250: {  	[hbm4b:s1+s2] =	stream.linear.scatter [tilespmem:s7], [sflag:$0x2], $0x4000, $0x38;
	[tilespmem:$0x9000] =	vst v63  }
0x251: {  	_ =	swait.ge [sflag:s3], $0x4000  }
0x252: {  	[sflag:s3] =	ssyncset.done $0x0  }
0x253: {  	[sflag:s3] =	ssyncadd.s32 $0xFFFFC000  }
0x254: {  	[tilespmem:s7], [sflag:$0x1] =	stream.indirect.gather [hbm4b:s5+s8], $0x80, s18, s8, $0xb8;
	[tilespmem:$0x9000] =	vst v63  }
0x255: {  	_ =	swait.ge [sflag:s6], $0x4000  }
0x256: {  	[sflag:s6] =	ssyncset.done $0x0  }
0x257: {  	s19 =	rddreg [dreg:$0x11];
	[sflag:s6] =	ssyncadd.s32 $0xFFFFC000  }
0x258: {  	[hbm4b:s19+s2] =	stream.linear.scatter [tilespmem:s4], [sflag:$0x2], $0x4000, $0x38;
	[tilespmem:$0x9000] =	vst v63  }
0x259: {  	_ =	swait.ge [sflag:s3], $0x4000  }
0x25a: {  	[sflag:s3] =	ssyncset.done $0x0  }
0x25b: {  	[sflag:s3] =	ssyncadd.s32 $0xFFFFC000  }
0x25c: {  	[tilespmem:s4], [sflag:$0x1] =	stream.indirect.gather [hbm4b:s5+s8], $0x80, s17, s8, $0xb8;
	[tilespmem:$0x9000] =	vst v63  }
0x25d: {  	_ =	swait.ge [sflag:s6], $0x4000  }
0x25e: {  	[sflag:s6] =	ssyncset.done $0x0  }
0x25f: {  	s20 =	rddreg [dreg:$0x12];
	[sflag:s6] =	ssyncadd.s32 $0xFFFFC000  }
0x260: {  	[hbm4b:s20+s2] =	stream.linear.scatter [tilespmem:s7], [sflag:$0x2], $0x4000, $0x38;
	[tilespmem:$0x9000] =	vst v63  }
0x261: {  	_ =	swait.ge [sflag:s3], $0x4000  }
0x262: {  	[sflag:s3] =	ssyncset.done $0x0  }
0x263: {  	[sflag:s3] =	ssyncadd.s32 $0xFFFFC000  }
0x264: {  	[tilespmem:s7], [sflag:$0x1] =	stream.indirect.gather [hbm4b:s5+s8], $0x80, s16, s8, $0xb8;
	[tilespmem:$0x9000] =	vst v63  }
0x265: {  	_ =	swait.ge [sflag:s6], $0x4000  }
0x266: {  	[sflag:s6] =	ssyncset.done $0x0  }
0x267: {  	s21 =	rddreg [dreg:$0x13];
	[sflag:s6] =	ssyncadd.s32 $0xFFFFC000  }
0x268: {  	[hbm4b:s21+s2] =	stream.linear.scatter [tilespmem:s4], [sflag:$0x2], $0x4000, $0x38;
	[tilespmem:$0x9000] =	vst v63  }
0x269: {  	_ =	swait.ge [sflag:s3], $0x4000  }
0x26a: {  	[sflag:s3] =	ssyncset.done $0x0  }
0x26b: {  	[sflag:s3] =	ssyncadd.s32 $0xFFFFC000  }
0x26c: {  	[tilespmem:s4], [sflag:$0x1] =	stream.indirect.gather [hbm4b:s5+s8], $0x80, s15, s8, $0xb8;
	[tilespmem:$0x9000] =	vst v63  }
0x26d: {  	_ =	swait.ge [sflag:s6], $0x4000  }
0x26e: {  	[sflag:s6] =	ssyncset.done $0x0  }
0x26f: {  	s22 =	rddreg [dreg:$0x14];
	[sflag:s6] =	ssyncadd.s32 $0xFFFFC000  }
0x270: {  	[hbm4b:s22+s2] =	stream.linear.scatter [tilespmem:s7], [sflag:$0x2], $0x4000, $0x38;
	[tilespmem:$0x9000] =	vst v63  }
0x271: {  	_ =	swait.ge [sflag:s3], $0x4000  }
0x272: {  	[sflag:s3] =	ssyncset.done $0x0  }
0x273: {  	[sflag:s3] =	ssyncadd.s32 $0xFFFFC000  }
0x274: {  	[tilespmem:s7], [sflag:$0x1] =	stream.indirect.gather [hbm4b:s5+s8], $0x80, s14, s8, $0xb8;
	[tilespmem:$0x9000] =	vst v63  }
0x275: {  	_ =	swait.ge [sflag:s6], $0x4000  }
0x276: {  	[sflag:s6] =	ssyncset.done $0x0  }
0x277: {  	s23 =	rddreg [dreg:$0x15];
	[sflag:s6] =	ssyncadd.s32 $0xFFFFC000  }
0x278: {  	[hbm4b:s23+s2] =	stream.linear.scatter [tilespmem:s4], [sflag:$0x2], $0x4000, $0x38;
	[tilespmem:$0x9000] =	vst v63  }
0x279: {  	_ =	swait.ge [sflag:s3], $0x4000  }
0x27a: {  	[sflag:s3] =	ssyncset.done $0x0  }
0x27b: {  	[sflag:s3] =	ssyncadd.s32 $0xFFFFC000  }
0x27c: {  	[tilespmem:s4], [sflag:$0x1] =	stream.indirect.gather [hbm4b:s5+s8], $0x80, s13, s8, $0xb8;
	[tilespmem:$0x9000] =	vst v63  }
0x27d: {  	_ =	swait.ge [sflag:s6], $0x4000  }
0x27e: {  	[sflag:s6] =	ssyncset.done $0x0  }
0x27f: {  	s24 =	rddreg [dreg:$0x16];
	[sflag:s6] =	ssyncadd.s32 $0xFFFFC000  }
0x280: {  	[hbm4b:s24+s2] =	stream.linear.scatter [tilespmem:s7], [sflag:$0x2], $0x4000, $0x38;
	[tilespmem:$0x9000] =	vst v63  }
0x281: {  	_ =	swait.ge [sflag:s3], $0x4000  }
0x282: {  	[sflag:s3] =	ssyncset.done $0x0  }
0x283: {  	[sflag:s3] =	ssyncadd.s32 $0xFFFFC000  }
0x284: {  	[tilespmem:s7], [sflag:$0x1] =	stream.indirect.gather [hbm4b:s5+s8], $0x80, s12, s8, $0xb8;
	[tilespmem:$0x9000] =	vst v63  }
0x285: {  	_ =	swait.ge [sflag:s6], $0x4000  }
0x286: {  	[sflag:s6] =	ssyncset.done $0x0  }
0x287: {  	s25 =	rddreg [dreg:$0x17];
	[sflag:s6] =	ssyncadd.s32 $0xFFFFC000  }
0x288: {  	[hbm4b:s25+s2] =	stream.linear.scatter [tilespmem:s4], [sflag:$0x2], $0x4000, $0x38;
	[tilespmem:$0x9000] =	vst v63  }
0x289: {  	_ =	swait.ge [sflag:s3], $0x4000  }
0x28a: {  	[sflag:s3] =	ssyncset.done $0x0  }
0x28b: {  	[sflag:s3] =	ssyncadd.s32 $0xFFFFC000  }
0x28c: {  	[tilespmem:s4], [sflag:$0x1] =	stream.indirect.gather [hbm4b:s5+s8], $0x80, s11, s8, $0xb8;
	[tilespmem:$0x9000] =	vst v63  }
0x28d: {  	_ =	swait.ge [sflag:s6], $0x4000  }
0x28e: {  	[sflag:s6] =	ssyncset.done $0x0  }
0x28f: {  	s26 =	rddreg [dreg:$0x18];
	[sflag:s6] =	ssyncadd.s32 $0xFFFFC000  }
0x290: {  	[hbm4b:s26+s2] =	stream.linear.scatter [tilespmem:s7], [sflag:$0x2], $0x4000, $0x38;
	[tilespmem:$0x9000] =	vst v63  }
0x291: {  	_ =	swait.ge [sflag:s3], $0x4000  }
0x292: {  	[sflag:s3] =	ssyncset.done $0x0  }
0x293: {  	[sflag:s3] =	ssyncadd.s32 $0xFFFFC000  }
0x294: {  	[tilespmem:s7], [sflag:$0x1] =	stream.indirect.gather [hbm4b:s5+s8], $0x80, s10, s8, $0xb8;
	[tilespmem:$0x9000] =	vst v63  }
0x295: {  	_ =	swait.ge [sflag:s6], $0x4000  }
0x296: {  	[sflag:s6] =	ssyncset.done $0x0  }
0x297: {  	s28 =	rddreg [dreg:$0x19];
	[sflag:s6] =	ssyncadd.s32 $0xFFFFC000  }
0x298: {  	[hbm4b:s28+s2] =	stream.linear.scatter [tilespmem:s4], [sflag:$0x2], $0x4000, $0x38;
	[tilespmem:$0x9000] =	vst v63  }
0x299: {  	_ =	swait.ge [sflag:s3], $0x4000  }
0x29a: {  	[sflag:s3] =	ssyncset.done $0x0  }
0x29b: {  	[sflag:s3] =	ssyncadd.s32 $0xFFFFC000  }
0x29c: {  	[tilespmem:s4], [sflag:$0x1] =	stream.indirect.gather [hbm4b:s5+s8], $0x80, s9, s8, $0xb8;
	[tilespmem:$0x9000] =	vst v63  }
0x29d: {  	_ =	swait.ge [sflag:s6], $0x4000  }
0x29e: {  	[sflag:s6] =	ssyncset.done $0x0  }
0x29f: {  	s29 =	rddreg [dreg:$0x1a];
	[sflag:s6] =	ssyncadd.s32 $0xFFFFC000  }
0x2a0: {  	[hbm4b:s29+s2] =	stream.linear.scatter [tilespmem:s7], [sflag:$0x2], $0x4000, $0x38;
	[tilespmem:$0x9000] =	vst v63  }
0x2a1: {  	_ =	swait.ge [sflag:s3], $0x4000  }
0x2a2: {  	[sflag:s3] =	ssyncset.done $0x0  }
0x2a3: {  	[sflag:s3] =	ssyncadd.s32 $0xFFFFC000  }
0x2a4: {  	_ =	swait.ge [sflag:s6], $0x4000  }
0x2a5: {  	[sflag:s6] =	ssyncset.done $0x0  }
0x2a6: {  	s30 =	rddreg [dreg:$0x1b];
	[sflag:s6] =	ssyncadd.s32 $0xFFFFC000  }
0x2a7: {  	[hbm4b:s30+s2] =	stream.linear.scatter [tilespmem:s4], [sflag:$0x2], $0x4000, $0x38;
	[tilespmem:$0x9000] =	vst v63  }
0x2a8: {  	_ =	swait.ge [sflag:s3], $0x4000  }
0x2a9: {  	[sflag:s3] =	ssyncset.done $0x0  }
0x2aa: {  	[sflag:s3] =	ssyncadd.s32 $0xFFFFC000  }
0x2ab: {  	_ =	sfence.sel $0x180000  }
0x2ac: {  	[bflag:$0x0] =	sbarrier.arrive $0xFFFF  }
0x2ad: {  	_ =	strace $0x9000004A  }
0x2ae: {  	s31 =	stileid.u32;
	[bflag:$0x2] =	sbarrier.arrive $0xFFFF  }
0x2af: {  	p0 =	sne.s32 s31, $0x0;
	s0 =	rddreg [dreg:$0x1]  }
0x2b0: {  	s0 =	sadd.s32 @!p0 $0x100000, s0  }
0x2b1: {  	[sflag:s0] =	ssyncadd.tile.s32 @!p0 $0x1;
	_ =	shalt  }
.Lfunc_end2:
_tile_overlayer_lowered:
.L_overlay_start_2:
0x2b2: {  	(tag) =	ssettag $0x2  }
0x2b3: {  	s0 =	rddreg [dreg:$0x0];
	s2 =	stileid.u32  }
0x2b4: {  	s1 =	rddreg [dreg:$0x1];
	p0 =	sne.s32 s2, $0x0  }
0x2b5: {  	s3 =	rddreg [dreg:$0x2];
	[bflag:$0x3] =	sbarrier.arrive $0xFFFF;
	s2 =	simm.s32 @!p0 $0x1C02  }
0x2b6: {  	[timem:s3], [sflag:s2] =	dma.local @!p0 [hbm:s0], s1  }
0x2b7: {  	s0 =	simm.s32 @!p0 $0x2  }
0x2b8: {  	_ =	swait.ge @!p0 [sflag:s0], s1  }
0x2b9: {  	s1 =	ssub.s32 @!p0 $0x0, s1;
	[sflag:s0] =	ssyncset.done @!p0 $0x0  }
0x2ba: {  	[sflag:s0] =	ssyncadd.s32 @!p0 s1  }
0x2bb: {  	[bflag:$0x3] =	sbarrier.arrive $0xFFFF  }
0x2bc: {  	_ =	shalt  }

// kernel: sparse-core-data-format-call.cloned.1.call-start
scs
called_computation_lowered:
.L_overlay_start_0:
0x0: {  	s2 =	sld [smem:$0x3FD9]  }
0x1: {  	s3 =	sld [smem:$0x3FFE];
	_ =	sdelay $0x1  }
0x2: {  	s1 =	srdreg.scid  }
0x3: {  	s0 =	sand.u32 $0x1, s1  }
0x4: {  	s18 =	sshll.u32 s0, $0xA;
	s2 =	sadd.s32 s3, s2  }
0x5: {  	s2 =	sadd.s32 s2, s18  }
0x6: {  	[smem:$0x3FB7] =	sst s2  }
0x7: {  	_ = 	snop  }
0x8: {  	s2 =	sld [smem:$0x3FC7];
	(tm) =	ssettm $0x1  }
0x9: {  	s19 =	sld [smem:$0x3FFB];
	_ =	sdelay $0x3  }
0xa: {  	_ =	strace s19  }
0xb: {  	s3 =	sld [smem:$0x3FFC];
	_ =	sdelay $0x3  }
0xc: {  	_ =	strace s3  }
0xd: {  	s3 =	sld [smem:$0x3FFD];
	_ =	sdelay $0x3  }
0xe: {  	_ =	strace s3  }
0xf: {  	_ =	strace $0x8FFFFFFF  }
0x10: {  	s20 =	sld [smem:$0x3FDB];
	_ =	sdelay $0x1  }
0x11: {  	s4 =	simm.s32 $_scs_section_size  }
0x12: {  	s5 =	simm.s32 $_size__tile_overlayer_lowered;
	s6 =	simm.s32 $_tile_overlayer_lowered  }
0x13: {  	s23 =	simm.s32 $0x1BFF;
	s22 =	sshll.u32 s6, $0x1;
	s3 =	sadd.s32 s4, s20  }
0x14: {  	s7 =	simm.s32 $0x0;
	s21 =	sshll.u32 s5, $0x1;
	s5 =	sadd.s32 s22, s3  }
0x15: {  	[timem:s7], [sflag:s23] =	dma.local [hbm:s5], s21  }
0x16: {  	_ =	swait.ge [sflag:s23], s21  }
0x17: {  	s4 =	ssub.s32 $0x0, s21;
	[sflag:s23] =	ssyncset.done $0x0  }
0x18: {  	[sflag:s23] =	ssyncadd.s32 s4;
	_ =	sdelay $0x1  }
0x19: {  	s24 =	simm.s32 $0x1B8B  }
0x1a: {  	_ =	swait.ge [sflag:s24], $0x1  }
0x1b: {  	[sflag:s24] =	ssyncset.done $0x0  }
0x1c: {  	s26 =	simm.s32 $0x1B8E;
	s25 =	sld [smem:$0x3FFE];
	[sflag:s24] =	ssyncadd.s32 $0xFFFFFFFF  }
0x1d: {  	s27 =	simm.s32 $execute0_lowered;
	[smem:$0x3FD2] =	sst s26  }
0x1e: {  	s5 =	sshll.u32 s27, $0x1;
	_ =	strace $0x80000046;
	[dreg:$0x1] =	wrdreg $0xFFFFFFFF  }
0x1f: {  	s28 =	simm.s32 $_size_execute0_lowered;
	s3 =	sadd.s32 s3, s5;
	[dreg:$0x0] =	wrdreg $0x0  }
0x20: {  	s5 =	sshll.u32 s28, $0x1;
	[dreg:$0x2] =	wrdreg s3  }
0x21: {  	[dreg:$0x3] =	wrdreg s5  }
0x22: {  	[dreg:$0x4] =	wrdreg $0xC0  }
0x23: {  	_ =	task [dreg:s7], $0x5FFFF  }
0x24: {  	[dreg:$0x1] =	wrdreg $0xFFFFFFFF  }
0x25: {  	[dreg:$0x0] =	wrdreg $0x60  }
0x26: {  	[dreg:$0x2] =	wrdreg s2  }
0x27: {  	[dreg:$0x3] =	wrdreg s25  }
0x28: {  	[dreg:$0x4] =	wrdreg $0x9  }
0x29: {  	_ =	task.clear_ibuf [dreg:s7], $0x5FFFF;
	_ =	strace $0x90000046  }
0x2a: {  	s29 =	simm.s32 $0x9;
	_ =	strace $0x80000048  }
0x2b: {  	_ =	swait.ge [sflag:s29], $0x1  }
0x2c: {  	[sflag:s29] =	ssyncadd.s32 $0xFFFFFFFF  }
0x2d: {  	_ =	strace $0x90000048  }
0x2e: {  	_ =	sfence  }
0x2f: {  	s30 =	sld [smem:$0x0];
	_ =	sdelay $0x2  }
0x30: {  	s31 =	sshll.u32 s1, $0xD;
	s1 =	sshrl.u32 s1, $0x2  }
0x31: {  	s3 =	sand.u32 $0x4000, s31;
	s1 =	sadd.s32 s1, s30  }
0x32: {  	s0 =	sor.u32 s3, s0;
	s1 =	sshll.u32 s1, $0x11  }
0x33: {  	s0 =	sor.u32 s1, s0  }
0x34: {  	s0 =	sadd.s32 $0x8F2B, s0  }
0x35: {  	[sflag:s0] =	ssyncadd.remote.s32 $0x1  }
0x36: {  	_ =	sfence.sel $0xFFFF  }
0x37: {  	[dreg:$0x0] =	wrdreg $0xFFFFFFFF;
	(pc) =	sbr.abs _section_cstart, $3  }
0x38: {  	[dreg:$0x1] =	wrdreg $0xFFFFFFFF  }
0x39: {  	_ =	task.clear_ibuf [dreg:s7], $0x2FFFF;
	_ =	strace $0x9FFFFFFF  }
0x3a: {  	(tm) =	ssettm $0x7FFFFFFF  }
0x3b: {  	_ =	shalt  }
tec
execute0_lowered:
.L_overlay_start_1:
0x0: {  	(tag) =	ssettag $0x1  }
0x1: {  	s2 =	rddreg [dreg:$0x0]  }
0x2: {  	s0 =	srdreg.scid;
	s5 =	rddreg [dreg:$0x1]  }
0x3: {  	s31 =	simm.s32 $0x2;
	s16 =	simm.s32 $0x0;
	p0 =	por $0x0, $0x0  }
0x4: {  	s8 =	simm.s32 $0x80;
	s17 =	simm.s32 $0x0;
	s1 =	sshll.u32 s0, $0x4  }
0x5: {  	s18 =	simm.s32 $0x0;
	s0 =	stileid.u32;
	s1 =	sand.u32 $0x10, s1  }
0x6: {  	s9 =	simm.s32 $0x0;
	s10 =	simm.s32 $0x0;
	s1 =	sor.u32 s0, s1  }
0x7: {  	s11 =	simm.s32 $0x0;
	s13 =	simm.s32 $0x0;
	s3 =	sshll.u32 s1, $0x8  }
.Ltmp0:
0x8: {  	s14 =	simm.s32 $0x0;
	s4 =	ssub.s32 $0x18600, s3;
	(pc) =	sbr.rel .LBB1_1-.Ltmp0, $4  }
0x9: {  	s15 =	simm.s32 $0x0;
	s1 =	rddreg [dreg:$0x2];
	s6 =	sshrl.u32 s4, $0xD  }
0xa: {  	_ =	strace $0x80000047;
	s4 =	simm.s32 $0x1;
	s7 =	smul.u32 $0x1A, s6  }
0xb: {  	s5 =	sadd.s32 $0x2200, s5;
	s12 =	smov.u32 s3;
	[sflag:s4] =	ssyncpa.u1 $0x0  }
0xc: {  	[sflag:s31] =	ssyncpa.u1 $0x0;
	s6 =	sadd.s32 $0x1A, s7;
	s7 =	sadd.s32 $0x1B, s7  }
.LBB1_5:
0xd: {  	p1 =	slt.u32 s15, $0x2  }
0xe: {  	s19 =	smov.u32 s18;
	p2 =	sgt.s32 @!p1 s18, $0x19  }
0xf: {  	s20 =	sshra.s32 @!p1 s18, $0x1F;
	p3 =	sgt.s32 @!p1 s16, $0x185A8;
	p4 =	sgt.s32 @!p1 s17, $0x60  }
0x10: {  	s21 =	sshra.s32 @!p1 s17, $0x1F;
	p2 =	por !p2, p1;
	s18 =	sand.u32 @!p1 s20, s18  }
0x11: {  	p4 =	por !p4, p1;
	s20 =	smov.u32 s17;
	s19 =	simm.s32 @p2 $0x19  }
0x12: {  	s17 =	sand.u32 @!p1 s21, s17;
	s20 =	simm.s32 @p4 $0x60;
	s18 =	ssub.s32 @!p1 s19, s18  }
0x13: {  	p3 =	por !p3, p1;
	s17 =	ssub.s32 @!p1 s20, s17;
	s19 =	sadd.s32 @!p1 $0xFFFFFFE7, s18  }
0x14: {  	s20 =	sshra.s32 @!p1 s16, $0x1F;
	s18 =	ssub.s32 @!p1 $0x1A, s18;
	p2 =	sgt.s32 @!p1 s19, $0x0  }
0x15: {  	s19 =	smov.u32 s16;
	s16 =	sand.u32 @!p1 s20, s16;
	s20 =	sadd.s32 @!p1 $0xFFFFFFA0, s17  }
0x16: {  	s17 =	ssub.s32 @!p1 $0x80, s17;
	s19 =	simm.s32 @p3 $0x185A8;
	p2 =	por !p2, p1  }
0x17: {  	s18 =	simm.s32 @!p2 $0x0;
	s16 =	ssub.s32 @!p1 s19, s16;
	p2 =	sgt.s32 @!p1 s20, $0x1F  }
0x18: {  	s20 =	smov.u32 s13;
	s19 =	sadd.s32 @!p1 $0xFFFE7A58, s16;
	p2 =	por !p2, p1  }
0x19: {  	s16 =	ssub.s32 @!p1 $0x186A8, s16;
	s17 =	simm.s32 @!p2 $0x0;
	p2 =	sgt.s32 @!p1 s19, $0xFF  }
0x1a: {  	s19 =	sadd.s32 $0x2000, s12;
	p2 =	por !p2, p1;
	s17 =	smul.u32 @!p1 s18, s17  }
0x1b: {  	s18 =	sadd.s32 $0x20, s13;
	s16 =	simm.s32 @!p2 $0x0;
	p2 =	sgt.s32 s19, $0x186A0  }
0x1c: {  	s16 =	smul.u32 @!p1 s16, s17;
	s20 =	smov.u32 @p2 s18  }
0x1d: {  	s19 =	smov.u32 @p2 s3;
	s17 =	simm.s32 $0x1;
	p2 =	sgt.s32 s20, $0x1F  }
0x1e: {  	s17 =	simm.s32 @!p2 $0x0  }
0x1f: {  	p0 =	por !p0, !p0;
	s23 =	sadd.s32 s17, s14  }
0x20: {  	s21 =	simm.s32 @!p1 $0x2;
	s20 =	simm.s32 @p2 $0x0;
	p2 =	sgt.s32 s23, $0x19  }
0x21: {  	s18 =	smov.u32 s11;
	s23 =	simm.s32 @p2 $0x0;
	p2 =	sne.s32 s15, s7  }
.Ltmp1:
0x22: {  	s11 =	smov.u32 s14;
	s16 =	sand.u32 @!p1 $0x3FFFFFFF, s16;
	(pc) =	sbr.rel @!p2 .LBB1_6-.Ltmp1, $4  }
0x23: {  	_ =	swait.ge @!p1 [sflag:s21], s16;
	s22 =	ssub.s32 @!p1 $0x0, s16;
	s16 =	smov.u32 s9  }
0x24: {  	s17 =	smov.u32 s10;
	s9 =	smov.u32 s12;
	s10 =	smov.u32 s13  }
0x25: {  	s12 =	smov.u32 s19;
	s13 =	smov.u32 s20;
	[sflag:s21] =	ssyncset.done @!p1 $0x0  }
0x26: {  	s15 =	sadd.s32 $0x1, s15;
	[sflag:s21] =	ssyncadd.s32 @!p1 s22;
	s14 =	smov.u32 s23  }
.LBB1_1:
0x27: {  	p1 =	sge.u32 s15, s6  }
0x28: {  	s19 =	sshrl.u32 @!p1 s13, $0x3  }
0x29: {  	s20 =	sshll.u32 @!p1 s12, $0x3;
	s19 =	smul.u32 @!p1 $0xC3800, s19  }
0x2a: {  	s21 =	sshll.u32 @!p1 s13, $0x7;
	s20 =	sand.u32 @!p1 $0xFFFFFC00, s20  }
0x2b: {  	s19 =	sadd.s32 @!p1 s19, s20;
	s20 =	sand.u32 @!p1 $0x380, s21  }
0x2c: {  	s21 =	sand.u32 @!p1 $0x7F, s12;
	s19 =	sor.u32 @!p1 s20, s19  }
0x2d: {  	s20 =	sor.u32 @!p1 s21, s19  }
0x2e: {  	s21 =	smulhi.u32 @!p1 $0xA79C7B17, s20  }
0x2f: {  	s19 =	smulhi.u32 @!p1 $0xA79C7B17, s19  }
0x30: {  	s21 =	sshrl.u32 @!p1 s21, $0x10  }
0x31: {  	s19 =	sshrl.u32 @!p1 s19, $0x10;
	s21 =	smul.u32 @!p1 $0x18700, s21  }
0x32: {  	s22 =	sxor.u32 @!p1 $0xFFFFFFFF, s15;
	s23 =	smul.u32 @!p1 $0x61C00, s14;
	s19 =	sand.u32 @!p1 $0x1F, s19  }
0x33: {  	s22 =	sshll.u32 @!p1 s22, $0xD;
	s19 =	smul.u32 @!p1 $0x30E0, s19;
	s20 =	ssub.s32 @!p1 s20, s21  }
0x34: {  	s21 =	sand.u32 @!p1 $0x2000, s22;
	s22 =	sadd.s32 @!p1 s2, s23;
	s23 =	sand.u32 @!p1 $0x7, s20  }
0x35: {  	s20 =	sshrl.u32 @!p1 s20, $0x3;
	s19 =	sadd.s32 @!p1 s19, s22;
	s22 =	sshll.u32 @!p1 s23, $0x12  }
0x36: {  	s19 =	sadd.s32 @!p1 s20, s19;
	s20 =	sor.u32 @!p1 $0x800, s22;
	s22 =	simm.s32 @!p1 $0xC3800  }
0x37: {  	[tilespmem:s21], [sflag:$0x1] =	stream.strided.gather @!p1 [hbm4b:s19+s20], $0x2000, s22, s20, $0x38;
	[tilespmem:$0x8200] =	vst v63  }
0x38: {  	p1 =	seq.s32 s15, $0x0  }
0x39: {  	p2 =	sge.u32 @!p1 s15, s7  }
0x3a: {  	p1 =	por p1, p2  }
.Ltmp2:
0x3b: {  	_ = 	snop;
	(pc) =	sbr.rel @p1 .LBB1_5-.Ltmp2, $1  }
0x3c: {  	_ =	sdelay $0x3  }
0x3d: {  	s21 =	simm.s32 $0x0  }
0x3e: {  	s22 =	sand.u32 $0x1800, s21;
	s23 =	sand.u32 $0x380, s21  }
0x3f: {  	s19 =	sand.u32 $0x1, s15;
	s23 =	sor.u32 s23, s22  }
0x40: {  	_ =	swait.ge [sflag:s4], $0x2000;
	s20 =	sshll.u32 s19, $0xD;
	s22 =	sand.u32 $0x1B00, s23  }
0x41: {  	[sflag:s4] =	ssyncset.done $0x0;
	s21 =	sand.u32 $0x80, s21;
	s22 =	sadd.s32 s22, s20  }
0x42: {  	[sflag:s4] =	ssyncadd.s32 $0xFFFFE000;
	s25 =	sadd.s32 s21, s22  }
0x43: {  	v4 =	vld [tilespmem:s25+$0x400]  }
0x44: {  	s24 =	simm.s32 $0x1;
	v5 =	vld [tilespmem:s25+$0x0]  }
0x45: {  	s24 =	simm.s32 @!p0 $0x0;
	v6 =	vld [tilespmem:s25+$0x10]  }
0x46: {  	v0 =	vmov s20;
	s31 =	smul.u32 $0x8400, s24;
	v7 =	vld [tilespmem:s25+$0x20]  }
0x47: {  	v9 =	vld [tilespmem:s25+$0x30]  }
0x48: {  	s21 =	sshrl.u32 s31, $0x2;
	v10 =	vld [tilespmem:s25+$0x40]  }
0x49: {  	s21 =	sor.u32 $0x4000, s21;
	v11 =	vld [tilespmem:s25+$0x50]  }
0x4a: {  	v8 =	vld [tilespmem:s25+$0x60];
	s22 =	sadd.s32 $0x0, s21  }
0x4b: {  	v1 =	vld.idx.msk [tilespmem:v0+s23+$0x410 ss:$0x1], $0xffff;
	[tilespmem:s22+$0x1080 ss:$0x21] =	vst.msk $0xffff, v4  }
0x4c: {  	v2 =	vld.idx.msk [tilespmem:v0+s23+$0x420 ss:$0x1], $0xffff;
	[tilespmem:s22+$0x0 ss:$0x21] =	vst.msk $0xffff, v5  }
0x4d: {  	v3 =	vld.idx.msk [tilespmem:v0+s23+$0x430 ss:$0x1], $0xffff;
	[tilespmem:s22+$0x210 ss:$0x21] =	vst.msk $0xffff, v6  }
0x4e: {  	s19 =	smul.u32 $0x8400, s19;
	[tilespmem:s22+$0x420 ss:$0x21] =	vst.msk $0xffff, v7;
	v7 =	vld [tilespmem:s25+$0x70]  }
0x4f: {  	s26 =	simm.s32 $0x80;
	s27 =	simm.s32 $0x8;
	[tilespmem:s22+$0x630 ss:$0x21] =	vst.msk $0xffff, v9;
	v4 =	vld.idx.msk [tilespmem:v0+s23+$0x440 ss:$0x1], $0xffff  }
0x50: {  	s29 =	sand.u32 $0x380, s26;
	s19 =	sshrl.u32 s19, $0x2;
	[tilespmem:s22+$0x840 ss:$0x21] =	vst.msk $0xffff, v10;
	v5 =	vld.idx.msk [tilespmem:v0+s23+$0x450 ss:$0x1], $0xffff;
	s25 =	simm.s32 $0x100  }
0x51: {  	s24 =	simm.s32 $0x4;
	s19 =	sor.u32 $0x4000, s19;
	[tilespmem:s22+$0xA50 ss:$0x21] =	vst.msk $0xffff, v11;
	v6 =	vld.idx.msk [tilespmem:v0+s23+$0x460 ss:$0x1], $0xffff;
	s28 =	sand.u32 $0x1800, s25  }
.LBB1_3:
0x52: {  	p1 =	sne.s32 s27, $0x7C;
	[tilespmem:s22+$0xC60 ss:$0x21] =	vst.msk $0xffff, v8;
	v8 =	vld.idx.msk [tilespmem:v0+s23+$0x470 ss:$0x1], $0xffff;
	s23 =	sor.u32 s29, s28  }
0x53: {  	s28 =	sand.u32 $0x1B00, s23;
	v9 =	vld.idx.msk [tilespmem:v0+s23+$0x410 ss:$0x1], $0xffff;
	[tilespmem:s22+$0xE70 ss:$0x21] =	vst.msk $0xffff, v7  }
0x54: {  	s29 =	sand.u32 $0x80, s26;
	s28 =	sadd.s32 s28, s20;
	v7 =	vld.idx.msk [tilespmem:v0+s23+$0x420 ss:$0x1], $0xffff;
	[tilespmem:s22+$0x1290 ss:$0x21] =	vst.msk $0xffff, v1  }
0x55: {  	s28 =	sadd.s32 s29, s28;
	v10 =	vld.idx.msk [tilespmem:v0+s23+$0x430 ss:$0x1], $0xffff;
	[tilespmem:s22+$0x14A0 ss:$0x21] =	vst.msk $0xffff, v2  }
0x56: {  	v11 =	vld [tilespmem:s28+$0x400];
	[tilespmem:s22+$0x16B0 ss:$0x21] =	vst.msk $0xffff, v3  }
0x57: {  	v12 =	vld [tilespmem:s28+$0x0];
	[tilespmem:s22+$0x18C0 ss:$0x21] =	vst.msk $0xffff, v4  }
0x58: {  	v4 =	vld [tilespmem:s28+$0x10];
	[tilespmem:s22+$0x1AD0 ss:$0x21] =	vst.msk $0xffff, v5  }
0x59: {  	s29 =	sshra.s32 s24, $0x2;
	s24 =	smov.u32 s27;
	v1 =	vmov v9;
	v5 =	vld [tilespmem:s28+$0x20];
	[tilespmem:s22+$0x1CE0 ss:$0x21] =	vst.msk $0xffff, v6  }
0x5a: {  	v2 =	vmov v7;
	v6 =	vld [tilespmem:s28+$0x30];
	[tilespmem:s22+$0x1EF0 ss:$0x21] =	vst.msk $0xffff, v8;
	s22 =	sadd.s32 s29, s21  }
0x5b: {  	v3 =	vmov v10;
	v9 =	vld [tilespmem:s28+$0x40];
	[tilespmem:s22+$0x1080 ss:$0x21] =	vst.msk $0xffff, v11  }
0x5c: {  	[tilespmem:s22+$0x0 ss:$0x21] =	vst.msk $0xffff, v12;
	v10 =	vld [tilespmem:s28+$0x50]  }
.Ltmp3:
0x5d: {  	[tilespmem:s22+$0x210 ss:$0x21] =	vst.msk $0xffff, v4;
	v8 =	vld [tilespmem:s28+$0x60];
	(pc) =	sbr.rel @p1 .LBB1_3-.Ltmp3, $4  }
0x5e: {  	[tilespmem:s22+$0x420 ss:$0x21] =	vst.msk $0xffff, v5;
	v7 =	vld [tilespmem:s28+$0x70]  }
0x5f: {  	[tilespmem:s22+$0x630 ss:$0x21] =	vst.msk $0xffff, v6;
	v4 =	vld.idx.msk [tilespmem:v0+s23+$0x440 ss:$0x1], $0xffff  }
0x60: {  	s26 =	sadd.s32 $0x80, s26;
	s25 =	sadd.s32 $0x100, s25;
	[tilespmem:s22+$0x840 ss:$0x21] =	vst.msk $0xffff, v9;
	v5 =	vld.idx.msk [tilespmem:v0+s23+$0x450 ss:$0x1], $0xffff  }
0x61: {  	s27 =	sadd.s32 $0x4, s27;
	s29 =	sand.u32 $0x380, s26;
	s28 =	sand.u32 $0x1800, s25;
	[tilespmem:s22+$0xA50 ss:$0x21] =	vst.msk $0xffff, v10;
	v6 =	vld.idx.msk [tilespmem:v0+s23+$0x460 ss:$0x1], $0xffff  }
0x62: {  	_ =	sdelay $0x3  }
0x63: {  	s25 =	sor.u32 s29, s28;
	v47 =	vld.idx.msk [tilespmem:v0+s23+$0x470 ss:$0x1], $0xffff  }
0x64: {  	[tilespmem:s22+$0xC60 ss:$0x21] =	vst.msk $0xffff, v8;
	v57 =	vld.idx.msk [tilespmem:v0+s25+$0x410 ss:$0x1], $0xffff  }
0x65: {  	[tilespmem:s22+$0x1290 ss:$0x21] =	vst.msk $0xffff, v1;
	v58 =	vld.idx.msk [tilespmem:v0+s25+$0x420 ss:$0x1], $0xffff  }
0x66: {  	[tilespmem:s22+$0x14A0 ss:$0x21] =	vst.msk $0xffff, v2;
	v59 =	vld.idx.msk [tilespmem:v0+s25+$0x430 ss:$0x1], $0xffff  }
0x67: {  	[tilespmem:s22+$0x16B0 ss:$0x21] =	vst.msk $0xffff, v3;
	v60 =	vld.idx.msk [tilespmem:v0+s25+$0x440 ss:$0x1], $0xffff  }
0x68: {  	s26 =	sand.u32 $0x80, s26;
	s27 =	sand.u32 $0x1B00, s25;
	[tilespmem:s22+$0xE70 ss:$0x21] =	vst.msk $0xffff, v7;
	v61 =	vld.idx.msk [tilespmem:v0+s25+$0x450 ss:$0x1], $0xffff  }
0x69: {  	s29 =	sshll.u32 s10, $0x3;
	s24 =	sshra.s32 s24, $0x2;
	v62 =	vld.idx.msk [tilespmem:v0+s25+$0x460 ss:$0x1], $0xffff;
	s20 =	sadd.s32 s27, s20;
	[tilespmem:s22+$0x18C0 ss:$0x21] =	vst.msk $0xffff, v4  }
0x6a: {  	p1 =	sgt.s32 s11, $0x19;
	s31 =	sand.u32 $0xFFFFFC00, s29;
	v63 =	vld.idx.msk [tilespmem:v0+s25+$0x470 ss:$0x1], $0xffff;
	s23 =	sadd.s32 s26, s20;
	[tilespmem:s22+$0x1AD0 ss:$0x21] =	vst.msk $0xffff, v5  }
0x6b: {  	p2 =	sgt.s32 s10, $0x60;
	s29 =	sshra.s32 s11, $0x1F;
	s25 =	smul.u32 $0x186A80, s11;
	v48 =	vld [tilespmem:s23+$0x400];
	[tilespmem:s22+$0x1CE0 ss:$0x21] =	vst.msk $0xffff, v6  }
0x6c: {  	s26 =	sshll.u32 s9, $0x7;
	s20 =	sadd.s32 s24, s21;
	s24 =	sand.u32 s29, s11;
	v49 =	vld [tilespmem:s23+$0x0];
	[tilespmem:s22+$0x1EF0 ss:$0x21] =	vst.msk $0xffff, v47  }
0x6d: {  	s29 =	sshra.s32 s9, $0x1F;
	v50 =	vld [tilespmem:s23+$0x10];
	s30 =	sand.u32 $0xFFFFFC00, s26;
	s28 =	sand.u32 $0x380, s26;
	[tilespmem:s20+$0x1290 ss:$0x21] =	vst.msk $0xffff, v57  }
0x6e: {  	v51 =	vld [tilespmem:s23+$0x20];
	s27 =	sadd.s32 s31, s30;
	s22 =	smov.u32 s11;
	s31 =	sshra.s32 s10, $0x1F;
	[tilespmem:s20+$0x14A0 ss:$0x21] =	vst.msk $0xffff, v58  }
0x6f: {  	v52 =	vld [tilespmem:s23+$0x30];
	s21 =	sor.u32 s28, s27;
	s22 =	simm.s32 @!p1 $0x19;
	s28 =	sand.u32 s31, s10;
	[tilespmem:s20+$0x16B0 ss:$0x21] =	vst.msk $0xffff, v59  }
0x70: {  	v53 =	vld [tilespmem:s23+$0x40];
	s27 =	smov.u32 s9;
	[tilespmem:s20+$0x18C0 ss:$0x21] =	vst.msk $0xffff, v60;
	s21 =	sshrl.u32 s21, $0x7;
	s22 =	ssub.s32 s22, s24  }
0x71: {  	v54 =	vld [tilespmem:s23+$0x50];
	[tilespmem:s20+$0x1AD0 ss:$0x21] =	vst.msk $0xffff, v61;
	s24 =	smov.u32 s10;
	s26 =	smulhi.u32 $0xA7C23D, s21;
	s30 =	sadd.s32 $0xFFFFFFE7, s22  }
0x72: {  	v55 =	vld [tilespmem:s23+$0x60];
	[tilespmem:s20+$0x1CE0 ss:$0x21] =	vst.msk $0xffff, v62;
	s24 =	simm.s32 @!p2 $0x60;
	p2 =	sgt.s32 s9, $0x185A8;
	s22 =	ssub.s32 $0x1A, s22  }
0x73: {  	v56 =	vld [tilespmem:s23+$0x70];
	[tilespmem:s20+$0x1EF0 ss:$0x21] =	vst.msk $0xffff, v63;
	p1 =	sgt.s32 s30, $0x0;
	s23 =	ssub.s32 s24, s28;
	s27 =	simm.s32 @!p2 $0x185A8  }
0x74: {  	[tilespmem:s20+$0x1080 ss:$0x21] =	vst.msk $0xffff, v48;
	s24 =	sand.u32 s29, s9;
	s28 =	sand.u32 $0x7, s10;
	s26 =	sshrl.u32 s26, $0x8  }
0x75: {  	[tilespmem:s20+$0x0 ss:$0x21] =	vst.msk $0xffff, v49;
	s24 =	ssub.s32 s27, s24;
	s30 =	sadd.s32 $0xFFFFFFA0, s23;
	s22 =	simm.s32 @p1 $0x0  }
0x76: {  	[tilespmem:s20+$0x210 ss:$0x21] =	vst.msk $0xffff, v50;
	s23 =	ssub.s32 $0x80, s23;
	s27 =	sshrl.u32 s10, $0x3;
	p1 =	sgt.s32 s30, $0x1F  }
0x77: {  	[tilespmem:s20+$0x420 ss:$0x21] =	vst.msk $0xffff, v51;
	s26 =	smul.u32 $0x186A8, s26;
	s31 =	sadd.s32 $0xFFFE7A58, s24;
	s23 =	simm.s32 @p1 $0x0  }
0x78: {  	[tilespmem:s20+$0x630 ss:$0x21] =	vst.msk $0xffff, v52;
	s24 =	ssub.s32 $0x186A8, s24;
	p1 =	sgt.s32 s31, $0xFF;
	s22 =	smul.u32 s22, s23  }
.Ltmp4:
0x79: {  	[tilespmem:s20+$0x840 ss:$0x21] =	vst.msk $0xffff, v53;
	s24 =	simm.s32 @p1 $0x0;
	s21 =	ssub.s32 s21, s26;
	(pc) =	sbr.rel .LBB1_5-.Ltmp4, $4  }
0x7a: {  	[tilespmem:s20+$0xA50 ss:$0x21] =	vst.msk $0xffff, v54;
	s23 =	sadd.s32 s5, s25;
	s22 =	smul.u32 s24, s22;
	s24 =	sand.u32 $0xF, s27  }
0x7b: {  	[tilespmem:s20+$0xC60 ss:$0x21] =	vst.msk $0xffff, v55;
	s29 =	sshll.u32 s28, $0x12;
	s21 =	sshll.u32 s21, $0x4;
	s23 =	sadd.s32 s24, s23  }
0x7c: {  	[tilespmem:s20+$0xE70 ss:$0x21] =	vst.msk $0xffff, v56;
	s31 =	sor.u32 $0x20, s29;
	s30 =	sand.u32 $0x3FFFFFFF, s22;
	s21 =	sadd.s32 s21, s23  }
0x7d: {  	[hbm4b:s21+s31] =	stream.strided.scatter [tilespmem:s19], [sflag:$0x2], s30, s8, s31, $0x10;
	[tilespmem:$0x8200] =	vst v63  }
.LBB1_6:
0x7e: {  	_ =	sfence.sel $0x180000  }
0x7f: {  	s2 =	simm.s32 $0x1;
	[bflag:$0x0] =	sbarrier.arrive $0xFFFF  }
0x80: {  	s31 =	simm.s32 $0x2;
	[sflag:s2] =	ssyncpa.u1 $0x1  }
0x81: {  	[sflag:s31] =	ssyncpa.u1 $0x1  }
0x82: {  	p0 =	sne.s32 s0, $0x0;
	_ =	strace $0x90000047  }
0x83: {  	s0 =	sadd.s32 @!p0 $0x100000, s1;
	[bflag:$0x2] =	sbarrier.arrive $0xFFFF  }
0x84: {  	[sflag:s0] =	ssyncadd.tile.s32 @!p0 $0x1;
	_ =	shalt  }
.Lfunc_end1:
_tile_overlayer_lowered:
.L_overlay_start_2:
0x85: {  	(tag) =	ssettag $0x2  }
0x86: {  	s0 =	rddreg [dreg:$0x0];
	s2 =	stileid.u32  }
0x87: {  	s1 =	rddreg [dreg:$0x1];
	p0 =	sne.s32 s2, $0x0  }
0x88: {  	s3 =	rddreg [dreg:$0x2];
	[bflag:$0x3] =	sbarrier.arrive $0xFFFF;
	s2 =	simm.s32 @!p0 $0x1C01  }
0x89: {  	[timem:s3], [sflag:s2] =	dma.local @!p0 [hbm:s0], s1  }
0x8a: {  	s0 =	simm.s32 @!p0 $0x1  }
0x8b: {  	_ =	swait.ge @!p0 [sflag:s0], s1  }
0x8c: {  	s1 =	ssub.s32 @!p0 $0x0, s1;
	[sflag:s0] =	ssyncset.done @!p0 $0x0  }
0x8d: {  	[sflag:s0] =	ssyncadd.s32 @!p0 s1  }
0x8e: {  	[bflag:$0x3] =	sbarrier.arrive $0xFFFF  }
0x8f: {  	_ =	shalt  }

</sc_bundles>
